<compile_context>
chip_gen: v7x
topology: tpu7x:2x2x1
jax: 0.10.2.dev20260603
libtpu: 0.0.44.dev20260713+nightly
codegen_flags: <defaults>
</compile_context>

<pallas_src>
import functools

import jax
import jax.numpy as jnp
import numpy as np
from jax import lax
from jax.experimental import pallas as pl
from jax.experimental.pallas import tpu as pltpu
from jax.experimental.pallas import tpu_sc as plsc

_MASK16 = 0xFFFF
_S16 = np.int32(16)
_NW = 32
_SUB = 128


def _mul64_limbs(a, s_lo, s_hi):
    a_lo = jnp.bitwise_and(a, _MASK16)
    a_hi = lax.shift_right_logical(a, _S16)
    p00 = a_lo * s_lo
    p01 = a_lo * s_hi
    p10 = a_hi * s_lo
    p11 = a_hi * s_hi
    p00_lo = jnp.bitwise_and(p00, _MASK16)
    p00_hi = lax.shift_right_logical(p00, _S16)
    t1 = p00_hi + jnp.bitwise_and(p01, _MASK16) + jnp.bitwise_and(p10, _MASK16)
    l1 = jnp.bitwise_and(t1, _MASK16)
    c1 = lax.shift_right_logical(t1, _S16)
    l2 = (lax.shift_right_logical(p01, _S16)
          + lax.shift_right_logical(p10, _S16) + p11 + c1)
    return p00_lo, l1, l2


@functools.lru_cache(maxsize=None)
def _make_sc_lookup(n_pos, table_size, slot_dim, n_tables):
    chunk = n_pos // _NW
    c16 = (1 << 16) % table_size
    c32 = (1 << 32) % table_size
    n_sub = chunk // _SUB
    mesh = plsc.VectorSubcoreMesh(core_axis_name="c", subcore_axis_name="s")

    @functools.partial(
        pl.kernel,
        mesh=mesh,
        out_type=jax.ShapeDtypeStruct((n_pos, n_tables * slot_dim),
                                      jnp.float32),
        scratch_types=[
            pltpu.VMEM((chunk,), jnp.int32),
            pltpu.VMEM((chunk,), jnp.int32),
            pltpu.VMEM((chunk,), jnp.int32),
            pltpu.VMEM((n_tables * 6 * 16,), jnp.int32),
            pltpu.VMEM((n_tables * chunk,), jnp.int32),
            pltpu.VMEM((2, chunk, slot_dim), jnp.float32),
            pltpu.SemaphoreType.DMA,
            pltpu.SemaphoreType.DMA,
        ],
        compiler_params=pltpu.CompilerParams(use_tc_tiling_on_sc=False),
    )
    def sc_lookup(i0_hbm, i1_hbm, i2_hbm, seeds_hbm, *rest):
        tabs = rest[:n_tables]
        out_hbm = rest[n_tables]
        i0_v, i1_v, i2_v, seeds_v, idx_v, rows_v, sem0, sem1 = rest[n_tables + 1:]
        wid = lax.axis_index("s") * np.int32(2) + lax.axis_index("c")
        base = wid * np.int32(chunk)
        pltpu.sync_copy(i0_hbm.at[pl.ds(base, chunk)], i0_v)
        pltpu.sync_copy(i1_hbm.at[pl.ds(base, chunk)], i1_v)
        pltpu.sync_copy(i2_hbm.at[pl.ds(base, chunk)], i2_v)
        pltpu.sync_copy(seeds_hbm, seeds_v)

        def t_body(_, t):
            sb = t * np.int32(96)
            s0lo = seeds_v[pl.ds(sb, 16)]
            s0hi = seeds_v[pl.ds(sb + np.int32(16), 16)]
            s1lo = seeds_v[pl.ds(sb + np.int32(32), 16)]
            s1hi = seeds_v[pl.ds(sb + np.int32(48), 16)]
            s2lo = seeds_v[pl.ds(sb + np.int32(64), 16)]
            s2hi = seeds_v[pl.ds(sb + np.int32(80), 16)]

            def v_body(_, off):
                a0 = i0_v[pl.ds(off, 16)]
                a1 = i1_v[pl.ds(off, 16)]
                a2 = i2_v[pl.ds(off, 16)]
                x0, x1, x2 = _mul64_limbs(a0, s0lo, s0hi)
                y0, y1, y2 = _mul64_limbs(a1, s1lo, s1hi)
                z0, z1, z2 = _mul64_limbs(a2, s2lo, s2hi)
                h0 = x0 ^ y0 ^ z0
                h1 = x1 ^ y1 ^ z1
                h2 = x2 ^ y2 ^ z2
                m2 = lax.rem(h2 * np.int32(c32), np.int32(table_size))
                idx = lax.rem(m2 + h1 * np.int32(c16) + h0,
                              np.int32(table_size))
                idx_v[pl.ds(t * np.int32(chunk) + off, 16)] = idx
                return off + np.int32(16)

            lax.fori_loop(0, chunk // 16, v_body, np.int32(0))
            return t + np.int32(1)

        lax.fori_loop(0, n_tables, t_body, np.int32(0))

        sems = (sem0, sem1)
        pend = [None, None]
        for t in range(n_tables):
            b = t & 1
            cps = []
            for j in range(n_sub):
                cps.append(pltpu.async_copy(
                    tabs[t].at[idx_v.at[pl.ds(np.int32(t * chunk + j * _SUB), _SUB)]],
                    rows_v.at[np.int32(b), pl.ds(np.int32(j * _SUB), _SUB)],
                    sems[b]))
            if t >= 1:
                pb = (t - 1) & 1
                for c in pend[pb]:
                    c.wait()
                pltpu.sync_copy(
                    rows_v.at[np.int32(pb)],
                    out_hbm.at[pl.ds(base, chunk),
                               pl.ds(np.int32((t - 1) * slot_dim), slot_dim)])
            pend[b] = cps
        lb = (n_tables - 1) & 1
        for c in pend[lb]:
            c.wait()
        pltpu.sync_copy(
            rows_v.at[np.int32(lb)],
            out_hbm.at[pl.ds(base, chunk),
                       pl.ds(np.int32((n_tables - 1) * slot_dim), slot_dim)])

    return sc_lookup


def kernel(canonical_ids, hash_seeds, tables):
    b, l = canonical_ids.shape
    n_tables = len(tables)
    table_size, slot_dim = tables[0].shape
    n_pos = b * l

    ids32 = canonical_ids.astype(jnp.int32)
    ext = jnp.concatenate([jnp.zeros((b, 2), jnp.int32), ids32], axis=1)
    i2 = ids32.reshape(-1)
    i1 = ext[:, 1:l + 1].reshape(-1)
    i0 = ext[:, 0:l].reshape(-1)

    hs = hash_seeds.astype(jnp.int32)
    zero_h = jnp.zeros((hs.shape[1],), jnp.int32)
    sa0 = jnp.concatenate([zero_h, hs[0]])
    sa1 = jnp.concatenate([hs[0], hs[1]])
    sa2 = jnp.concatenate([hs[1], hs[2]])
    per_t = jnp.stack([
        jnp.bitwise_and(sa0, _MASK16), lax.shift_right_logical(sa0, _S16),
        jnp.bitwise_and(sa1, _MASK16), lax.shift_right_logical(sa1, _S16),
        jnp.bitwise_and(sa2, _MASK16), lax.shift_right_logical(sa2, _S16),
    ], axis=1)
    seeds = jnp.broadcast_to(per_t[:, :, None],
                             (n_tables, 6, 16)).reshape(-1)

    fn = _make_sc_lookup(n_pos, table_size, slot_dim, n_tables)
    out = fn(i0, i1, i2, seeds, *tables)
    return out.reshape(b, l, n_tables * slot_dim)

# --- scband reference (transcript-rebuilt; emitter-appended) ---
"""Pipeline reference for scband-engram-embeddings-5179730559118 (READ-ONLY COPY).

The authoritative reference and input builder live on the scoring server;
editing this copy changes nothing except your own understanding.
"""

import jax, jax.numpy as jnp
import numpy as np
jax.config.update("jax_enable_x64", True)

N_GRAM_ORDERS = [2, 3]
NUM_HEADS = 8
EMBED_DIM = 1280
VOCAB = 100000
VOCAB_MULT = 5.0
NUM_TABLES = len(N_GRAM_ORDERS) * NUM_HEADS
SLOT_DIM = EMBED_DIM // NUM_TABLES  # 80
BATCH, SEQ = 4, 4096
MAX_N = max(N_GRAM_ORDERS)

def _is_prime(num):
    if num < 2:
        return False
    if num == 2:
        return True
    if num % 2 == 0:
        return False
    i = 3
    while i * i <= num:
        if num % i == 0:
            return False
        i += 2
    return True

def _nearest_prime(n):
    while not _is_prime(n):
        n += 1
    return n

TABLE_SIZE = _nearest_prime(max(1024, int(VOCAB * VOCAB_MULT) // NUM_TABLES))  # 31253


def setup_inputs() -> dict:
    rng = np.random.default_rng(0)
    canonical_ids = jnp.asarray(rng.integers(0, VOCAB, size=(BATCH, SEQ)), dtype=jnp.int64)
    hash_seeds = jnp.asarray(rng.integers(1, 2 ** 31, size=(MAX_N, NUM_HEADS)), dtype=jnp.int64)
    tables = tuple(
        jnp.asarray(0.02 * rng.standard_normal((TABLE_SIZE, SLOT_DIM)), dtype=jnp.float32)
        for _ in range(NUM_TABLES)
    )
    return {"canonical_ids": canonical_ids, "hash_seeds": hash_seeds, "tables": tables}


def _extract_ngrams(ids, n):
    # suffix n-grams per position; positions < n-1 padded with 0
    padded = jnp.pad(ids, ((0, 0), (n - 1, 0)), constant_values=0)
    L = ids.shape[1]
    win = jnp.arange(L)[:, None] + jnp.arange(n)[None, :]
    return padded[:, win]  # [B, L, n]


def reference(canonical_ids, hash_seeds, tables):
    outs = []
    t = 0
    for n in N_GRAM_ORDERS:
        ngrams = _extract_ngrams(canonical_ids, n)  # [B, L, n]
        for k in range(NUM_HEADS):
            seeds = hash_seeds[:n, k]  # [n]
            terms = ngrams * seeds  # int64 multiplicative hash terms
            h = terms[..., 0]
            if n > 1:
                h = jnp.bitwise_xor(h, terms[..., 1])
            if n > 2:
                h = jnp.bitwise_xor(h, terms[..., 2])
            idx = h % TABLE_SIZE
            outs.append(jnp.take(tables[t], idx, axis=0))  # [B, L, SLOT_DIM]
            t += 1
    return jnp.concatenate(outs, axis=-1)  # [B, L, EMBED_DIM]

if __name__ == "__main__":
    import jax
    _d = setup_inputs()
    print(jax.jit(kernel)(*tuple(_d.values())))

</pallas_src>

<mosaic_0001>
#map = affine_map<(d0, d1) -> (0)>
#map1 = affine_map<(d0, d1) -> (0, 0)>
module attributes {stable_mosaic.version = 14 : i64} {
  func.func @sc_lookup(%arg0: i32, %arg1: i32, %arg2: memref<16384xi32, #tpu.memory_space<hbm>>, %arg3: memref<16384xi32, #tpu.memory_space<hbm>>, %arg4: memref<16384xi32, #tpu.memory_space<hbm>>, %arg5: memref<1536xi32, #tpu.memory_space<hbm>>, %arg6: memref<31253x80xf32, #tpu.memory_space<hbm>>, %arg7: memref<31253x80xf32, #tpu.memory_space<hbm>>, %arg8: memref<31253x80xf32, #tpu.memory_space<hbm>>, %arg9: memref<31253x80xf32, #tpu.memory_space<hbm>>, %arg10: memref<31253x80xf32, #tpu.memory_space<hbm>>, %arg11: memref<31253x80xf32, #tpu.memory_space<hbm>>, %arg12: memref<31253x80xf32, #tpu.memory_space<hbm>>, %arg13: memref<31253x80xf32, #tpu.memory_space<hbm>>, %arg14: memref<31253x80xf32, #tpu.memory_space<hbm>>, %arg15: memref<31253x80xf32, #tpu.memory_space<hbm>>, %arg16: memref<31253x80xf32, #tpu.memory_space<hbm>>, %arg17: memref<31253x80xf32, #tpu.memory_space<hbm>>, %arg18: memref<31253x80xf32, #tpu.memory_space<hbm>>, %arg19: memref<31253x80xf32, #tpu.memory_space<hbm>>, %arg20: memref<31253x80xf32, #tpu.memory_space<hbm>>, %arg21: memref<31253x80xf32, #tpu.memory_space<hbm>>, %arg22: memref<16384x1280xf32, #tpu.memory_space<hbm>>, %arg23: memref<512xi32, #tpu.memory_space<vmem>>, %arg24: memref<512xi32, #tpu.memory_space<vmem>>, %arg25: memref<512xi32, #tpu.memory_space<vmem>>, %arg26: memref<1536xi32, #tpu.memory_space<vmem>>, %arg27: memref<8192xi32, #tpu.memory_space<vmem>>, %arg28: memref<2x512x80xf32, #tpu.memory_space<vmem>>, %arg29: memref<!tpu.dma_semaphore, #tpu.memory_space<semaphore_mem>>, %arg30: memref<!tpu.dma_semaphore, #tpu.memory_space<semaphore_mem>>) attributes {dimension_semantics = [#tpu.dimension_semantics<core_parallel>, #tpu.dimension_semantics<subcore_parallel>], iteration_bounds = array<i64: 2, 16>, scalar_prefetch = 0 : i64, scratch_operands = 8 : i64, tpu.core_type = #tpu.core_type<sc_vector_subcore>, window_params = [{transform_indices = #map}, {transform_indices = #map}, {transform_indices = #map}, {transform_indices = #map}, {transform_indices = #map1}, {transform_indices = #map1}, {transform_indices = #map1}, {transform_indices = #map1}, {transform_indices = #map1}, {transform_indices = #map1}, {transform_indices = #map1}, {transform_indices = #map1}, {transform_indices = #map1}, {transform_indices = #map1}, {transform_indices = #map1}, {transform_indices = #map1}, {transform_indices = #map1}, {transform_indices = #map1}, {transform_indices = #map1}, {transform_indices = #map1}, {transform_indices = #map1}]} {
    %mul3A = arith.constant 2 : i32
    %mul3A_0 = arith.muli %arg1, %mul3A : i32
    %add3A = arith.addi %mul3A_0, %arg0 : i32
    %mul3A_1 = arith.constant 512 : i32
    %mul3A_2 = arith.muli %add3A, %mul3A_1 : i32
    "tpu.region"() ({
      %run_scoped3A_1302 = tpu.sem_alloc : memref<!tpu.dma_semaphore, #tpu.memory_space<semaphore_mem>>
      %dma_start3A_1303 = tpu.memref_slice %arg2[%mul3A_2] : memref<16384xi32, #tpu.memory_space<hbm>> -> memref<512xi32, #tpu.memory_space<hbm>>
      %dma_start3A_1304 = tpu.memref_slice %arg2[%mul3A_2] : memref<16384xi32, #tpu.memory_space<hbm>> -> memref<512xi32, #tpu.memory_space<hbm>>
      tpu.enqueue_dma source(%dma_start3A_1304 : memref<512xi32, #tpu.memory_space<hbm>>) target(%arg23 : memref<512xi32, #tpu.memory_space<vmem>>) target_semaphore(%run_scoped3A_1302 : memref<!tpu.dma_semaphore, #tpu.memory_space<semaphore_mem>>)
      %dma_wait3A_1305 = tpu.memref_slice %arg2[%mul3A_2] : memref<16384xi32, #tpu.memory_space<hbm>> -> memref<512xi32, #tpu.memory_space<hbm>>
      %dma_wait3A_1306 = tpu.memref_slice %arg2[%mul3A_2] : memref<16384xi32, #tpu.memory_space<hbm>> -> memref<512xi32, #tpu.memory_space<hbm>>
      tpu.wait_dma2 semaphore(%run_scoped3A_1302 : memref<!tpu.dma_semaphore, #tpu.memory_space<semaphore_mem>>) src(%dma_wait3A_1306 : memref<512xi32, #tpu.memory_space<hbm>>) dst(%arg23 : memref<512xi32, #tpu.memory_space<vmem>>)
      tpu.yield
    }) : () -> ()
    "tpu.region"() ({
      %run_scoped3A_1302 = tpu.sem_alloc : memref<!tpu.dma_semaphore, #tpu.memory_space<semaphore_mem>>
      %dma_start3A_1303 = tpu.memref_slice %arg3[%mul3A_2] : memref<16384xi32, #tpu.memory_space<hbm>> -> memref<512xi32, #tpu.memory_space<hbm>>
      %dma_start3A_1304 = tpu.memref_slice %arg3[%mul3A_2] : memref<16384xi32, #tpu.memory_space<hbm>> -> memref<512xi32, #tpu.memory_space<hbm>>
      tpu.enqueue_dma source(%dma_start3A_1304 : memref<512xi32, #tpu.memory_space<hbm>>) target(%arg24 : memref<512xi32, #tpu.memory_space<vmem>>) target_semaphore(%run_scoped3A_1302 : memref<!tpu.dma_semaphore, #tpu.memory_space<semaphore_mem>>)
      %dma_wait3A_1305 = tpu.memref_slice %arg3[%mul3A_2] : memref<16384xi32, #tpu.memory_space<hbm>> -> memref<512xi32, #tpu.memory_space<hbm>>
      %dma_wait3A_1306 = tpu.memref_slice %arg3[%mul3A_2] : memref<16384xi32, #tpu.memory_space<hbm>> -> memref<512xi32, #tpu.memory_space<hbm>>
      tpu.wait_dma2 semaphore(%run_scoped3A_1302 : memref<!tpu.dma_semaphore, #tpu.memory_space<semaphore_mem>>) src(%dma_wait3A_1306 : memref<512xi32, #tpu.memory_space<hbm>>) dst(%arg24 : memref<512xi32, #tpu.memory_space<vmem>>)
      tpu.yield
    }) : () -> ()
    "tpu.region"() ({
      %run_scoped3A_1302 = tpu.sem_alloc : memref<!tpu.dma_semaphore, #tpu.memory_space<semaphore_mem>>
      %dma_start3A_1303 = tpu.memref_slice %arg4[%mul3A_2] : memref<16384xi32, #tpu.memory_space<hbm>> -> memref<512xi32, #tpu.memory_space<hbm>>
      %dma_start3A_1304 = tpu.memref_slice %arg4[%mul3A_2] : memref<16384xi32, #tpu.memory_space<hbm>> -> memref<512xi32, #tpu.memory_space<hbm>>
      tpu.enqueue_dma source(%dma_start3A_1304 : memref<512xi32, #tpu.memory_space<hbm>>) target(%arg25 : memref<512xi32, #tpu.memory_space<vmem>>) target_semaphore(%run_scoped3A_1302 : memref<!tpu.dma_semaphore, #tpu.memory_space<semaphore_mem>>)
      %dma_wait3A_1305 = tpu.memref_slice %arg4[%mul3A_2] : memref<16384xi32, #tpu.memory_space<hbm>> -> memref<512xi32, #tpu.memory_space<hbm>>
      %dma_wait3A_1306 = tpu.memref_slice %arg4[%mul3A_2] : memref<16384xi32, #tpu.memory_space<hbm>> -> memref<512xi32, #tpu.memory_space<hbm>>
      tpu.wait_dma2 semaphore(%run_scoped3A_1302 : memref<!tpu.dma_semaphore, #tpu.memory_space<semaphore_mem>>) src(%dma_wait3A_1306 : memref<512xi32, #tpu.memory_space<hbm>>) dst(%arg25 : memref<512xi32, #tpu.memory_space<vmem>>)
      tpu.yield
    }) : () -> ()
    "tpu.region"() ({
      %run_scoped3A_1302 = tpu.sem_alloc : memref<!tpu.dma_semaphore, #tpu.memory_space<semaphore_mem>>
      tpu.enqueue_dma source(%arg5 : memref<1536xi32, #tpu.memory_space<hbm>>) target(%arg26 : memref<1536xi32, #tpu.memory_space<vmem>>) target_semaphore(%run_scoped3A_1302 : memref<!tpu.dma_semaphore, #tpu.memory_space<semaphore_mem>>)
      tpu.wait_dma2 semaphore(%run_scoped3A_1302 : memref<!tpu.dma_semaphore, #tpu.memory_space<semaphore_mem>>) src(%arg5 : memref<1536xi32, #tpu.memory_space<hbm>>) dst(%arg26 : memref<1536xi32, #tpu.memory_space<vmem>>)
      tpu.yield
    }) : () -> ()
    %scan3A = arith.constant 0 : i32
    %scan3A_3 = arith.constant 0 : i32
    %scan3A_4 = arith.constant 16 : i32
    %scan3A_5 = arith.addi %scan3A_3, %scan3A_4 : i32
    %scan3A_6 = arith.constant 1 : i32
    %scan3A_7 = scf.for %scan3A_1302 = %scan3A_3 to %scan3A_5 step %scan3A_6 iter_args(%scan3A_1303 = %scan3A) -> (i32)  : i32 {
      %mul3A_1304 = arith.constant 96 : i32
      %mul3A_1305 = arith.muli %scan3A_1303, %mul3A_1304 : i32
      %get3A = arith.index_cast %mul3A_1305 : i32 to index
      %get3A_1306 = tpu.vector_load %arg26[%get3A] {strides = array<i32>} : memref<1536xi32, #tpu.memory_space<vmem>>, vector<16xi32>,
      %get3A_1307 = vector.shape_cast %get3A_1306 : vector<16xi32> to vector<16xi32>
      %add3A_1308 = arith.constant 16 : i32
      %add3A_1309 = arith.addi %mul3A_1305, %add3A_1308 : i32
      %get3A_1310 = arith.index_cast %add3A_1309 : i32 to index
      %get3A_1311 = tpu.vector_load %arg26[%get3A_1310] {strides = array<i32>} : memref<1536xi32, #tpu.memory_space<vmem>>, vector<16xi32>,
      %get3A_1312 = vector.shape_cast %get3A_1311 : vector<16xi32> to vector<16xi32>
      %add3A_1313 = arith.constant 32 : i32
      %add3A_1314 = arith.addi %mul3A_1305, %add3A_1313 : i32
      %get3A_1315 = arith.index_cast %add3A_1314 : i32 to index
      %get3A_1316 = tpu.vector_load %arg26[%get3A_1315] {strides = array<i32>} : memref<1536xi32, #tpu.memory_space<vmem>>, vector<16xi32>,
      %get3A_1317 = vector.shape_cast %get3A_1316 : vector<16xi32> to vector<16xi32>
      %add3A_1318 = arith.constant 48 : i32
      %add3A_1319 = arith.addi %mul3A_1305, %add3A_1318 : i32
      %get3A_1320 = arith.index_cast %add3A_1319 : i32 to index
      %get3A_1321 = tpu.vector_load %arg26[%get3A_1320] {strides = array<i32>} : memref<1536xi32, #tpu.memory_space<vmem>>, vector<16xi32>,
      %get3A_1322 = vector.shape_cast %get3A_1321 : vector<16xi32> to vector<16xi32>
      %add3A_1323 = arith.constant 64 : i32
      %add3A_1324 = arith.addi %mul3A_1305, %add3A_1323 : i32
      %get3A_1325 = arith.index_cast %add3A_1324 : i32 to index
      %get3A_1326 = tpu.vector_load %arg26[%get3A_1325] {strides = array<i32>} : memref<1536xi32, #tpu.memory_space<vmem>>, vector<16xi32>,
      %get3A_1327 = vector.shape_cast %get3A_1326 : vector<16xi32> to vector<16xi32>
      %add3A_1328 = arith.constant 80 : i32
      %add3A_1329 = arith.addi %mul3A_1305, %add3A_1328 : i32
      %get3A_1330 = arith.index_cast %add3A_1329 : i32 to index
      %get3A_1331 = tpu.vector_load %arg26[%get3A_1330] {strides = array<i32>} : memref<1536xi32, #tpu.memory_space<vmem>>, vector<16xi32>,
      %get3A_1332 = vector.shape_cast %get3A_1331 : vector<16xi32> to vector<16xi32>
      %scan3A_1333 = arith.constant 0 : i32
      %scan3A_1334 = arith.constant 0 : i32
      %scan3A_1335 = arith.constant 32 : i32
      %scan3A_1336 = arith.addi %scan3A_1334, %scan3A_1335 : i32
      %scan3A_1337 = arith.constant 1 : i32
      %scan3A_1338 = scf.for %scan3A_1342 = %scan3A_1334 to %scan3A_1336 step %scan3A_1337 iter_args(%scan3A_1343 = %scan3A_1333) -> (i32)  : i32 {
        %get3A_1344 = arith.index_cast %scan3A_1343 : i32 to index
        %get3A_1345 = tpu.vector_load %arg23[%get3A_1344] {strides = array<i32>} : memref<512xi32, #tpu.memory_space<vmem>>, vector<16xi32>,
        %get3A_1346 = vector.shape_cast %get3A_1345 : vector<16xi32> to vector<16xi32>
        %get3A_1347 = arith.index_cast %scan3A_1343 : i32 to index
        %get3A_1348 = tpu.vector_load %arg24[%get3A_1347] {strides = array<i32>} : memref<512xi32, #tpu.memory_space<vmem>>, vector<16xi32>,
        %get3A_1349 = vector.shape_cast %get3A_1348 : vector<16xi32> to vector<16xi32>
        %get3A_1350 = arith.index_cast %scan3A_1343 : i32 to index
        %get3A_1351 = tpu.vector_load %arg25[%get3A_1350] {strides = array<i32>} : memref<512xi32, #tpu.memory_space<vmem>>, vector<16xi32>,
        %get3A_1352 = vector.shape_cast %get3A_1351 : vector<16xi32> to vector<16xi32>
        %and3A = arith.constant 65535 : i32
        %and3A_1353 = vector.broadcast %and3A : i32 to vector<16xi32>
        %and3A_1354 = arith.andi %get3A_1346, %and3A_1353 : vector<16xi32>
        %shift_right_logical3A = arith.constant 16 : i32
        %shift_right_logical3A_1355 = vector.broadcast %shift_right_logical3A : i32 to vector<16xi32>
        %shift_right_logical3A_1356 = arith.shrui %get3A_1346, %shift_right_logical3A_1355 : vector<16xi32>
        %mul3A_1357 = arith.muli %and3A_1354, %get3A_1307 : vector<16xi32>
        %mul3A_1358 = arith.muli %and3A_1354, %get3A_1312 : vector<16xi32>
        %mul3A_1359 = arith.muli %shift_right_logical3A_1356, %get3A_1307 : vector<16xi32>
        %mul3A_1360 = arith.muli %shift_right_logical3A_1356, %get3A_1312 : vector<16xi32>
        %and3A_1361 = arith.constant 65535 : i32
        %and3A_1362 = vector.broadcast %and3A_1361 : i32 to vector<16xi32>
        %and3A_1363 = arith.andi %mul3A_1357, %and3A_1362 : vector<16xi32>
        %shift_right_logical3A_1364 = arith.constant 16 : i32
        %shift_right_logical3A_1365 = vector.broadcast %shift_right_logical3A_1364 : i32 to vector<16xi32>
        %shift_right_logical3A_1366 = arith.shrui %mul3A_1357, %shift_right_logical3A_1365 : vector<16xi32>
        %and3A_1367 = arith.constant 65535 : i32
        %and3A_1368 = vector.broadcast %and3A_1367 : i32 to vector<16xi32>
        %and3A_1369 = arith.andi %mul3A_1358, %and3A_1368 : vector<16xi32>
        %add3A_1370 = arith.addi %shift_right_logical3A_1366, %and3A_1369 : vector<16xi32>
        %and3A_1371 = arith.constant 65535 : i32
        %and3A_1372 = vector.broadcast %and3A_1371 : i32 to vector<16xi32>
        %and3A_1373 = arith.andi %mul3A_1359, %and3A_1372 : vector<16xi32>
        %add3A_1374 = arith.addi %add3A_1370, %and3A_1373 : vector<16xi32>
        %and3A_1375 = arith.constant 65535 : i32
        %and3A_1376 = vector.broadcast %and3A_1375 : i32 to vector<16xi32>
        %and3A_1377 = arith.andi %add3A_1374, %and3A_1376 : vector<16xi32>
        %shift_right_logical3A_1378 = arith.constant 16 : i32
        %shift_right_logical3A_1379 = vector.broadcast %shift_right_logical3A_1378 : i32 to vector<16xi32>
        %shift_right_logical3A_1380 = arith.shrui %add3A_1374, %shift_right_logical3A_1379 : vector<16xi32>
        %shift_right_logical3A_1381 = arith.constant 16 : i32
        %shift_right_logical3A_1382 = vector.broadcast %shift_right_logical3A_1381 : i32 to vector<16xi32>
        %shift_right_logical3A_1383 = arith.shrui %mul3A_1358, %shift_right_logical3A_1382 : vector<16xi32>
        %shift_right_logical3A_1384 = arith.constant 16 : i32
        %shift_right_logical3A_1385 = vector.broadcast %shift_right_logical3A_1384 : i32 to vector<16xi32>
        %shift_right_logical3A_1386 = arith.shrui %mul3A_1359, %shift_right_logical3A_1385 : vector<16xi32>
        %add3A_1387 = arith.addi %shift_right_logical3A_1383, %shift_right_logical3A_1386 : vector<16xi32>
        %add3A_1388 = arith.addi %add3A_1387, %mul3A_1360 : vector<16xi32>
        %add3A_1389 = arith.addi %add3A_1388, %shift_right_logical3A_1380 : vector<16xi32>
        %and3A_1390 = arith.constant 65535 : i32
        %and3A_1391 = vector.broadcast %and3A_1390 : i32 to vector<16xi32>
        %and3A_1392 = arith.andi %get3A_1349, %and3A_1391 : vector<16xi32>
        %shift_right_logical3A_1393 = arith.constant 16 : i32
        %shift_right_logical3A_1394 = vector.broadcast %shift_right_logical3A_1393 : i32 to vector<16xi32>
        %shift_right_logical3A_1395 = arith.shrui %get3A_1349, %shift_right_logical3A_1394 : vector<16xi32>
        %mul3A_1396 = arith.muli %and3A_1392, %get3A_1317 : vector<16xi32>
        %mul3A_1397 = arith.muli %and3A_1392, %get3A_1322 : vector<16xi32>
        %mul3A_1398 = arith.muli %shift_right_logical3A_1395, %get3A_1317 : vector<16xi32>
        %mul3A_1399 = arith.muli %shift_right_logical3A_1395, %get3A_1322 : vector<16xi32>
        %and3A_1400 = arith.constant 65535 : i32
        %and3A_1401 = vector.broadcast %and3A_1400 : i32 to vector<16xi32>
        %and3A_1402 = arith.andi %mul3A_1396, %and3A_1401 : vector<16xi32>
        %shift_right_logical3A_1403 = arith.constant 16 : i32
        %shift_right_logical3A_1404 = vector.broadcast %shift_right_logical3A_1403 : i32 to vector<16xi32>
        %shift_right_logical3A_1405 = arith.shrui %mul3A_1396, %shift_right_logical3A_1404 : vector<16xi32>
        %and3A_1406 = arith.constant 65535 : i32
        %and3A_1407 = vector.broadcast %and3A_1406 : i32 to vector<16xi32>
        %and3A_1408 = arith.andi %mul3A_1397, %and3A_1407 : vector<16xi32>
        %add3A_1409 = arith.addi %shift_right_logical3A_1405, %and3A_1408 : vector<16xi32>
        %and3A_1410 = arith.constant 65535 : i32
        %and3A_1411 = vector.broadcast %and3A_1410 : i32 to vector<16xi32>
        %and3A_1412 = arith.andi %mul3A_1398, %and3A_1411 : vector<16xi32>
        %add3A_1413 = arith.addi %add3A_1409, %and3A_1412 : vector<16xi32>
        %and3A_1414 = arith.constant 65535 : i32
        %and3A_1415 = vector.broadcast %and3A_1414 : i32 to vector<16xi32>
        %and3A_1416 = arith.andi %add3A_1413, %and3A_1415 : vector<16xi32>
        %shift_right_logical3A_1417 = arith.constant 16 : i32
        %shift_right_logical3A_1418 = vector.broadcast %shift_right_logical3A_1417 : i32 to vector<16xi32>
        %shift_right_logical3A_1419 = arith.shrui %add3A_1413, %shift_right_logical3A_1418 : vector<16xi32>
        %shift_right_logical3A_1420 = arith.constant 16 : i32
        %shift_right_logical3A_1421 = vector.broadcast %shift_right_logical3A_1420 : i32 to vector<16xi32>
        %shift_right_logical3A_1422 = arith.shrui %mul3A_1397, %shift_right_logical3A_1421 : vector<16xi32>
        %shift_right_logical3A_1423 = arith.constant 16 : i32
        %shift_right_logical3A_1424 = vector.broadcast %shift_right_logical3A_1423 : i32 to vector<16xi32>
        %shift_right_logical3A_1425 = arith.shrui %mul3A_1398, %shift_right_logical3A_1424 : vector<16xi32>
        %add3A_1426 = arith.addi %shift_right_logical3A_1422, %shift_right_logical3A_1425 : vector<16xi32>
        %add3A_1427 = arith.addi %add3A_1426, %mul3A_1399 : vector<16xi32>
        %add3A_1428 = arith.addi %add3A_1427, %shift_right_logical3A_1419 : vector<16xi32>
        %and3A_1429 = arith.constant 65535 : i32
        %and3A_1430 = vector.broadcast %and3A_1429 : i32 to vector<16xi32>
        %and3A_1431 = arith.andi %get3A_1352, %and3A_1430 : vector<16xi32>
        %shift_right_logical3A_1432 = arith.constant 16 : i32
        %shift_right_logical3A_1433 = vector.broadcast %shift_right_logical3A_1432 : i32 to vector<16xi32>
        %shift_right_logical3A_1434 = arith.shrui %get3A_1352, %shift_right_logical3A_1433 : vector<16xi32>
        %mul3A_1435 = arith.muli %and3A_1431, %get3A_1327 : vector<16xi32>
        %mul3A_1436 = arith.muli %and3A_1431, %get3A_1332 : vector<16xi32>
        %mul3A_1437 = arith.muli %shift_right_logical3A_1434, %get3A_1327 : vector<16xi32>
        %mul3A_1438 = arith.muli %shift_right_logical3A_1434, %get3A_1332 : vector<16xi32>
        %and3A_1439 = arith.constant 65535 : i32
        %and3A_1440 = vector.broadcast %and3A_1439 : i32 to vector<16xi32>
        %and3A_1441 = arith.andi %mul3A_1435, %and3A_1440 : vector<16xi32>
        %shift_right_logical3A_1442 = arith.constant 16 : i32
        %shift_right_logical3A_1443 = vector.broadcast %shift_right_logical3A_1442 : i32 to vector<16xi32>
        %shift_right_logical3A_1444 = arith.shrui %mul3A_1435, %shift_right_logical3A_1443 : vector<16xi32>
        %and3A_1445 = arith.constant 65535 : i32
        %and3A_1446 = vector.broadcast %and3A_1445 : i32 to vector<16xi32>
        %and3A_1447 = arith.andi %mul3A_1436, %and3A_1446 : vector<16xi32>
        %add3A_1448 = arith.addi %shift_right_logical3A_1444, %and3A_1447 : vector<16xi32>
        %and3A_1449 = arith.constant 65535 : i32
        %and3A_1450 = vector.broadcast %and3A_1449 : i32 to vector<16xi32>
        %and3A_1451 = arith.andi %mul3A_1437, %and3A_1450 : vector<16xi32>
        %add3A_1452 = arith.addi %add3A_1448, %and3A_1451 : vector<16xi32>
        %and3A_1453 = arith.constant 65535 : i32
        %and3A_1454 = vector.broadcast %and3A_1453 : i32 to vector<16xi32>
        %and3A_1455 = arith.andi %add3A_1452, %and3A_1454 : vector<16xi32>
        %shift_right_logical3A_1456 = arith.constant 16 : i32
        %shift_right_logical3A_1457 = vector.broadcast %shift_right_logical3A_1456 : i32 to vector<16xi32>
        %shift_right_logical3A_1458 = arith.shrui %add3A_1452, %shift_right_logical3A_1457 : vector<16xi32>
        %shift_right_logical3A_1459 = arith.constant 16 : i32
        %shift_right_logical3A_1460 = vector.broadcast %shift_right_logical3A_1459 : i32 to vector<16xi32>
        %shift_right_logical3A_1461 = arith.shrui %mul3A_1436, %shift_right_logical3A_1460 : vector<16xi32>
        %shift_right_logical3A_1462 = arith.constant 16 : i32
        %shift_right_logical3A_1463 = vector.broadcast %shift_right_logical3A_1462 : i32 to vector<16xi32>
        %shift_right_logical3A_1464 = arith.shrui %mul3A_1437, %shift_right_logical3A_1463 : vector<16xi32>
        %add3A_1465 = arith.addi %shift_right_logical3A_1461, %shift_right_logical3A_1464 : vector<16xi32>
        %add3A_1466 = arith.addi %add3A_1465, %mul3A_1438 : vector<16xi32>
        %add3A_1467 = arith.addi %add3A_1466, %shift_right_logical3A_1458 : vector<16xi32>
        %xor3A = arith.xori %and3A_1363, %and3A_1402 : vector<16xi32>
        %xor3A_1468 = arith.xori %xor3A, %and3A_1441 : vector<16xi32>
        %xor3A_1469 = arith.xori %and3A_1377, %and3A_1416 : vector<16xi32>
        %xor3A_1470 = arith.xori %xor3A_1469, %and3A_1455 : vector<16xi32>
        %xor3A_1471 = arith.xori %add3A_1389, %add3A_1428 : vector<16xi32>
        %xor3A_1472 = arith.xori %xor3A_1471, %add3A_1467 : vector<16xi32>
        %mul3A_1473 = arith.constant 23771 : i32
        %mul3A_1474 = vector.broadcast %mul3A_1473 : i32 to vector<16xi32>
        %mul3A_1475 = arith.muli %xor3A_1472, %mul3A_1474 : vector<16xi32>
        %rem3A = arith.constant 31253 : i32
        %rem3A_1476 = vector.broadcast %rem3A : i32 to vector<16xi32>
        %rem3A_1477 = arith.remsi %mul3A_1475, %rem3A_1476 : vector<16xi32>
        %mul3A_1478 = arith.constant 3030 : i32
        %mul3A_1479 = vector.broadcast %mul3A_1478 : i32 to vector<16xi32>
        %mul3A_1480 = arith.muli %xor3A_1470, %mul3A_1479 : vector<16xi32>
        %add3A_1481 = arith.addi %rem3A_1477, %mul3A_1480 : vector<16xi32>
        %add3A_1482 = arith.addi %add3A_1481, %xor3A_1468 : vector<16xi32>
        %rem3A_1483 = arith.constant 31253 : i32
        %rem3A_1484 = vector.broadcast %rem3A_1483 : i32 to vector<16xi32>
        %rem3A_1485 = arith.remsi %add3A_1482, %rem3A_1484 : vector<16xi32>
        %mul3A_1486 = arith.constant 512 : i32
        %mul3A_1487 = arith.muli %scan3A_1303, %mul3A_1486 : i32
        %add3A_1488 = arith.addi %mul3A_1487, %scan3A_1343 : i32
        %swap3A = arith.index_cast %add3A_1488 : i32 to index
        %swap3A_1489 = tpu.vector_load %arg27[%swap3A] {strides = array<i32>} : memref<8192xi32, #tpu.memory_space<vmem>>, vector<16xi32>,
        %swap3A_1490 = vector.shape_cast %swap3A_1489 : vector<16xi32> to vector<16xi32>
        %swap3A_1491 = vector.shape_cast %rem3A_1485 : vector<16xi32> to vector<16xi32>
        tpu.vector_store %arg27[%swap3A], %swap3A_1491 {strides = array<i32>} : memref<8192xi32, #tpu.memory_space<vmem>>, vector<16xi32>,
        %add3A_1492 = arith.constant 16 : i32
        %add3A_1493 = arith.addi %scan3A_1343, %add3A_1492 : i32
        scf.yield %add3A_1493 : i32
      }
      %scan3A_1339 = arith.constant 32 : i32
      %add3A_1340 = arith.constant 1 : i32
      %add3A_1341 = arith.addi %scan3A_1303, %add3A_1340 : i32
      scf.yield %add3A_1341 : i32
    }
    %scan3A_8 = arith.constant 16 : i32
    %dma_start3A = arith.constant 0 : i32
    %dma_start3A_9 = arith.constant 0 : i32
    %dma_start3A_10 = arith.constant 0 : i32
    %dma_start3A_11 = tpu.memref_slice %arg28[%dma_start3A, %dma_start3A_9, %dma_start3A_10] : memref<2x512x80xf32, #tpu.memory_space<vmem>> -> memref<1x128x80xf32, #tpu.memory_space<vmem>>
    %dma_start3A_12 = tpu.memref_squeeze %dma_start3A_11 : memref<1x128x80xf32, #tpu.memory_space<vmem>> -> memref<128x80xf32, #tpu.memory_space<vmem>>
    %dma_start3A_13 = arith.constant 0 : i32
    %dma_start3A_14 = tpu.memref_slice %arg27[%dma_start3A_13] : memref<8192xi32, #tpu.memory_space<vmem>> -> memref<128xi32, #tpu.memory_space<vmem>>
    %dma_start3A_15 = arith.constant 0 : i32
    %dma_start3A_16 = arith.constant 0 : i32
    %dma_start3A_17 = tpu.memref_slice %arg6[%dma_start3A_15, %dma_start3A_16] : memref<31253x80xf32, #tpu.memory_space<hbm>> -> memref<31253x80xf32, #tpu.memory_space<hbm>>
    tpu.enqueue_indirect_dma source(%dma_start3A_17 : memref<31253x80xf32, #tpu.memory_space<hbm>>) target(%dma_start3A_12 : memref<128x80xf32, #tpu.memory_space<vmem>>) offsets(%dma_start3A_14 : memref<128xi32, #tpu.memory_space<vmem>>) semaphore(%arg29 : memref<!tpu.dma_semaphore, #tpu.memory_space<semaphore_mem>>)
    %dma_start3A_18 = arith.constant 0 : i32
    %dma_start3A_19 = arith.constant 128 : i32
    %dma_start3A_20 = arith.constant 0 : i32
    %dma_start3A_21 = tpu.memref_slice %arg28[%dma_start3A_18, %dma_start3A_19, %dma_start3A_20] : memref<2x512x80xf32, #tpu.memory_space<vmem>> -> memref<1x128x80xf32, #tpu.memory_space<vmem>>
    %dma_start3A_22 = tpu.memref_squeeze %dma_start3A_21 : memref<1x128x80xf32, #tpu.memory_space<vmem>> -> memref<128x80xf32, #tpu.memory_space<vmem>>
    %dma_start3A_23 = arith.constant 128 : i32
    %dma_start3A_24 = tpu.memref_slice %arg27[%dma_start3A_23] : memref<8192xi32, #tpu.memory_space<vmem>> -> memref<128xi32, #tpu.memory_space<vmem>>
    %dma_start3A_25 = arith.constant 0 : i32
    %dma_start3A_26 = arith.constant 0 : i32
    %dma_start3A_27 = tpu.memref_slice %arg6[%dma_start3A_25, %dma_start3A_26] : memref<31253x80xf32, #tpu.memory_space<hbm>> -> memref<31253x80xf32, #tpu.memory_space<hbm>>
    tpu.enqueue_indirect_dma source(%dma_start3A_27 : memref<31253x80xf32, #tpu.memory_space<hbm>>) target(%dma_start3A_22 : memref<128x80xf32, #tpu.memory_space<vmem>>) offsets(%dma_start3A_24 : memref<128xi32, #tpu.memory_space<vmem>>) semaphore(%arg29 : memref<!tpu.dma_semaphore, #tpu.memory_space<semaphore_mem>>)
    %dma_start3A_28 = arith.constant 0 : i32
    %dma_start3A_29 = arith.constant 256 : i32
    %dma_start3A_30 = arith.constant 0 : i32
    %dma_start3A_31 = tpu.memref_slice %arg28[%dma_start3A_28, %dma_start3A_29, %dma_start3A_30] : memref<2x512x80xf32, #tpu.memory_space<vmem>> -> memref<1x128x80xf32, #tpu.memory_space<vmem>>
    %dma_start3A_32 = tpu.memref_squeeze %dma_start3A_31 : memref<1x128x80xf32, #tpu.memory_space<vmem>> -> memref<128x80xf32, #tpu.memory_space<vmem>>
    %dma_start3A_33 = arith.constant 256 : i32
    %dma_start3A_34 = tpu.memref_slice %arg27[%dma_start3A_33] : memref<8192xi32, #tpu.memory_space<vmem>> -> memref<128xi32, #tpu.memory_space<vmem>>
    %dma_start3A_35 = arith.constant 0 : i32
    %dma_start3A_36 = arith.constant 0 : i32
    %dma_start3A_37 = tpu.memref_slice %arg6[%dma_start3A_35, %dma_start3A_36] : memref<31253x80xf32, #tpu.memory_space<hbm>> -> memref<31253x80xf32, #tpu.memory_space<hbm>>
    tpu.enqueue_indirect_dma source(%dma_start3A_37 : memref<31253x80xf32, #tpu.memory_space<hbm>>) target(%dma_start3A_32 : memref<128x80xf32, #tpu.memory_space<vmem>>) offsets(%dma_start3A_34 : memref<128xi32, #tpu.memory_space<vmem>>) semaphore(%arg29 : memref<!tpu.dma_semaphore, #tpu.memory_space<semaphore_mem>>)
    %dma_start3A_38 = arith.constant 0 : i32
    %dma_start3A_39 = arith.constant 384 : i32
    %dma_start3A_40 = arith.constant 0 : i32
    %dma_start3A_41 = tpu.memref_slice %arg28[%dma_start3A_38, %dma_start3A_39, %dma_start3A_40] : memref<2x512x80xf32, #tpu.memory_space<vmem>> -> memref<1x128x80xf32, #tpu.memory_space<vmem>>
    %dma_start3A_42 = tpu.memref_squeeze %dma_start3A_41 : memref<1x128x80xf32, #tpu.memory_space<vmem>> -> memref<128x80xf32, #tpu.memory_space<vmem>>
    %dma_start3A_43 = arith.constant 384 : i32
    %dma_start3A_44 = tpu.memref_slice %arg27[%dma_start3A_43] : memref<8192xi32, #tpu.memory_space<vmem>> -> memref<128xi32, #tpu.memory_space<vmem>>
    %dma_start3A_45 = arith.constant 0 : i32
    %dma_start3A_46 = arith.constant 0 : i32
    %dma_start3A_47 = tpu.memref_slice %arg6[%dma_start3A_45, %dma_start3A_46] : memref<31253x80xf32, #tpu.memory_space<hbm>> -> memref<31253x80xf32, #tpu.memory_space<hbm>>
    tpu.enqueue_indirect_dma source(%dma_start3A_47 : memref<31253x80xf32, #tpu.memory_space<hbm>>) target(%dma_start3A_42 : memref<128x80xf32, #tpu.memory_space<vmem>>) offsets(%dma_start3A_44 : memref<128xi32, #tpu.memory_space<vmem>>) semaphore(%arg29 : memref<!tpu.dma_semaphore, #tpu.memory_space<semaphore_mem>>)
    %dma_start3A_48 = arith.constant 1 : i32
    %dma_start3A_49 = arith.constant 0 : i32
    %dma_start3A_50 = arith.constant 0 : i32
    %dma_start3A_51 = tpu.memref_slice %arg28[%dma_start3A_48, %dma_start3A_49, %dma_start3A_50] : memref<2x512x80xf32, #tpu.memory_space<vmem>> -> memref<1x128x80xf32, #tpu.memory_space<vmem>>
    %dma_start3A_52 = tpu.memref_squeeze %dma_start3A_51 : memref<1x128x80xf32, #tpu.memory_space<vmem>> -> memref<128x80xf32, #tpu.memory_space<vmem>>
    %dma_start3A_53 = arith.constant 512 : i32
    %dma_start3A_54 = tpu.memref_slice %arg27[%dma_start3A_53] : memref<8192xi32, #tpu.memory_space<vmem>> -> memref<128xi32, #tpu.memory_space<vmem>>
    %dma_start3A_55 = arith.constant 0 : i32
    %dma_start3A_56 = arith.constant 0 : i32
    %dma_start3A_57 = tpu.memref_slice %arg7[%dma_start3A_55, %dma_start3A_56] : memref<31253x80xf32, #tpu.memory_space<hbm>> -> memref<31253x80xf32, #tpu.memory_space<hbm>>
    tpu.enqueue_indirect_dma source(%dma_start3A_57 : memref<31253x80xf32, #tpu.memory_space<hbm>>) target(%dma_start3A_52 : memref<128x80xf32, #tpu.memory_space<vmem>>) offsets(%dma_start3A_54 : memref<128xi32, #tpu.memory_space<vmem>>) semaphore(%arg30 : memref<!tpu.dma_semaphore, #tpu.memory_space<semaphore_mem>>)
    %dma_start3A_58 = arith.constant 1 : i32
    %dma_start3A_59 = arith.constant 128 : i32
    %dma_start3A_60 = arith.constant 0 : i32
    %dma_start3A_61 = tpu.memref_slice %arg28[%dma_start3A_58, %dma_start3A_59, %dma_start3A_60] : memref<2x512x80xf32, #tpu.memory_space<vmem>> -> memref<1x128x80xf32, #tpu.memory_space<vmem>>
    %dma_start3A_62 = tpu.memref_squeeze %dma_start3A_61 : memref<1x128x80xf32, #tpu.memory_space<vmem>> -> memref<128x80xf32, #tpu.memory_space<vmem>>
    %dma_start3A_63 = arith.constant 640 : i32
    %dma_start3A_64 = tpu.memref_slice %arg27[%dma_start3A_63] : memref<8192xi32, #tpu.memory_space<vmem>> -> memref<128xi32, #tpu.memory_space<vmem>>
    %dma_start3A_65 = arith.constant 0 : i32
    %dma_start3A_66 = arith.constant 0 : i32
    %dma_start3A_67 = tpu.memref_slice %arg7[%dma_start3A_65, %dma_start3A_66] : memref<31253x80xf32, #tpu.memory_space<hbm>> -> memref<31253x80xf32, #tpu.memory_space<hbm>>
    tpu.enqueue_indirect_dma source(%dma_start3A_67 : memref<31253x80xf32, #tpu.memory_space<hbm>>) target(%dma_start3A_62 : memref<128x80xf32, #tpu.memory_space<vmem>>) offsets(%dma_start3A_64 : memref<128xi32, #tpu.memory_space<vmem>>) semaphore(%arg30 : memref<!tpu.dma_semaphore, #tpu.memory_space<semaphore_mem>>)
    %dma_start3A_68 = arith.constant 1 : i32
    %dma_start3A_69 = arith.constant 256 : i32
    %dma_start3A_70 = arith.constant 0 : i32
    %dma_start3A_71 = tpu.memref_slice %arg28[%dma_start3A_68, %dma_start3A_69, %dma_start3A_70] : memref<2x512x80xf32, #tpu.memory_space<vmem>> -> memref<1x128x80xf32, #tpu.memory_space<vmem>>
    %dma_start3A_72 = tpu.memref_squeeze %dma_start3A_71 : memref<1x128x80xf32, #tpu.memory_space<vmem>> -> memref<128x80xf32, #tpu.memory_space<vmem>>
    %dma_start3A_73 = arith.constant 768 : i32
    %dma_start3A_74 = tpu.memref_slice %arg27[%dma_start3A_73] : memref<8192xi32, #tpu.memory_space<vmem>> -> memref<128xi32, #tpu.memory_space<vmem>>
    %dma_start3A_75 = arith.constant 0 : i32
    %dma_start3A_76 = arith.constant 0 : i32
    %dma_start3A_77 = tpu.memref_slice %arg7[%dma_start3A_75, %dma_start3A_76] : memref<31253x80xf32, #tpu.memory_space<hbm>> -> memref<31253x80xf32, #tpu.memory_space<hbm>>
    tpu.enqueue_indirect_dma source(%dma_start3A_77 : memref<31253x80xf32, #tpu.memory_space<hbm>>) target(%dma_start3A_72 : memref<128x80xf32, #tpu.memory_space<vmem>>) offsets(%dma_start3A_74 : memref<128xi32, #tpu.memory_space<vmem>>) semaphore(%arg30 : memref<!tpu.dma_semaphore, #tpu.memory_space<semaphore_mem>>)
    %dma_start3A_78 = arith.constant 1 : i32
    %dma_start3A_79 = arith.constant 384 : i32
    %dma_start3A_80 = arith.constant 0 : i32
    %dma_start3A_81 = tpu.memref_slice %arg28[%dma_start3A_78, %dma_start3A_79, %dma_start3A_80] : memref<2x512x80xf32, #tpu.memory_space<vmem>> -> memref<1x128x80xf32, #tpu.memory_space<vmem>>
    %dma_start3A_82 = tpu.memref_squeeze %dma_start3A_81 : memref<1x128x80xf32, #tpu.memory_space<vmem>> -> memref<128x80xf32, #tpu.memory_space<vmem>>
    %dma_start3A_83 = arith.constant 896 : i32
    %dma_start3A_84 = tpu.memref_slice %arg27[%dma_start3A_83] : memref<8192xi32, #tpu.memory_space<vmem>> -> memref<128xi32, #tpu.memory_space<vmem>>
    %dma_start3A_85 = arith.constant 0 : i32
    %dma_start3A_86 = arith.constant 0 : i32
    %dma_start3A_87 = tpu.memref_slice %arg7[%dma_start3A_85, %dma_start3A_86] : memref<31253x80xf32, #tpu.memory_space<hbm>> -> memref<31253x80xf32, #tpu.memory_space<hbm>>
    tpu.enqueue_indirect_dma source(%dma_start3A_87 : memref<31253x80xf32, #tpu.memory_space<hbm>>) target(%dma_start3A_82 : memref<128x80xf32, #tpu.memory_space<vmem>>) offsets(%dma_start3A_84 : memref<128xi32, #tpu.memory_space<vmem>>) semaphore(%arg30 : memref<!tpu.dma_semaphore, #tpu.memory_space<semaphore_mem>>)
    %dma_wait3A = arith.constant 0 : i32
    %dma_wait3A_88 = arith.constant 0 : i32
    %dma_wait3A_89 = arith.constant 0 : i32
    %dma_wait3A_90 = tpu.memref_slice %arg28[%dma_wait3A, %dma_wait3A_88, %dma_wait3A_89] : memref<2x512x80xf32, #tpu.memory_space<vmem>> -> memref<1x128x80xf32, #tpu.memory_space<vmem>>
    %dma_wait3A_91 = tpu.memref_squeeze %dma_wait3A_90 : memref<1x128x80xf32, #tpu.memory_space<vmem>> -> memref<128x80xf32, #tpu.memory_space<vmem>>
    %dma_wait3A_92 = arith.constant 0 : i32
    %dma_wait3A_93 = tpu.memref_slice %arg27[%dma_wait3A_92] : memref<8192xi32, #tpu.memory_space<vmem>> -> memref<128xi32, #tpu.memory_space<vmem>>
    %dma_wait3A_94 = arith.constant 0 : i32
    %dma_wait3A_95 = arith.constant 0 : i32
    %dma_wait3A_96 = tpu.memref_slice %arg6[%dma_wait3A_94, %dma_wait3A_95] : memref<31253x80xf32, #tpu.memory_space<hbm>> -> memref<31253x80xf32, #tpu.memory_space<hbm>>
    tpu.wait_indirect_dma semaphore(%arg29 : memref<!tpu.dma_semaphore, #tpu.memory_space<semaphore_mem>>) src(%dma_wait3A_96 : memref<31253x80xf32, #tpu.memory_space<hbm>>) dst(%dma_wait3A_91 : memref<128x80xf32, #tpu.memory_space<vmem>>)
    %dma_wait3A_97 = arith.constant 0 : i32
    %dma_wait3A_98 = arith.constant 128 : i32
    %dma_wait3A_99 = arith.constant 0 : i32
    %dma_wait3A_100 = tpu.memref_slice %arg28[%dma_wait3A_97, %dma_wait3A_98, %dma_wait3A_99] : memref<2x512x80xf32, #tpu.memory_space<vmem>> -> memref<1x128x80xf32, #tpu.memory_space<vmem>>
    %dma_wait3A_101 = tpu.memref_squeeze %dma_wait3A_100 : memref<1x128x80xf32, #tpu.memory_space<vmem>> -> memref<128x80xf32, #tpu.memory_space<vmem>>
    %dma_wait3A_102 = arith.constant 128 : i32
    %dma_wait3A_103 = tpu.memref_slice %arg27[%dma_wait3A_102] : memref<8192xi32, #tpu.memory_space<vmem>> -> memref<128xi32, #tpu.memory_space<vmem>>
    %dma_wait3A_104 = arith.constant 0 : i32
    %dma_wait3A_105 = arith.constant 0 : i32
    %dma_wait3A_106 = tpu.memref_slice %arg6[%dma_wait3A_104, %dma_wait3A_105] : memref<31253x80xf32, #tpu.memory_space<hbm>> -> memref<31253x80xf32, #tpu.memory_space<hbm>>
    tpu.wait_indirect_dma semaphore(%arg29 : memref<!tpu.dma_semaphore, #tpu.memory_space<semaphore_mem>>) src(%dma_wait3A_106 : memref<31253x80xf32, #tpu.memory_space<hbm>>) dst(%dma_wait3A_101 : memref<128x80xf32, #tpu.memory_space<vmem>>)
    %dma_wait3A_107 = arith.constant 0 : i32
    %dma_wait3A_108 = arith.constant 256 : i32
    %dma_wait3A_109 = arith.constant 0 : i32
    %dma_wait3A_110 = tpu.memref_slice %arg28[%dma_wait3A_107, %dma_wait3A_108, %dma_wait3A_109] : memref<2x512x80xf32, #tpu.memory_space<vmem>> -> memref<1x128x80xf32, #tpu.memory_space<vmem>>
    %dma_wait3A_111 = tpu.memref_squeeze %dma_wait3A_110 : memref<1x128x80xf32, #tpu.memory_space<vmem>> -> memref<128x80xf32, #tpu.memory_space<vmem>>
    %dma_wait3A_112 = arith.constant 256 : i32
    %dma_wait3A_113 = tpu.memref_slice %arg27[%dma_wait3A_112] : memref<8192xi32, #tpu.memory_space<vmem>> -> memref<128xi32, #tpu.memory_space<vmem>>
    %dma_wait3A_114 = arith.constant 0 : i32
    %dma_wait3A_115 = arith.constant 0 : i32
    %dma_wait3A_116 = tpu.memref_slice %arg6[%dma_wait3A_114, %dma_wait3A_115] : memref<31253x80xf32, #tpu.memory_space<hbm>> -> memref<31253x80xf32, #tpu.memory_space<hbm>>
    tpu.wait_indirect_dma semaphore(%arg29 : memref<!tpu.dma_semaphore, #tpu.memory_space<semaphore_mem>>) src(%dma_wait3A_116 : memref<31253x80xf32, #tpu.memory_space<hbm>>) dst(%dma_wait3A_111 : memref<128x80xf32, #tpu.memory_space<vmem>>)
    %dma_wait3A_117 = arith.constant 0 : i32
    %dma_wait3A_118 = arith.constant 384 : i32
    %dma_wait3A_119 = arith.constant 0 : i32
    %dma_wait3A_120 = tpu.memref_slice %arg28[%dma_wait3A_117, %dma_wait3A_118, %dma_wait3A_119] : memref<2x512x80xf32, #tpu.memory_space<vmem>> -> memref<1x128x80xf32, #tpu.memory_space<vmem>>
    %dma_wait3A_121 = tpu.memref_squeeze %dma_wait3A_120 : memref<1x128x80xf32, #tpu.memory_space<vmem>> -> memref<128x80xf32, #tpu.memory_space<vmem>>
    %dma_wait3A_122 = arith.constant 384 : i32
    %dma_wait3A_123 = tpu.memref_slice %arg27[%dma_wait3A_122] : memref<8192xi32, #tpu.memory_space<vmem>> -> memref<128xi32, #tpu.memory_space<vmem>>
    %dma_wait3A_124 = arith.constant 0 : i32
    %dma_wait3A_125 = arith.constant 0 : i32
    %dma_wait3A_126 = tpu.memref_slice %arg6[%dma_wait3A_124, %dma_wait3A_125] : memref<31253x80xf32, #tpu.memory_space<hbm>> -> memref<31253x80xf32, #tpu.memory_space<hbm>>
    tpu.wait_indirect_dma semaphore(%arg29 : memref<!tpu.dma_semaphore, #tpu.memory_space<semaphore_mem>>) src(%dma_wait3A_126 : memref<31253x80xf32, #tpu.memory_space<hbm>>) dst(%dma_wait3A_121 : memref<128x80xf32, #tpu.memory_space<vmem>>)
    %run_scoped3A = arith.constant 0 : i32
    "tpu.region"() ({
      %run_scoped3A_1302 = tpu.sem_alloc : memref<!tpu.dma_semaphore, #tpu.memory_space<semaphore_mem>>
      %dma_start3A_1303 = arith.constant 0 : i32
      %dma_start3A_1304 = arith.constant 0 : i32
      %dma_start3A_1305 = tpu.memref_slice %arg28[%run_scoped3A, %dma_start3A_1303, %dma_start3A_1304] : memref<2x512x80xf32, #tpu.memory_space<vmem>> -> memref<1x512x80xf32, #tpu.memory_space<vmem>>
      %dma_start3A_1306 = tpu.memref_squeeze %dma_start3A_1305 : memref<1x512x80xf32, #tpu.memory_space<vmem>> -> memref<512x80xf32, #tpu.memory_space<vmem>>
      %dma_start3A_1307 = arith.constant 0 : i32
      %dma_start3A_1308 = tpu.memref_slice %arg22[%mul3A_2, %dma_start3A_1307] : memref<16384x1280xf32, #tpu.memory_space<hbm>> -> memref<512x80xf32, #tpu.memory_space<hbm>>
      %dma_start3A_1309 = arith.constant 0 : i32
      %dma_start3A_1310 = tpu.memref_slice %arg22[%mul3A_2, %dma_start3A_1309] : memref<16384x1280xf32, #tpu.memory_space<hbm>> -> memref<512x80xf32, #tpu.memory_space<hbm>>
      %dma_start3A_1311 = arith.constant 0 : i32
      %dma_start3A_1312 = arith.constant 0 : i32
      %dma_start3A_1313 = tpu.memref_slice %arg28[%run_scoped3A, %dma_start3A_1311, %dma_start3A_1312] : memref<2x512x80xf32, #tpu.memory_space<vmem>> -> memref<1x512x80xf32, #tpu.memory_space<vmem>>
      %dma_start3A_1314 = tpu.memref_squeeze %dma_start3A_1313 : memref<1x512x80xf32, #tpu.memory_space<vmem>> -> memref<512x80xf32, #tpu.memory_space<vmem>>
      tpu.enqueue_dma source(%dma_start3A_1314 : memref<512x80xf32, #tpu.memory_space<vmem>>) target(%dma_start3A_1310 : memref<512x80xf32, #tpu.memory_space<hbm>>) target_semaphore(%run_scoped3A_1302 : memref<!tpu.dma_semaphore, #tpu.memory_space<semaphore_mem>>)
      %dma_wait3A_1315 = arith.constant 0 : i32
      %dma_wait3A_1316 = arith.constant 0 : i32
      %dma_wait3A_1317 = tpu.memref_slice %arg28[%run_scoped3A, %dma_wait3A_1315, %dma_wait3A_1316] : memref<2x512x80xf32, #tpu.memory_space<vmem>> -> memref<1x512x80xf32, #tpu.memory_space<vmem>>
      %dma_wait3A_1318 = tpu.memref_squeeze %dma_wait3A_1317 : memref<1x512x80xf32, #tpu.memory_space<vmem>> -> memref<512x80xf32, #tpu.memory_space<vmem>>
      %dma_wait3A_1319 = arith.constant 0 : i32
      %dma_wait3A_1320 = tpu.memref_slice %arg22[%mul3A_2, %dma_wait3A_1319] : memref<16384x1280xf32, #tpu.memory_space<hbm>> -> memref<512x80xf32, #tpu.memory_space<hbm>>
      %dma_wait3A_1321 = arith.constant 0 : i32
      %dma_wait3A_1322 = tpu.memref_slice %arg22[%mul3A_2, %dma_wait3A_1321] : memref<16384x1280xf32, #tpu.memory_space<hbm>> -> memref<512x80xf32, #tpu.memory_space<hbm>>
      %dma_wait3A_1323 = arith.constant 0 : i32
      %dma_wait3A_1324 = arith.constant 0 : i32
      %dma_wait3A_1325 = tpu.memref_slice %arg28[%run_scoped3A, %dma_wait3A_1323, %dma_wait3A_1324] : memref<2x512x80xf32, #tpu.memory_space<vmem>> -> memref<1x512x80xf32, #tpu.memory_space<vmem>>
      %dma_wait3A_1326 = tpu.memref_squeeze %dma_wait3A_1325 : memref<1x512x80xf32, #tpu.memory_space<vmem>> -> memref<512x80xf32, #tpu.memory_space<vmem>>
      tpu.wait_dma2 semaphore(%run_scoped3A_1302 : memref<!tpu.dma_semaphore, #tpu.memory_space<semaphore_mem>>) src(%dma_wait3A_1326 : memref<512x80xf32, #tpu.memory_space<vmem>>) dst(%dma_wait3A_1322 : memref<512x80xf32, #tpu.memory_space<hbm>>)
      tpu.yield
    }) : () -> ()
    %dma_start3A_127 = arith.constant 0 : i32
    %dma_start3A_128 = arith.constant 0 : i32
    %dma_start3A_129 = arith.constant 0 : i32
    %dma_start3A_130 = tpu.memref_slice %arg28[%dma_start3A_127, %dma_start3A_128, %dma_start3A_129] : memref<2x512x80xf32, #tpu.memory_space<vmem>> -> memref<1x128x80xf32, #tpu.memory_space<vmem>>
    %dma_start3A_131 = tpu.memref_squeeze %dma_start3A_130 : memref<1x128x80xf32, #tpu.memory_space<vmem>> -> memref<128x80xf32, #tpu.memory_space<vmem>>
    %dma_start3A_132 = arith.constant 1024 : i32
    %dma_start3A_133 = tpu.memref_slice %arg27[%dma_start3A_132] : memref<8192xi32, #tpu.memory_space<vmem>> -> memref<128xi32, #tpu.memory_space<vmem>>
    %dma_start3A_134 = arith.constant 0 : i32
    %dma_start3A_135 = arith.constant 0 : i32
    %dma_start3A_136 = tpu.memref_slice %arg8[%dma_start3A_134, %dma_start3A_135] : memref<31253x80xf32, #tpu.memory_space<hbm>> -> memref<31253x80xf32, #tpu.memory_space<hbm>>
    tpu.enqueue_indirect_dma source(%dma_start3A_136 : memref<31253x80xf32, #tpu.memory_space<hbm>>) target(%dma_start3A_131 : memref<128x80xf32, #tpu.memory_space<vmem>>) offsets(%dma_start3A_133 : memref<128xi32, #tpu.memory_space<vmem>>) semaphore(%arg29 : memref<!tpu.dma_semaphore, #tpu.memory_space<semaphore_mem>>)
    %dma_start3A_137 = arith.constant 0 : i32
    %dma_start3A_138 = arith.constant 128 : i32
    %dma_start3A_139 = arith.constant 0 : i32
    %dma_start3A_140 = tpu.memref_slice %arg28[%dma_start3A_137, %dma_start3A_138, %dma_start3A_139] : memref<2x512x80xf32, #tpu.memory_space<vmem>> -> memref<1x128x80xf32, #tpu.memory_space<vmem>>
    %dma_start3A_141 = tpu.memref_squeeze %dma_start3A_140 : memref<1x128x80xf32, #tpu.memory_space<vmem>> -> memref<128x80xf32, #tpu.memory_space<vmem>>
    %dma_start3A_142 = arith.constant 1152 : i32
    %dma_start3A_143 = tpu.memref_slice %arg27[%dma_start3A_142] : memref<8192xi32, #tpu.memory_space<vmem>> -> memref<128xi32, #tpu.memory_space<vmem>>
    %dma_start3A_144 = arith.constant 0 : i32
    %dma_start3A_145 = arith.constant 0 : i32
    %dma_start3A_146 = tpu.memref_slice %arg8[%dma_start3A_144, %dma_start3A_145] : memref<31253x80xf32, #tpu.memory_space<hbm>> -> memref<31253x80xf32, #tpu.memory_space<hbm>>
    tpu.enqueue_indirect_dma source(%dma_start3A_146 : memref<31253x80xf32, #tpu.memory_space<hbm>>) target(%dma_start3A_141 : memref<128x80xf32, #tpu.memory_space<vmem>>) offsets(%dma_start3A_143 : memref<128xi32, #tpu.memory_space<vmem>>) semaphore(%arg29 : memref<!tpu.dma_semaphore, #tpu.memory_space<semaphore_mem>>)
    %dma_start3A_147 = arith.constant 0 : i32
    %dma_start3A_148 = arith.constant 256 : i32
    %dma_start3A_149 = arith.constant 0 : i32
    %dma_start3A_150 = tpu.memref_slice %arg28[%dma_start3A_147, %dma_start3A_148, %dma_start3A_149] : memref<2x512x80xf32, #tpu.memory_space<vmem>> -> memref<1x128x80xf32, #tpu.memory_space<vmem>>
    %dma_start3A_151 = tpu.memref_squeeze %dma_start3A_150 : memref<1x128x80xf32, #tpu.memory_space<vmem>> -> memref<128x80xf32, #tpu.memory_space<vmem>>
    %dma_start3A_152 = arith.constant 1280 : i32
    %dma_start3A_153 = tpu.memref_slice %arg27[%dma_start3A_152] : memref<8192xi32, #tpu.memory_space<vmem>> -> memref<128xi32, #tpu.memory_space<vmem>>
    %dma_start3A_154 = arith.constant 0 : i32
    %dma_start3A_155 = arith.constant 0 : i32
    %dma_start3A_156 = tpu.memref_slice %arg8[%dma_start3A_154, %dma_start3A_155] : memref<31253x80xf32, #tpu.memory_space<hbm>> -> memref<31253x80xf32, #tpu.memory_space<hbm>>
    tpu.enqueue_indirect_dma source(%dma_start3A_156 : memref<31253x80xf32, #tpu.memory_space<hbm>>) target(%dma_start3A_151 : memref<128x80xf32, #tpu.memory_space<vmem>>) offsets(%dma_start3A_153 : memref<128xi32, #tpu.memory_space<vmem>>) semaphore(%arg29 : memref<!tpu.dma_semaphore, #tpu.memory_space<semaphore_mem>>)
    %dma_start3A_157 = arith.constant 0 : i32
    %dma_start3A_158 = arith.constant 384 : i32
    %dma_start3A_159 = arith.constant 0 : i32
    %dma_start3A_160 = tpu.memref_slice %arg28[%dma_start3A_157, %dma_start3A_158, %dma_start3A_159] : memref<2x512x80xf32, #tpu.memory_space<vmem>> -> memref<1x128x80xf32, #tpu.memory_space<vmem>>
    %dma_start3A_161 = tpu.memref_squeeze %dma_start3A_160 : memref<1x128x80xf32, #tpu.memory_space<vmem>> -> memref<128x80xf32, #tpu.memory_space<vmem>>
    %dma_start3A_162 = arith.constant 1408 : i32
    %dma_start3A_163 = tpu.memref_slice %arg27[%dma_start3A_162] : memref<8192xi32, #tpu.memory_space<vmem>> -> memref<128xi32, #tpu.memory_space<vmem>>
    %dma_start3A_164 = arith.constant 0 : i32
    %dma_start3A_165 = arith.constant 0 : i32
    %dma_start3A_166 = tpu.memref_slice %arg8[%dma_start3A_164, %dma_start3A_165] : memref<31253x80xf32, #tpu.memory_space<hbm>> -> memref<31253x80xf32, #tpu.memory_space<hbm>>
    tpu.enqueue_indirect_dma source(%dma_start3A_166 : memref<31253x80xf32, #tpu.memory_space<hbm>>) target(%dma_start3A_161 : memref<128x80xf32, #tpu.memory_space<vmem>>) offsets(%dma_start3A_163 : memref<128xi32, #tpu.memory_space<vmem>>) semaphore(%arg29 : memref<!tpu.dma_semaphore, #tpu.memory_space<semaphore_mem>>)
    %dma_wait3A_167 = arith.constant 1 : i32
    %dma_wait3A_168 = arith.constant 0 : i32
    %dma_wait3A_169 = arith.constant 0 : i32
    %dma_wait3A_170 = tpu.memref_slice %arg28[%dma_wait3A_167, %dma_wait3A_168, %dma_wait3A_169] : memref<2x512x80xf32, #tpu.memory_space<vmem>> -> memref<1x128x80xf32, #tpu.memory_space<vmem>>
    %dma_wait3A_171 = tpu.memref_squeeze %dma_wait3A_170 : memref<1x128x80xf32, #tpu.memory_space<vmem>> -> memref<128x80xf32, #tpu.memory_space<vmem>>
    %dma_wait3A_172 = arith.constant 512 : i32
    %dma_wait3A_173 = tpu.memref_slice %arg27[%dma_wait3A_172] : memref<8192xi32, #tpu.memory_space<vmem>> -> memref<128xi32, #tpu.memory_space<vmem>>
    %dma_wait3A_174 = arith.constant 0 : i32
    %dma_wait3A_175 = arith.constant 0 : i32
    %dma_wait3A_176 = tpu.memref_slice %arg7[%dma_wait3A_174, %dma_wait3A_175] : memref<31253x80xf32, #tpu.memory_space<hbm>> -> memref<31253x80xf32, #tpu.memory_space<hbm>>
    tpu.wait_indirect_dma semaphore(%arg30 : memref<!tpu.dma_semaphore, #tpu.memory_space<semaphore_mem>>) src(%dma_wait3A_176 : memref<31253x80xf32, #tpu.memory_space<hbm>>) dst(%dma_wait3A_171 : memref<128x80xf32, #tpu.memory_space<vmem>>)
    %dma_wait3A_177 = arith.constant 1 : i32
    %dma_wait3A_178 = arith.constant 128 : i32
    %dma_wait3A_179 = arith.constant 0 : i32
    %dma_wait3A_180 = tpu.memref_slice %arg28[%dma_wait3A_177, %dma_wait3A_178, %dma_wait3A_179] : memref<2x512x80xf32, #tpu.memory_space<vmem>> -> memref<1x128x80xf32, #tpu.memory_space<vmem>>
    %dma_wait3A_181 = tpu.memref_squeeze %dma_wait3A_180 : memref<1x128x80xf32, #tpu.memory_space<vmem>> -> memref<128x80xf32, #tpu.memory_space<vmem>>
    %dma_wait3A_182 = arith.constant 640 : i32
    %dma_wait3A_183 = tpu.memref_slice %arg27[%dma_wait3A_182] : memref<8192xi32, #tpu.memory_space<vmem>> -> memref<128xi32, #tpu.memory_space<vmem>>
    %dma_wait3A_184 = arith.constant 0 : i32
    %dma_wait3A_185 = arith.constant 0 : i32
    %dma_wait3A_186 = tpu.memref_slice %arg7[%dma_wait3A_184, %dma_wait3A_185] : memref<31253x80xf32, #tpu.memory_space<hbm>> -> memref<31253x80xf32, #tpu.memory_space<hbm>>
    tpu.wait_indirect_dma semaphore(%arg30 : memref<!tpu.dma_semaphore, #tpu.memory_space<semaphore_mem>>) src(%dma_wait3A_186 : memref<31253x80xf32, #tpu.memory_space<hbm>>) dst(%dma_wait3A_181 : memref<128x80xf32, #tpu.memory_space<vmem>>)
    %dma_wait3A_187 = arith.constant 1 : i32
    %dma_wait3A_188 = arith.constant 256 : i32
    %dma_wait3A_189 = arith.constant 0 : i32
    %dma_wait3A_190 = tpu.memref_slice %arg28[%dma_wait3A_187, %dma_wait3A_188, %dma_wait3A_189] : memref<2x512x80xf32, #tpu.memory_space<vmem>> -> memref<1x128x80xf32, #tpu.memory_space<vmem>>
    %dma_wait3A_191 = tpu.memref_squeeze %dma_wait3A_190 : memref<1x128x80xf32, #tpu.memory_space<vmem>> -> memref<128x80xf32, #tpu.memory_space<vmem>>
    %dma_wait3A_192 = arith.constant 768 : i32
    %dma_wait3A_193 = tpu.memref_slice %arg27[%dma_wait3A_192] : memref<8192xi32, #tpu.memory_space<vmem>> -> memref<128xi32, #tpu.memory_space<vmem>>
    %dma_wait3A_194 = arith.constant 0 : i32
    %dma_wait3A_195 = arith.constant 0 : i32
    %dma_wait3A_196 = tpu.memref_slice %arg7[%dma_wait3A_194, %dma_wait3A_195] : memref<31253x80xf32, #tpu.memory_space<hbm>> -> memref<31253x80xf32, #tpu.memory_space<hbm>>
    tpu.wait_indirect_dma semaphore(%arg30 : memref<!tpu.dma_semaphore, #tpu.memory_space<semaphore_mem>>) src(%dma_wait3A_196 : memref<31253x80xf32, #tpu.memory_space<hbm>>) dst(%dma_wait3A_191 : memref<128x80xf32, #tpu.memory_space<vmem>>)
    %dma_wait3A_197 = arith.constant 1 : i32
    %dma_wait3A_198 = arith.constant 384 : i32
    %dma_wait3A_199 = arith.constant 0 : i32
    %dma_wait3A_200 = tpu.memref_slice %arg28[%dma_wait3A_197, %dma_wait3A_198, %dma_wait3A_199] : memref<2x512x80xf32, #tpu.memory_space<vmem>> -> memref<1x128x80xf32, #tpu.memory_space<vmem>>
    %dma_wait3A_201 = tpu.memref_squeeze %dma_wait3A_200 : memref<1x128x80xf32, #tpu.memory_space<vmem>> -> memref<128x80xf32, #tpu.memory_space<vmem>>
    %dma_wait3A_202 = arith.constant 896 : i32
    %dma_wait3A_203 = tpu.memref_slice %arg27[%dma_wait3A_202] : memref<8192xi32, #tpu.memory_space<vmem>> -> memref<128xi32, #tpu.memory_space<vmem>>
    %dma_wait3A_204 = arith.constant 0 : i32
    %dma_wait3A_205 = arith.constant 0 : i32
    %dma_wait3A_206 = tpu.memref_slice %arg7[%dma_wait3A_204, %dma_wait3A_205] : memref<31253x80xf32, #tpu.memory_space<hbm>> -> memref<31253x80xf32, #tpu.memory_space<hbm>>
    tpu.wait_indirect_dma semaphore(%arg30 : memref<!tpu.dma_semaphore, #tpu.memory_space<semaphore_mem>>) src(%dma_wait3A_206 : memref<31253x80xf32, #tpu.memory_space<hbm>>) dst(%dma_wait3A_201 : memref<128x80xf32, #tpu.memory_space<vmem>>)
    %run_scoped3A_207 = arith.constant 1 : i32
    "tpu.region"() ({
      %run_scoped3A_1302 = tpu.sem_alloc : memref<!tpu.dma_semaphore, #tpu.memory_space<semaphore_mem>>
      %dma_start3A_1303 = arith.constant 0 : i32
      %dma_start3A_1304 = arith.constant 0 : i32
      %dma_start3A_1305 = tpu.memref_slice %arg28[%run_scoped3A_207, %dma_start3A_1303, %dma_start3A_1304] : memref<2x512x80xf32, #tpu.memory_space<vmem>> -> memref<1x512x80xf32, #tpu.memory_space<vmem>>
      %dma_start3A_1306 = tpu.memref_squeeze %dma_start3A_1305 : memref<1x512x80xf32, #tpu.memory_space<vmem>> -> memref<512x80xf32, #tpu.memory_space<vmem>>
      %dma_start3A_1307 = arith.constant 80 : i32
      %dma_start3A_1308 = tpu.memref_slice %arg22[%mul3A_2, %dma_start3A_1307] : memref<16384x1280xf32, #tpu.memory_space<hbm>> -> memref<512x80xf32, #tpu.memory_space<hbm>>
      %dma_start3A_1309 = arith.constant 80 : i32
      %dma_start3A_1310 = tpu.memref_slice %arg22[%mul3A_2, %dma_start3A_1309] : memref<16384x1280xf32, #tpu.memory_space<hbm>> -> memref<512x80xf32, #tpu.memory_space<hbm>>
      %dma_start3A_1311 = arith.constant 0 : i32
      %dma_start3A_1312 = arith.constant 0 : i32
      %dma_start3A_1313 = tpu.memref_slice %arg28[%run_scoped3A_207, %dma_start3A_1311, %dma_start3A_1312] : memref<2x512x80xf32, #tpu.memory_space<vmem>> -> memref<1x512x80xf32, #tpu.memory_space<vmem>>
      %dma_start3A_1314 = tpu.memref_squeeze %dma_start3A_1313 : memref<1x512x80xf32, #tpu.memory_space<vmem>> -> memref<512x80xf32, #tpu.memory_space<vmem>>
      tpu.enqueue_dma source(%dma_start3A_1314 : memref<512x80xf32, #tpu.memory_space<vmem>>) target(%dma_start3A_1310 : memref<512x80xf32, #tpu.memory_space<hbm>>) target_semaphore(%run_scoped3A_1302 : memref<!tpu.dma_semaphore, #tpu.memory_space<semaphore_mem>>)
      %dma_wait3A_1315 = arith.constant 0 : i32
      %dma_wait3A_1316 = arith.constant 0 : i32
      %dma_wait3A_1317 = tpu.memref_slice %arg28[%run_scoped3A_207, %dma_wait3A_1315, %dma_wait3A_1316] : memref<2x512x80xf32, #tpu.memory_space<vmem>> -> memref<1x512x80xf32, #tpu.memory_space<vmem>>
      %dma_wait3A_1318 = tpu.memref_squeeze %dma_wait3A_1317 : memref<1x512x80xf32, #tpu.memory_space<vmem>> -> memref<512x80xf32, #tpu.memory_space<vmem>>
      %dma_wait3A_1319 = arith.constant 80 : i32
      %dma_wait3A_1320 = tpu.memref_slice %arg22[%mul3A_2, %dma_wait3A_1319] : memref<16384x1280xf32, #tpu.memory_space<hbm>> -> memref<512x80xf32, #tpu.memory_space<hbm>>
      %dma_wait3A_1321 = arith.constant 80 : i32
      %dma_wait3A_1322 = tpu.memref_slice %arg22[%mul3A_2, %dma_wait3A_1321] : memref<16384x1280xf32, #tpu.memory_space<hbm>> -> memref<512x80xf32, #tpu.memory_space<hbm>>
      %dma_wait3A_1323 = arith.constant 0 : i32
      %dma_wait3A_1324 = arith.constant 0 : i32
      %dma_wait3A_1325 = tpu.memref_slice %arg28[%run_scoped3A_207, %dma_wait3A_1323, %dma_wait3A_1324] : memref<2x512x80xf32, #tpu.memory_space<vmem>> -> memref<1x512x80xf32, #tpu.memory_space<vmem>>
      %dma_wait3A_1326 = tpu.memref_squeeze %dma_wait3A_1325 : memref<1x512x80xf32, #tpu.memory_space<vmem>> -> memref<512x80xf32, #tpu.memory_space<vmem>>
      tpu.wait_dma2 semaphore(%run_scoped3A_1302 : memref<!tpu.dma_semaphore, #tpu.memory_space<semaphore_mem>>) src(%dma_wait3A_1326 : memref<512x80xf32, #tpu.memory_space<vmem>>) dst(%dma_wait3A_1322 : memref<512x80xf32, #tpu.memory_space<hbm>>)
      tpu.yield
    }) : () -> ()
    %dma_start3A_208 = arith.constant 1 : i32
    %dma_start3A_209 = arith.constant 0 : i32
    %dma_start3A_210 = arith.constant 0 : i32
    %dma_start3A_211 = tpu.memref_slice %arg28[%dma_start3A_208, %dma_start3A_209, %dma_start3A_210] : memref<2x512x80xf32, #tpu.memory_space<vmem>> -> memref<1x128x80xf32, #tpu.memory_space<vmem>>
    %dma_start3A_212 = tpu.memref_squeeze %dma_start3A_211 : memref<1x128x80xf32, #tpu.memory_space<vmem>> -> memref<128x80xf32, #tpu.memory_space<vmem>>
    %dma_start3A_213 = arith.constant 1536 : i32
    %dma_start3A_214 = tpu.memref_slice %arg27[%dma_start3A_213] : memref<8192xi32, #tpu.memory_space<vmem>> -> memref<128xi32, #tpu.memory_space<vmem>>
    %dma_start3A_215 = arith.constant 0 : i32
    %dma_start3A_216 = arith.constant 0 : i32
    %dma_start3A_217 = tpu.memref_slice %arg9[%dma_start3A_215, %dma_start3A_216] : memref<31253x80xf32, #tpu.memory_space<hbm>> -> memref<31253x80xf32, #tpu.memory_space<hbm>>
    tpu.enqueue_indirect_dma source(%dma_start3A_217 : memref<31253x80xf32, #tpu.memory_space<hbm>>) target(%dma_start3A_212 : memref<128x80xf32, #tpu.memory_space<vmem>>) offsets(%dma_start3A_214 : memref<128xi32, #tpu.memory_space<vmem>>) semaphore(%arg30 : memref<!tpu.dma_semaphore, #tpu.memory_space<semaphore_mem>>)
    %dma_start3A_218 = arith.constant 1 : i32
    %dma_start3A_219 = arith.constant 128 : i32
    %dma_start3A_220 = arith.constant 0 : i32
    %dma_start3A_221 = tpu.memref_slice %arg28[%dma_start3A_218, %dma_start3A_219, %dma_start3A_220] : memref<2x512x80xf32, #tpu.memory_space<vmem>> -> memref<1x128x80xf32, #tpu.memory_space<vmem>>
    %dma_start3A_222 = tpu.memref_squeeze %dma_start3A_221 : memref<1x128x80xf32, #tpu.memory_space<vmem>> -> memref<128x80xf32, #tpu.memory_space<vmem>>
    %dma_start3A_223 = arith.constant 1664 : i32
    %dma_start3A_224 = tpu.memref_slice %arg27[%dma_start3A_223] : memref<8192xi32, #tpu.memory_space<vmem>> -> memref<128xi32, #tpu.memory_space<vmem>>
    %dma_start3A_225 = arith.constant 0 : i32
    %dma_start3A_226 = arith.constant 0 : i32
    %dma_start3A_227 = tpu.memref_slice %arg9[%dma_start3A_225, %dma_start3A_226] : memref<31253x80xf32, #tpu.memory_space<hbm>> -> memref<31253x80xf32, #tpu.memory_space<hbm>>
    tpu.enqueue_indirect_dma source(%dma_start3A_227 : memref<31253x80xf32, #tpu.memory_space<hbm>>) target(%dma_start3A_222 : memref<128x80xf32, #tpu.memory_space<vmem>>) offsets(%dma_start3A_224 : memref<128xi32, #tpu.memory_space<vmem>>) semaphore(%arg30 : memref<!tpu.dma_semaphore, #tpu.memory_space<semaphore_mem>>)
    %dma_start3A_228 = arith.constant 1 : i32
    %dma_start3A_229 = arith.constant 256 : i32
    %dma_start3A_230 = arith.constant 0 : i32
    %dma_start3A_231 = tpu.memref_slice %arg28[%dma_start3A_228, %dma_start3A_229, %dma_start3A_230] : memref<2x512x80xf32, #tpu.memory_space<vmem>> -> memref<1x128x80xf32, #tpu.memory_space<vmem>>
    %dma_start3A_232 = tpu.memref_squeeze %dma_start3A_231 : memref<1x128x80xf32, #tpu.memory_space<vmem>> -> memref<128x80xf32, #tpu.memory_space<vmem>>
    %dma_start3A_233 = arith.constant 1792 : i32
    %dma_start3A_234 = tpu.memref_slice %arg27[%dma_start3A_233] : memref<8192xi32, #tpu.memory_space<vmem>> -> memref<128xi32, #tpu.memory_space<vmem>>
    %dma_start3A_235 = arith.constant 0 : i32
    %dma_start3A_236 = arith.constant 0 : i32
    %dma_start3A_237 = tpu.memref_slice %arg9[%dma_start3A_235, %dma_start3A_236] : memref<31253x80xf32, #tpu.memory_space<hbm>> -> memref<31253x80xf32, #tpu.memory_space<hbm>>
    tpu.enqueue_indirect_dma source(%dma_start3A_237 : memref<31253x80xf32, #tpu.memory_space<hbm>>) target(%dma_start3A_232 : memref<128x80xf32, #tpu.memory_space<vmem>>) offsets(%dma_start3A_234 : memref<128xi32, #tpu.memory_space<vmem>>) semaphore(%arg30 : memref<!tpu.dma_semaphore, #tpu.memory_space<semaphore_mem>>)
    %dma_start3A_238 = arith.constant 1 : i32
    %dma_start3A_239 = arith.constant 384 : i32
    %dma_start3A_240 = arith.constant 0 : i32
    %dma_start3A_241 = tpu.memref_slice %arg28[%dma_start3A_238, %dma_start3A_239, %dma_start3A_240] : memref<2x512x80xf32, #tpu.memory_space<vmem>> -> memref<1x128x80xf32, #tpu.memory_space<vmem>>
    %dma_start3A_242 = tpu.memref_squeeze %dma_start3A_241 : memref<1x128x80xf32, #tpu.memory_space<vmem>> -> memref<128x80xf32, #tpu.memory_space<vmem>>
    %dma_start3A_243 = arith.constant 1920 : i32
    %dma_start3A_244 = tpu.memref_slice %arg27[%dma_start3A_243] : memref<8192xi32, #tpu.memory_space<vmem>> -> memref<128xi32, #tpu.memory_space<vmem>>
    %dma_start3A_245 = arith.constant 0 : i32
    %dma_start3A_246 = arith.constant 0 : i32
    %dma_start3A_247 = tpu.memref_slice %arg9[%dma_start3A_245, %dma_start3A_246] : memref<31253x80xf32, #tpu.memory_space<hbm>> -> memref<31253x80xf32, #tpu.memory_space<hbm>>
    tpu.enqueue_indirect_dma source(%dma_start3A_247 : memref<31253x80xf32, #tpu.memory_space<hbm>>) target(%dma_start3A_242 : memref<128x80xf32, #tpu.memory_space<vmem>>) offsets(%dma_start3A_244 : memref<128xi32, #tpu.memory_space<vmem>>) semaphore(%arg30 : memref<!tpu.dma_semaphore, #tpu.memory_space<semaphore_mem>>)
    %dma_wait3A_248 = arith.constant 0 : i32
    %dma_wait3A_249 = arith.constant 0 : i32
    %dma_wait3A_250 = arith.constant 0 : i32
    %dma_wait3A_251 = tpu.memref_slice %arg28[%dma_wait3A_248, %dma_wait3A_249, %dma_wait3A_250] : memref<2x512x80xf32, #tpu.memory_space<vmem>> -> memref<1x128x80xf32, #tpu.memory_space<vmem>>
    %dma_wait3A_252 = tpu.memref_squeeze %dma_wait3A_251 : memref<1x128x80xf32, #tpu.memory_space<vmem>> -> memref<128x80xf32, #tpu.memory_space<vmem>>
    %dma_wait3A_253 = arith.constant 1024 : i32
    %dma_wait3A_254 = tpu.memref_slice %arg27[%dma_wait3A_253] : memref<8192xi32, #tpu.memory_space<vmem>> -> memref<128xi32, #tpu.memory_space<vmem>>
    %dma_wait3A_255 = arith.constant 0 : i32
    %dma_wait3A_256 = arith.constant 0 : i32
    %dma_wait3A_257 = tpu.memref_slice %arg8[%dma_wait3A_255, %dma_wait3A_256] : memref<31253x80xf32, #tpu.memory_space<hbm>> -> memref<31253x80xf32, #tpu.memory_space<hbm>>
    tpu.wait_indirect_dma semaphore(%arg29 : memref<!tpu.dma_semaphore, #tpu.memory_space<semaphore_mem>>) src(%dma_wait3A_257 : memref<31253x80xf32, #tpu.memory_space<hbm>>) dst(%dma_wait3A_252 : memref<128x80xf32, #tpu.memory_space<vmem>>)
    %dma_wait3A_258 = arith.constant 0 : i32
    %dma_wait3A_259 = arith.constant 128 : i32
    %dma_wait3A_260 = arith.constant 0 : i32
    %dma_wait3A_261 = tpu.memref_slice %arg28[%dma_wait3A_258, %dma_wait3A_259, %dma_wait3A_260] : memref<2x512x80xf32, #tpu.memory_space<vmem>> -> memref<1x128x80xf32, #tpu.memory_space<vmem>>
    %dma_wait3A_262 = tpu.memref_squeeze %dma_wait3A_261 : memref<1x128x80xf32, #tpu.memory_space<vmem>> -> memref<128x80xf32, #tpu.memory_space<vmem>>
    %dma_wait3A_263 = arith.constant 1152 : i32
    %dma_wait3A_264 = tpu.memref_slice %arg27[%dma_wait3A_263] : memref<8192xi32, #tpu.memory_space<vmem>> -> memref<128xi32, #tpu.memory_space<vmem>>
    %dma_wait3A_265 = arith.constant 0 : i32
    %dma_wait3A_266 = arith.constant 0 : i32
    %dma_wait3A_267 = tpu.memref_slice %arg8[%dma_wait3A_265, %dma_wait3A_266] : memref<31253x80xf32, #tpu.memory_space<hbm>> -> memref<31253x80xf32, #tpu.memory_space<hbm>>
    tpu.wait_indirect_dma semaphore(%arg29 : memref<!tpu.dma_semaphore, #tpu.memory_space<semaphore_mem>>) src(%dma_wait3A_267 : memref<31253x80xf32, #tpu.memory_space<hbm>>) dst(%dma_wait3A_262 : memref<128x80xf32, #tpu.memory_space<vmem>>)
    %dma_wait3A_268 = arith.constant 0 : i32
    %dma_wait3A_269 = arith.constant 256 : i32
    %dma_wait3A_270 = arith.constant 0 : i32
    %dma_wait3A_271 = tpu.memref_slice %arg28[%dma_wait3A_268, %dma_wait3A_269, %dma_wait3A_270] : memref<2x512x80xf32, #tpu.memory_space<vmem>> -> memref<1x128x80xf32, #tpu.memory_space<vmem>>
    %dma_wait3A_272 = tpu.memref_squeeze %dma_wait3A_271 : memref<1x128x80xf32, #tpu.memory_space<vmem>> -> memref<128x80xf32, #tpu.memory_space<vmem>>
    %dma_wait3A_273 = arith.constant 1280 : i32
    %dma_wait3A_274 = tpu.memref_slice %arg27[%dma_wait3A_273] : memref<8192xi32, #tpu.memory_space<vmem>> -> memref<128xi32, #tpu.memory_space<vmem>>
    %dma_wait3A_275 = arith.constant 0 : i32
    %dma_wait3A_276 = arith.constant 0 : i32
    %dma_wait3A_277 = tpu.memref_slice %arg8[%dma_wait3A_275, %dma_wait3A_276] : memref<31253x80xf32, #tpu.memory_space<hbm>> -> memref<31253x80xf32, #tpu.memory_space<hbm>>
    tpu.wait_indirect_dma semaphore(%arg29 : memref<!tpu.dma_semaphore, #tpu.memory_space<semaphore_mem>>) src(%dma_wait3A_277 : memref<31253x80xf32, #tpu.memory_space<hbm>>) dst(%dma_wait3A_272 : memref<128x80xf32, #tpu.memory_space<vmem>>)
    %dma_wait3A_278 = arith.constant 0 : i32
    %dma_wait3A_279 = arith.constant 384 : i32
    %dma_wait3A_280 = arith.constant 0 : i32
    %dma_wait3A_281 = tpu.memref_slice %arg28[%dma_wait3A_278, %dma_wait3A_279, %dma_wait3A_280] : memref<2x512x80xf32, #tpu.memory_space<vmem>> -> memref<1x128x80xf32, #tpu.memory_space<vmem>>
    %dma_wait3A_282 = tpu.memref_squeeze %dma_wait3A_281 : memref<1x128x80xf32, #tpu.memory_space<vmem>> -> memref<128x80xf32, #tpu.memory_space<vmem>>
    %dma_wait3A_283 = arith.constant 1408 : i32
    %dma_wait3A_284 = tpu.memref_slice %arg27[%dma_wait3A_283] : memref<8192xi32, #tpu.memory_space<vmem>> -> memref<128xi32, #tpu.memory_space<vmem>>
    %dma_wait3A_285 = arith.constant 0 : i32
    %dma_wait3A_286 = arith.constant 0 : i32
    %dma_wait3A_287 = tpu.memref_slice %arg8[%dma_wait3A_285, %dma_wait3A_286] : memref<31253x80xf32, #tpu.memory_space<hbm>> -> memref<31253x80xf32, #tpu.memory_space<hbm>>
    tpu.wait_indirect_dma semaphore(%arg29 : memref<!tpu.dma_semaphore, #tpu.memory_space<semaphore_mem>>) src(%dma_wait3A_287 : memref<31253x80xf32, #tpu.memory_space<hbm>>) dst(%dma_wait3A_282 : memref<128x80xf32, #tpu.memory_space<vmem>>)
    %run_scoped3A_288 = arith.constant 0 : i32
    "tpu.region"() ({
      %run_scoped3A_1302 = tpu.sem_alloc : memref<!tpu.dma_semaphore, #tpu.memory_space<semaphore_mem>>
      %dma_start3A_1303 = arith.constant 0 : i32
      %dma_start3A_1304 = arith.constant 0 : i32
      %dma_start3A_1305 = tpu.memref_slice %arg28[%run_scoped3A_288, %dma_start3A_1303, %dma_start3A_1304] : memref<2x512x80xf32, #tpu.memory_space<vmem>> -> memref<1x512x80xf32, #tpu.memory_space<vmem>>
      %dma_start3A_1306 = tpu.memref_squeeze %dma_start3A_1305 : memref<1x512x80xf32, #tpu.memory_space<vmem>> -> memref<512x80xf32, #tpu.memory_space<vmem>>
      %dma_start3A_1307 = arith.constant 160 : i32
      %dma_start3A_1308 = tpu.memref_slice %arg22[%mul3A_2, %dma_start3A_1307] : memref<16384x1280xf32, #tpu.memory_space<hbm>> -> memref<512x80xf32, #tpu.memory_space<hbm>>
      %dma_start3A_1309 = arith.constant 160 : i32
      %dma_start3A_1310 = tpu.memref_slice %arg22[%mul3A_2, %dma_start3A_1309] : memref<16384x1280xf32, #tpu.memory_space<hbm>> -> memref<512x80xf32, #tpu.memory_space<hbm>>
      %dma_start3A_1311 = arith.constant 0 : i32
      %dma_start3A_1312 = arith.constant 0 : i32
      %dma_start3A_1313 = tpu.memref_slice %arg28[%run_scoped3A_288, %dma_start3A_1311, %dma_start3A_1312] : memref<2x512x80xf32, #tpu.memory_space<vmem>> -> memref<1x512x80xf32, #tpu.memory_space<vmem>>
      %dma_start3A_1314 = tpu.memref_squeeze %dma_start3A_1313 : memref<1x512x80xf32, #tpu.memory_space<vmem>> -> memref<512x80xf32, #tpu.memory_space<vmem>>
      tpu.enqueue_dma source(%dma_start3A_1314 : memref<512x80xf32, #tpu.memory_space<vmem>>) target(%dma_start3A_1310 : memref<512x80xf32, #tpu.memory_space<hbm>>) target_semaphore(%run_scoped3A_1302 : memref<!tpu.dma_semaphore, #tpu.memory_space<semaphore_mem>>)
      %dma_wait3A_1315 = arith.constant 0 : i32
      %dma_wait3A_1316 = arith.constant 0 : i32
      %dma_wait3A_1317 = tpu.memref_slice %arg28[%run_scoped3A_288, %dma_wait3A_1315, %dma_wait3A_1316] : memref<2x512x80xf32, #tpu.memory_space<vmem>> -> memref<1x512x80xf32, #tpu.memory_space<vmem>>
      %dma_wait3A_1318 = tpu.memref_squeeze %dma_wait3A_1317 : memref<1x512x80xf32, #tpu.memory_space<vmem>> -> memref<512x80xf32, #tpu.memory_space<vmem>>
      %dma_wait3A_1319 = arith.constant 160 : i32
      %dma_wait3A_1320 = tpu.memref_slice %arg22[%mul3A_2, %dma_wait3A_1319] : memref<16384x1280xf32, #tpu.memory_space<hbm>> -> memref<512x80xf32, #tpu.memory_space<hbm>>
      %dma_wait3A_1321 = arith.constant 160 : i32
      %dma_wait3A_1322 = tpu.memref_slice %arg22[%mul3A_2, %dma_wait3A_1321] : memref<16384x1280xf32, #tpu.memory_space<hbm>> -> memref<512x80xf32, #tpu.memory_space<hbm>>
      %dma_wait3A_1323 = arith.constant 0 : i32
      %dma_wait3A_1324 = arith.constant 0 : i32
      %dma_wait3A_1325 = tpu.memref_slice %arg28[%run_scoped3A_288, %dma_wait3A_1323, %dma_wait3A_1324] : memref<2x512x80xf32, #tpu.memory_space<vmem>> -> memref<1x512x80xf32, #tpu.memory_space<vmem>>
      %dma_wait3A_1326 = tpu.memref_squeeze %dma_wait3A_1325 : memref<1x512x80xf32, #tpu.memory_space<vmem>> -> memref<512x80xf32, #tpu.memory_space<vmem>>
      tpu.wait_dma2 semaphore(%run_scoped3A_1302 : memref<!tpu.dma_semaphore, #tpu.memory_space<semaphore_mem>>) src(%dma_wait3A_1326 : memref<512x80xf32, #tpu.memory_space<vmem>>) dst(%dma_wait3A_1322 : memref<512x80xf32, #tpu.memory_space<hbm>>)
      tpu.yield
    }) : () -> ()
    %dma_start3A_289 = arith.constant 0 : i32
    %dma_start3A_290 = arith.constant 0 : i32
    %dma_start3A_291 = arith.constant 0 : i32
    %dma_start3A_292 = tpu.memref_slice %arg28[%dma_start3A_289, %dma_start3A_290, %dma_start3A_291] : memref<2x512x80xf32, #tpu.memory_space<vmem>> -> memref<1x128x80xf32, #tpu.memory_space<vmem>>
    %dma_start3A_293 = tpu.memref_squeeze %dma_start3A_292 : memref<1x128x80xf32, #tpu.memory_space<vmem>> -> memref<128x80xf32, #tpu.memory_space<vmem>>
    %dma_start3A_294 = arith.constant 2048 : i32
    %dma_start3A_295 = tpu.memref_slice %arg27[%dma_start3A_294] : memref<8192xi32, #tpu.memory_space<vmem>> -> memref<128xi32, #tpu.memory_space<vmem>>
    %dma_start3A_296 = arith.constant 0 : i32
    %dma_start3A_297 = arith.constant 0 : i32
    %dma_start3A_298 = tpu.memref_slice %arg10[%dma_start3A_296, %dma_start3A_297] : memref<31253x80xf32, #tpu.memory_space<hbm>> -> memref<31253x80xf32, #tpu.memory_space<hbm>>
    tpu.enqueue_indirect_dma source(%dma_start3A_298 : memref<31253x80xf32, #tpu.memory_space<hbm>>) target(%dma_start3A_293 : memref<128x80xf32, #tpu.memory_space<vmem>>) offsets(%dma_start3A_295 : memref<128xi32, #tpu.memory_space<vmem>>) semaphore(%arg29 : memref<!tpu.dma_semaphore, #tpu.memory_space<semaphore_mem>>)
    %dma_start3A_299 = arith.constant 0 : i32
    %dma_start3A_300 = arith.constant 128 : i32
    %dma_start3A_301 = arith.constant 0 : i32
    %dma_start3A_302 = tpu.memref_slice %arg28[%dma_start3A_299, %dma_start3A_300, %dma_start3A_301] : memref<2x512x80xf32, #tpu.memory_space<vmem>> -> memref<1x128x80xf32, #tpu.memory_space<vmem>>
    %dma_start3A_303 = tpu.memref_squeeze %dma_start3A_302 : memref<1x128x80xf32, #tpu.memory_space<vmem>> -> memref<128x80xf32, #tpu.memory_space<vmem>>
    %dma_start3A_304 = arith.constant 2176 : i32
    %dma_start3A_305 = tpu.memref_slice %arg27[%dma_start3A_304] : memref<8192xi32, #tpu.memory_space<vmem>> -> memref<128xi32, #tpu.memory_space<vmem>>
    %dma_start3A_306 = arith.constant 0 : i32
    %dma_start3A_307 = arith.constant 0 : i32
    %dma_start3A_308 = tpu.memref_slice %arg10[%dma_start3A_306, %dma_start3A_307] : memref<31253x80xf32, #tpu.memory_space<hbm>> -> memref<31253x80xf32, #tpu.memory_space<hbm>>
    tpu.enqueue_indirect_dma source(%dma_start3A_308 : memref<31253x80xf32, #tpu.memory_space<hbm>>) target(%dma_start3A_303 : memref<128x80xf32, #tpu.memory_space<vmem>>) offsets(%dma_start3A_305 : memref<128xi32, #tpu.memory_space<vmem>>) semaphore(%arg29 : memref<!tpu.dma_semaphore, #tpu.memory_space<semaphore_mem>>)
    %dma_start3A_309 = arith.constant 0 : i32
    %dma_start3A_310 = arith.constant 256 : i32
    %dma_start3A_311 = arith.constant 0 : i32
    %dma_start3A_312 = tpu.memref_slice %arg28[%dma_start3A_309, %dma_start3A_310, %dma_start3A_311] : memref<2x512x80xf32, #tpu.memory_space<vmem>> -> memref<1x128x80xf32, #tpu.memory_space<vmem>>
    %dma_start3A_313 = tpu.memref_squeeze %dma_start3A_312 : memref<1x128x80xf32, #tpu.memory_space<vmem>> -> memref<128x80xf32, #tpu.memory_space<vmem>>
    %dma_start3A_314 = arith.constant 2304 : i32
    %dma_start3A_315 = tpu.memref_slice %arg27[%dma_start3A_314] : memref<8192xi32, #tpu.memory_space<vmem>> -> memref<128xi32, #tpu.memory_space<vmem>>
    %dma_start3A_316 = arith.constant 0 : i32
    %dma_start3A_317 = arith.constant 0 : i32
    %dma_start3A_318 = tpu.memref_slice %arg10[%dma_start3A_316, %dma_start3A_317] : memref<31253x80xf32, #tpu.memory_space<hbm>> -> memref<31253x80xf32, #tpu.memory_space<hbm>>
    tpu.enqueue_indirect_dma source(%dma_start3A_318 : memref<31253x80xf32, #tpu.memory_space<hbm>>) target(%dma_start3A_313 : memref<128x80xf32, #tpu.memory_space<vmem>>) offsets(%dma_start3A_315 : memref<128xi32, #tpu.memory_space<vmem>>) semaphore(%arg29 : memref<!tpu.dma_semaphore, #tpu.memory_space<semaphore_mem>>)
    %dma_start3A_319 = arith.constant 0 : i32
    %dma_start3A_320 = arith.constant 384 : i32
    %dma_start3A_321 = arith.constant 0 : i32
    %dma_start3A_322 = tpu.memref_slice %arg28[%dma_start3A_319, %dma_start3A_320, %dma_start3A_321] : memref<2x512x80xf32, #tpu.memory_space<vmem>> -> memref<1x128x80xf32, #tpu.memory_space<vmem>>
    %dma_start3A_323 = tpu.memref_squeeze %dma_start3A_322 : memref<1x128x80xf32, #tpu.memory_space<vmem>> -> memref<128x80xf32, #tpu.memory_space<vmem>>
    %dma_start3A_324 = arith.constant 2432 : i32
    %dma_start3A_325 = tpu.memref_slice %arg27[%dma_start3A_324] : memref<8192xi32, #tpu.memory_space<vmem>> -> memref<128xi32, #tpu.memory_space<vmem>>
    %dma_start3A_326 = arith.constant 0 : i32
    %dma_start3A_327 = arith.constant 0 : i32
    %dma_start3A_328 = tpu.memref_slice %arg10[%dma_start3A_326, %dma_start3A_327] : memref<31253x80xf32, #tpu.memory_space<hbm>> -> memref<31253x80xf32, #tpu.memory_space<hbm>>
    tpu.enqueue_indirect_dma source(%dma_start3A_328 : memref<31253x80xf32, #tpu.memory_space<hbm>>) target(%dma_start3A_323 : memref<128x80xf32, #tpu.memory_space<vmem>>) offsets(%dma_start3A_325 : memref<128xi32, #tpu.memory_space<vmem>>) semaphore(%arg29 : memref<!tpu.dma_semaphore, #tpu.memory_space<semaphore_mem>>)
    %dma_wait3A_329 = arith.constant 1 : i32
    %dma_wait3A_330 = arith.constant 0 : i32
    %dma_wait3A_331 = arith.constant 0 : i32
    %dma_wait3A_332 = tpu.memref_slice %arg28[%dma_wait3A_329, %dma_wait3A_330, %dma_wait3A_331] : memref<2x512x80xf32, #tpu.memory_space<vmem>> -> memref<1x128x80xf32, #tpu.memory_space<vmem>>
    %dma_wait3A_333 = tpu.memref_squeeze %dma_wait3A_332 : memref<1x128x80xf32, #tpu.memory_space<vmem>> -> memref<128x80xf32, #tpu.memory_space<vmem>>
    %dma_wait3A_334 = arith.constant 1536 : i32
    %dma_wait3A_335 = tpu.memref_slice %arg27[%dma_wait3A_334] : memref<8192xi32, #tpu.memory_space<vmem>> -> memref<128xi32, #tpu.memory_space<vmem>>
    %dma_wait3A_336 = arith.constant 0 : i32
    %dma_wait3A_337 = arith.constant 0 : i32
    %dma_wait3A_338 = tpu.memref_slice %arg9[%dma_wait3A_336, %dma_wait3A_337] : memref<31253x80xf32, #tpu.memory_space<hbm>> -> memref<31253x80xf32, #tpu.memory_space<hbm>>
    tpu.wait_indirect_dma semaphore(%arg30 : memref<!tpu.dma_semaphore, #tpu.memory_space<semaphore_mem>>) src(%dma_wait3A_338 : memref<31253x80xf32, #tpu.memory_space<hbm>>) dst(%dma_wait3A_333 : memref<128x80xf32, #tpu.memory_space<vmem>>)
    %dma_wait3A_339 = arith.constant 1 : i32
    %dma_wait3A_340 = arith.constant 128 : i32
    %dma_wait3A_341 = arith.constant 0 : i32
    %dma_wait3A_342 = tpu.memref_slice %arg28[%dma_wait3A_339, %dma_wait3A_340, %dma_wait3A_341] : memref<2x512x80xf32, #tpu.memory_space<vmem>> -> memref<1x128x80xf32, #tpu.memory_space<vmem>>
    %dma_wait3A_343 = tpu.memref_squeeze %dma_wait3A_342 : memref<1x128x80xf32, #tpu.memory_space<vmem>> -> memref<128x80xf32, #tpu.memory_space<vmem>>
    %dma_wait3A_344 = arith.constant 1664 : i32
    %dma_wait3A_345 = tpu.memref_slice %arg27[%dma_wait3A_344] : memref<8192xi32, #tpu.memory_space<vmem>> -> memref<128xi32, #tpu.memory_space<vmem>>
    %dma_wait3A_346 = arith.constant 0 : i32
    %dma_wait3A_347 = arith.constant 0 : i32
    %dma_wait3A_348 = tpu.memref_slice %arg9[%dma_wait3A_346, %dma_wait3A_347] : memref<31253x80xf32, #tpu.memory_space<hbm>> -> memref<31253x80xf32, #tpu.memory_space<hbm>>
    tpu.wait_indirect_dma semaphore(%arg30 : memref<!tpu.dma_semaphore, #tpu.memory_space<semaphore_mem>>) src(%dma_wait3A_348 : memref<31253x80xf32, #tpu.memory_space<hbm>>) dst(%dma_wait3A_343 : memref<128x80xf32, #tpu.memory_space<vmem>>)
    %dma_wait3A_349 = arith.constant 1 : i32
    %dma_wait3A_350 = arith.constant 256 : i32
    %dma_wait3A_351 = arith.constant 0 : i32
    %dma_wait3A_352 = tpu.memref_slice %arg28[%dma_wait3A_349, %dma_wait3A_350, %dma_wait3A_351] : memref<2x512x80xf32, #tpu.memory_space<vmem>> -> memref<1x128x80xf32, #tpu.memory_space<vmem>>
    %dma_wait3A_353 = tpu.memref_squeeze %dma_wait3A_352 : memref<1x128x80xf32, #tpu.memory_space<vmem>> -> memref<128x80xf32, #tpu.memory_space<vmem>>
    %dma_wait3A_354 = arith.constant 1792 : i32
    %dma_wait3A_355 = tpu.memref_slice %arg27[%dma_wait3A_354] : memref<8192xi32, #tpu.memory_space<vmem>> -> memref<128xi32, #tpu.memory_space<vmem>>
    %dma_wait3A_356 = arith.constant 0 : i32
    %dma_wait3A_357 = arith.constant 0 : i32
    %dma_wait3A_358 = tpu.memref_slice %arg9[%dma_wait3A_356, %dma_wait3A_357] : memref<31253x80xf32, #tpu.memory_space<hbm>> -> memref<31253x80xf32, #tpu.memory_space<hbm>>
    tpu.wait_indirect_dma semaphore(%arg30 : memref<!tpu.dma_semaphore, #tpu.memory_space<semaphore_mem>>) src(%dma_wait3A_358 : memref<31253x80xf32, #tpu.memory_space<hbm>>) dst(%dma_wait3A_353 : memref<128x80xf32, #tpu.memory_space<vmem>>)
    %dma_wait3A_359 = arith.constant 1 : i32
    %dma_wait3A_360 = arith.constant 384 : i32
    %dma_wait3A_361 = arith.constant 0 : i32
    %dma_wait3A_362 = tpu.memref_slice %arg28[%dma_wait3A_359, %dma_wait3A_360, %dma_wait3A_361] : memref<2x512x80xf32, #tpu.memory_space<vmem>> -> memref<1x128x80xf32, #tpu.memory_space<vmem>>
    %dma_wait3A_363 = tpu.memref_squeeze %dma_wait3A_362 : memref<1x128x80xf32, #tpu.memory_space<vmem>> -> memref<128x80xf32, #tpu.memory_space<vmem>>
    %dma_wait3A_364 = arith.constant 1920 : i32
    %dma_wait3A_365 = tpu.memref_slice %arg27[%dma_wait3A_364] : memref<8192xi32, #tpu.memory_space<vmem>> -> memref<128xi32, #tpu.memory_space<vmem>>
    %dma_wait3A_366 = arith.constant 0 : i32
    %dma_wait3A_367 = arith.constant 0 : i32
    %dma_wait3A_368 = tpu.memref_slice %arg9[%dma_wait3A_366, %dma_wait3A_367] : memref<31253x80xf32, #tpu.memory_space<hbm>> -> memref<31253x80xf32, #tpu.memory_space<hbm>>
    tpu.wait_indirect_dma semaphore(%arg30 : memref<!tpu.dma_semaphore, #tpu.memory_space<semaphore_mem>>) src(%dma_wait3A_368 : memref<31253x80xf32, #tpu.memory_space<hbm>>) dst(%dma_wait3A_363 : memref<128x80xf32, #tpu.memory_space<vmem>>)
    %run_scoped3A_369 = arith.constant 1 : i32
    "tpu.region"() ({
      %run_scoped3A_1302 = tpu.sem_alloc : memref<!tpu.dma_semaphore, #tpu.memory_space<semaphore_mem>>
      %dma_start3A_1303 = arith.constant 0 : i32
      %dma_start3A_1304 = arith.constant 0 : i32
      %dma_start3A_1305 = tpu.memref_slice %arg28[%run_scoped3A_369, %dma_start3A_1303, %dma_start3A_1304] : memref<2x512x80xf32, #tpu.memory_space<vmem>> -> memref<1x512x80xf32, #tpu.memory_space<vmem>>
      %dma_start3A_1306 = tpu.memref_squeeze %dma_start3A_1305 : memref<1x512x80xf32, #tpu.memory_space<vmem>> -> memref<512x80xf32, #tpu.memory_space<vmem>>
      %dma_start3A_1307 = arith.constant 240 : i32
      %dma_start3A_1308 = tpu.memref_slice %arg22[%mul3A_2, %dma_start3A_1307] : memref<16384x1280xf32, #tpu.memory_space<hbm>> -> memref<512x80xf32, #tpu.memory_space<hbm>>
      %dma_start3A_1309 = arith.constant 240 : i32
      %dma_start3A_1310 = tpu.memref_slice %arg22[%mul3A_2, %dma_start3A_1309] : memref<16384x1280xf32, #tpu.memory_space<hbm>> -> memref<512x80xf32, #tpu.memory_space<hbm>>
      %dma_start3A_1311 = arith.constant 0 : i32
      %dma_start3A_1312 = arith.constant 0 : i32
      %dma_start3A_1313 = tpu.memref_slice %arg28[%run_scoped3A_369, %dma_start3A_1311, %dma_start3A_1312] : memref<2x512x80xf32, #tpu.memory_space<vmem>> -> memref<1x512x80xf32, #tpu.memory_space<vmem>>
      %dma_start3A_1314 = tpu.memref_squeeze %dma_start3A_1313 : memref<1x512x80xf32, #tpu.memory_space<vmem>> -> memref<512x80xf32, #tpu.memory_space<vmem>>
      tpu.enqueue_dma source(%dma_start3A_1314 : memref<512x80xf32, #tpu.memory_space<vmem>>) target(%dma_start3A_1310 : memref<512x80xf32, #tpu.memory_space<hbm>>) target_semaphore(%run_scoped3A_1302 : memref<!tpu.dma_semaphore, #tpu.memory_space<semaphore_mem>>)
      %dma_wait3A_1315 = arith.constant 0 : i32
      %dma_wait3A_1316 = arith.constant 0 : i32
      %dma_wait3A_1317 = tpu.memref_slice %arg28[%run_scoped3A_369, %dma_wait3A_1315, %dma_wait3A_1316] : memref<2x512x80xf32, #tpu.memory_space<vmem>> -> memref<1x512x80xf32, #tpu.memory_space<vmem>>
      %dma_wait3A_1318 = tpu.memref_squeeze %dma_wait3A_1317 : memref<1x512x80xf32, #tpu.memory_space<vmem>> -> memref<512x80xf32, #tpu.memory_space<vmem>>
      %dma_wait3A_1319 = arith.constant 240 : i32
      %dma_wait3A_1320 = tpu.memref_slice %arg22[%mul3A_2, %dma_wait3A_1319] : memref<16384x1280xf32, #tpu.memory_space<hbm>> -> memref<512x80xf32, #tpu.memory_space<hbm>>
      %dma_wait3A_1321 = arith.constant 240 : i32
      %dma_wait3A_1322 = tpu.memref_slice %arg22[%mul3A_2, %dma_wait3A_1321] : memref<16384x1280xf32, #tpu.memory_space<hbm>> -> memref<512x80xf32, #tpu.memory_space<hbm>>
      %dma_wait3A_1323 = arith.constant 0 : i32
      %dma_wait3A_1324 = arith.constant 0 : i32
      %dma_wait3A_1325 = tpu.memref_slice %arg28[%run_scoped3A_369, %dma_wait3A_1323, %dma_wait3A_1324] : memref<2x512x80xf32, #tpu.memory_space<vmem>> -> memref<1x512x80xf32, #tpu.memory_space<vmem>>
      %dma_wait3A_1326 = tpu.memref_squeeze %dma_wait3A_1325 : memref<1x512x80xf32, #tpu.memory_space<vmem>> -> memref<512x80xf32, #tpu.memory_space<vmem>>
      tpu.wait_dma2 semaphore(%run_scoped3A_1302 : memref<!tpu.dma_semaphore, #tpu.memory_space<semaphore_mem>>) src(%dma_wait3A_1326 : memref<512x80xf32, #tpu.memory_space<vmem>>) dst(%dma_wait3A_1322 : memref<512x80xf32, #tpu.memory_space<hbm>>)
      tpu.yield
    }) : () -> ()
    %dma_start3A_370 = arith.constant 1 : i32
    %dma_start3A_371 = arith.constant 0 : i32
    %dma_start3A_372 = arith.constant 0 : i32
    %dma_start3A_373 = tpu.memref_slice %arg28[%dma_start3A_370, %dma_start3A_371, %dma_start3A_372] : memref<2x512x80xf32, #tpu.memory_space<vmem>> -> memref<1x128x80xf32, #tpu.memory_space<vmem>>
    %dma_start3A_374 = tpu.memref_squeeze %dma_start3A_373 : memref<1x128x80xf32, #tpu.memory_space<vmem>> -> memref<128x80xf32, #tpu.memory_space<vmem>>
    %dma_start3A_375 = arith.constant 2560 : i32
    %dma_start3A_376 = tpu.memref_slice %arg27[%dma_start3A_375] : memref<8192xi32, #tpu.memory_space<vmem>> -> memref<128xi32, #tpu.memory_space<vmem>>
    %dma_start3A_377 = arith.constant 0 : i32
    %dma_start3A_378 = arith.constant 0 : i32
    %dma_start3A_379 = tpu.memref_slice %arg11[%dma_start3A_377, %dma_start3A_378] : memref<31253x80xf32, #tpu.memory_space<hbm>> -> memref<31253x80xf32, #tpu.memory_space<hbm>>
    tpu.enqueue_indirect_dma source(%dma_start3A_379 : memref<31253x80xf32, #tpu.memory_space<hbm>>) target(%dma_start3A_374 : memref<128x80xf32, #tpu.memory_space<vmem>>) offsets(%dma_start3A_376 : memref<128xi32, #tpu.memory_space<vmem>>) semaphore(%arg30 : memref<!tpu.dma_semaphore, #tpu.memory_space<semaphore_mem>>)
    %dma_start3A_380 = arith.constant 1 : i32
    %dma_start3A_381 = arith.constant 128 : i32
    %dma_start3A_382 = arith.constant 0 : i32
    %dma_start3A_383 = tpu.memref_slice %arg28[%dma_start3A_380, %dma_start3A_381, %dma_start3A_382] : memref<2x512x80xf32, #tpu.memory_space<vmem>> -> memref<1x128x80xf32, #tpu.memory_space<vmem>>
    %dma_start3A_384 = tpu.memref_squeeze %dma_start3A_383 : memref<1x128x80xf32, #tpu.memory_space<vmem>> -> memref<128x80xf32, #tpu.memory_space<vmem>>
    %dma_start3A_385 = arith.constant 2688 : i32
    %dma_start3A_386 = tpu.memref_slice %arg27[%dma_start3A_385] : memref<8192xi32, #tpu.memory_space<vmem>> -> memref<128xi32, #tpu.memory_space<vmem>>
    %dma_start3A_387 = arith.constant 0 : i32
    %dma_start3A_388 = arith.constant 0 : i32
    %dma_start3A_389 = tpu.memref_slice %arg11[%dma_start3A_387, %dma_start3A_388] : memref<31253x80xf32, #tpu.memory_space<hbm>> -> memref<31253x80xf32, #tpu.memory_space<hbm>>
    tpu.enqueue_indirect_dma source(%dma_start3A_389 : memref<31253x80xf32, #tpu.memory_space<hbm>>) target(%dma_start3A_384 : memref<128x80xf32, #tpu.memory_space<vmem>>) offsets(%dma_start3A_386 : memref<128xi32, #tpu.memory_space<vmem>>) semaphore(%arg30 : memref<!tpu.dma_semaphore, #tpu.memory_space<semaphore_mem>>)
    %dma_start3A_390 = arith.constant 1 : i32
    %dma_start3A_391 = arith.constant 256 : i32
    %dma_start3A_392 = arith.constant 0 : i32
    %dma_start3A_393 = tpu.memref_slice %arg28[%dma_start3A_390, %dma_start3A_391, %dma_start3A_392] : memref<2x512x80xf32, #tpu.memory_space<vmem>> -> memref<1x128x80xf32, #tpu.memory_space<vmem>>
    %dma_start3A_394 = tpu.memref_squeeze %dma_start3A_393 : memref<1x128x80xf32, #tpu.memory_space<vmem>> -> memref<128x80xf32, #tpu.memory_space<vmem>>
    %dma_start3A_395 = arith.constant 2816 : i32
    %dma_start3A_396 = tpu.memref_slice %arg27[%dma_start3A_395] : memref<8192xi32, #tpu.memory_space<vmem>> -> memref<128xi32, #tpu.memory_space<vmem>>
    %dma_start3A_397 = arith.constant 0 : i32
    %dma_start3A_398 = arith.constant 0 : i32
    %dma_start3A_399 = tpu.memref_slice %arg11[%dma_start3A_397, %dma_start3A_398] : memref<31253x80xf32, #tpu.memory_space<hbm>> -> memref<31253x80xf32, #tpu.memory_space<hbm>>
    tpu.enqueue_indirect_dma source(%dma_start3A_399 : memref<31253x80xf32, #tpu.memory_space<hbm>>) target(%dma_start3A_394 : memref<128x80xf32, #tpu.memory_space<vmem>>) offsets(%dma_start3A_396 : memref<128xi32, #tpu.memory_space<vmem>>) semaphore(%arg30 : memref<!tpu.dma_semaphore, #tpu.memory_space<semaphore_mem>>)
    %dma_start3A_400 = arith.constant 1 : i32
    %dma_start3A_401 = arith.constant 384 : i32
    %dma_start3A_402 = arith.constant 0 : i32
    %dma_start3A_403 = tpu.memref_slice %arg28[%dma_start3A_400, %dma_start3A_401, %dma_start3A_402] : memref<2x512x80xf32, #tpu.memory_space<vmem>> -> memref<1x128x80xf32, #tpu.memory_space<vmem>>
    %dma_start3A_404 = tpu.memref_squeeze %dma_start3A_403 : memref<1x128x80xf32, #tpu.memory_space<vmem>> -> memref<128x80xf32, #tpu.memory_space<vmem>>
    %dma_start3A_405 = arith.constant 2944 : i32
    %dma_start3A_406 = tpu.memref_slice %arg27[%dma_start3A_405] : memref<8192xi32, #tpu.memory_space<vmem>> -> memref<128xi32, #tpu.memory_space<vmem>>
    %dma_start3A_407 = arith.constant 0 : i32
    %dma_start3A_408 = arith.constant 0 : i32
    %dma_start3A_409 = tpu.memref_slice %arg11[%dma_start3A_407, %dma_start3A_408] : memref<31253x80xf32, #tpu.memory_space<hbm>> -> memref<31253x80xf32, #tpu.memory_space<hbm>>
    tpu.enqueue_indirect_dma source(%dma_start3A_409 : memref<31253x80xf32, #tpu.memory_space<hbm>>) target(%dma_start3A_404 : memref<128x80xf32, #tpu.memory_space<vmem>>) offsets(%dma_start3A_406 : memref<128xi32, #tpu.memory_space<vmem>>) semaphore(%arg30 : memref<!tpu.dma_semaphore, #tpu.memory_space<semaphore_mem>>)
    %dma_wait3A_410 = arith.constant 0 : i32
    %dma_wait3A_411 = arith.constant 0 : i32
    %dma_wait3A_412 = arith.constant 0 : i32
    %dma_wait3A_413 = tpu.memref_slice %arg28[%dma_wait3A_410, %dma_wait3A_411, %dma_wait3A_412] : memref<2x512x80xf32, #tpu.memory_space<vmem>> -> memref<1x128x80xf32, #tpu.memory_space<vmem>>
    %dma_wait3A_414 = tpu.memref_squeeze %dma_wait3A_413 : memref<1x128x80xf32, #tpu.memory_space<vmem>> -> memref<128x80xf32, #tpu.memory_space<vmem>>
    %dma_wait3A_415 = arith.constant 2048 : i32
    %dma_wait3A_416 = tpu.memref_slice %arg27[%dma_wait3A_415] : memref<8192xi32, #tpu.memory_space<vmem>> -> memref<128xi32, #tpu.memory_space<vmem>>
    %dma_wait3A_417 = arith.constant 0 : i32
    %dma_wait3A_418 = arith.constant 0 : i32
    %dma_wait3A_419 = tpu.memref_slice %arg10[%dma_wait3A_417, %dma_wait3A_418] : memref<31253x80xf32, #tpu.memory_space<hbm>> -> memref<31253x80xf32, #tpu.memory_space<hbm>>
    tpu.wait_indirect_dma semaphore(%arg29 : memref<!tpu.dma_semaphore, #tpu.memory_space<semaphore_mem>>) src(%dma_wait3A_419 : memref<31253x80xf32, #tpu.memory_space<hbm>>) dst(%dma_wait3A_414 : memref<128x80xf32, #tpu.memory_space<vmem>>)
    %dma_wait3A_420 = arith.constant 0 : i32
    %dma_wait3A_421 = arith.constant 128 : i32
    %dma_wait3A_422 = arith.constant 0 : i32
    %dma_wait3A_423 = tpu.memref_slice %arg28[%dma_wait3A_420, %dma_wait3A_421, %dma_wait3A_422] : memref<2x512x80xf32, #tpu.memory_space<vmem>> -> memref<1x128x80xf32, #tpu.memory_space<vmem>>
    %dma_wait3A_424 = tpu.memref_squeeze %dma_wait3A_423 : memref<1x128x80xf32, #tpu.memory_space<vmem>> -> memref<128x80xf32, #tpu.memory_space<vmem>>
    %dma_wait3A_425 = arith.constant 2176 : i32
    %dma_wait3A_426 = tpu.memref_slice %arg27[%dma_wait3A_425] : memref<8192xi32, #tpu.memory_space<vmem>> -> memref<128xi32, #tpu.memory_space<vmem>>
    %dma_wait3A_427 = arith.constant 0 : i32
    %dma_wait3A_428 = arith.constant 0 : i32
    %dma_wait3A_429 = tpu.memref_slice %arg10[%dma_wait3A_427, %dma_wait3A_428] : memref<31253x80xf32, #tpu.memory_space<hbm>> -> memref<31253x80xf32, #tpu.memory_space<hbm>>
    tpu.wait_indirect_dma semaphore(%arg29 : memref<!tpu.dma_semaphore, #tpu.memory_space<semaphore_mem>>) src(%dma_wait3A_429 : memref<31253x80xf32, #tpu.memory_space<hbm>>) dst(%dma_wait3A_424 : memref<128x80xf32, #tpu.memory_space<vmem>>)
    %dma_wait3A_430 = arith.constant 0 : i32
    %dma_wait3A_431 = arith.constant 256 : i32
    %dma_wait3A_432 = arith.constant 0 : i32
    %dma_wait3A_433 = tpu.memref_slice %arg28[%dma_wait3A_430, %dma_wait3A_431, %dma_wait3A_432] : memref<2x512x80xf32, #tpu.memory_space<vmem>> -> memref<1x128x80xf32, #tpu.memory_space<vmem>>
    %dma_wait3A_434 = tpu.memref_squeeze %dma_wait3A_433 : memref<1x128x80xf32, #tpu.memory_space<vmem>> -> memref<128x80xf32, #tpu.memory_space<vmem>>
    %dma_wait3A_435 = arith.constant 2304 : i32
    %dma_wait3A_436 = tpu.memref_slice %arg27[%dma_wait3A_435] : memref<8192xi32, #tpu.memory_space<vmem>> -> memref<128xi32, #tpu.memory_space<vmem>>
    %dma_wait3A_437 = arith.constant 0 : i32
    %dma_wait3A_438 = arith.constant 0 : i32
    %dma_wait3A_439 = tpu.memref_slice %arg10[%dma_wait3A_437, %dma_wait3A_438] : memref<31253x80xf32, #tpu.memory_space<hbm>> -> memref<31253x80xf32, #tpu.memory_space<hbm>>
    tpu.wait_indirect_dma semaphore(%arg29 : memref<!tpu.dma_semaphore, #tpu.memory_space<semaphore_mem>>) src(%dma_wait3A_439 : memref<31253x80xf32, #tpu.memory_space<hbm>>) dst(%dma_wait3A_434 : memref<128x80xf32, #tpu.memory_space<vmem>>)
    %dma_wait3A_440 = arith.constant 0 : i32
    %dma_wait3A_441 = arith.constant 384 : i32
    %dma_wait3A_442 = arith.constant 0 : i32
    %dma_wait3A_443 = tpu.memref_slice %arg28[%dma_wait3A_440, %dma_wait3A_441, %dma_wait3A_442] : memref<2x512x80xf32, #tpu.memory_space<vmem>> -> memref<1x128x80xf32, #tpu.memory_space<vmem>>
    %dma_wait3A_444 = tpu.memref_squeeze %dma_wait3A_443 : memref<1x128x80xf32, #tpu.memory_space<vmem>> -> memref<128x80xf32, #tpu.memory_space<vmem>>
    %dma_wait3A_445 = arith.constant 2432 : i32
    %dma_wait3A_446 = tpu.memref_slice %arg27[%dma_wait3A_445] : memref<8192xi32, #tpu.memory_space<vmem>> -> memref<128xi32, #tpu.memory_space<vmem>>
    %dma_wait3A_447 = arith.constant 0 : i32
    %dma_wait3A_448 = arith.constant 0 : i32
    %dma_wait3A_449 = tpu.memref_slice %arg10[%dma_wait3A_447, %dma_wait3A_448] : memref<31253x80xf32, #tpu.memory_space<hbm>> -> memref<31253x80xf32, #tpu.memory_space<hbm>>
    tpu.wait_indirect_dma semaphore(%arg29 : memref<!tpu.dma_semaphore, #tpu.memory_space<semaphore_mem>>) src(%dma_wait3A_449 : memref<31253x80xf32, #tpu.memory_space<hbm>>) dst(%dma_wait3A_444 : memref<128x80xf32, #tpu.memory_space<vmem>>)
    %run_scoped3A_450 = arith.constant 0 : i32
    "tpu.region"() ({
      %run_scoped3A_1302 = tpu.sem_alloc : memref<!tpu.dma_semaphore, #tpu.memory_space<semaphore_mem>>
      %dma_start3A_1303 = arith.constant 0 : i32
      %dma_start3A_1304 = arith.constant 0 : i32
      %dma_start3A_1305 = tpu.memref_slice %arg28[%run_scoped3A_450, %dma_start3A_1303, %dma_start3A_1304] : memref<2x512x80xf32, #tpu.memory_space<vmem>> -> memref<1x512x80xf32, #tpu.memory_space<vmem>>
      %dma_start3A_1306 = tpu.memref_squeeze %dma_start3A_1305 : memref<1x512x80xf32, #tpu.memory_space<vmem>> -> memref<512x80xf32, #tpu.memory_space<vmem>>
      %dma_start3A_1307 = arith.constant 320 : i32
      %dma_start3A_1308 = tpu.memref_slice %arg22[%mul3A_2, %dma_start3A_1307] : memref<16384x1280xf32, #tpu.memory_space<hbm>> -> memref<512x80xf32, #tpu.memory_space<hbm>>
      %dma_start3A_1309 = arith.constant 320 : i32
      %dma_start3A_1310 = tpu.memref_slice %arg22[%mul3A_2, %dma_start3A_1309] : memref<16384x1280xf32, #tpu.memory_space<hbm>> -> memref<512x80xf32, #tpu.memory_space<hbm>>
      %dma_start3A_1311 = arith.constant 0 : i32
      %dma_start3A_1312 = arith.constant 0 : i32
      %dma_start3A_1313 = tpu.memref_slice %arg28[%run_scoped3A_450, %dma_start3A_1311, %dma_start3A_1312] : memref<2x512x80xf32, #tpu.memory_space<vmem>> -> memref<1x512x80xf32, #tpu.memory_space<vmem>>
      %dma_start3A_1314 = tpu.memref_squeeze %dma_start3A_1313 : memref<1x512x80xf32, #tpu.memory_space<vmem>> -> memref<512x80xf32, #tpu.memory_space<vmem>>
      tpu.enqueue_dma source(%dma_start3A_1314 : memref<512x80xf32, #tpu.memory_space<vmem>>) target(%dma_start3A_1310 : memref<512x80xf32, #tpu.memory_space<hbm>>) target_semaphore(%run_scoped3A_1302 : memref<!tpu.dma_semaphore, #tpu.memory_space<semaphore_mem>>)
      %dma_wait3A_1315 = arith.constant 0 : i32
      %dma_wait3A_1316 = arith.constant 0 : i32
      %dma_wait3A_1317 = tpu.memref_slice %arg28[%run_scoped3A_450, %dma_wait3A_1315, %dma_wait3A_1316] : memref<2x512x80xf32, #tpu.memory_space<vmem>> -> memref<1x512x80xf32, #tpu.memory_space<vmem>>
      %dma_wait3A_1318 = tpu.memref_squeeze %dma_wait3A_1317 : memref<1x512x80xf32, #tpu.memory_space<vmem>> -> memref<512x80xf32, #tpu.memory_space<vmem>>
      %dma_wait3A_1319 = arith.constant 320 : i32
      %dma_wait3A_1320 = tpu.memref_slice %arg22[%mul3A_2, %dma_wait3A_1319] : memref<16384x1280xf32, #tpu.memory_space<hbm>> -> memref<512x80xf32, #tpu.memory_space<hbm>>
      %dma_wait3A_1321 = arith.constant 320 : i32
      %dma_wait3A_1322 = tpu.memref_slice %arg22[%mul3A_2, %dma_wait3A_1321] : memref<16384x1280xf32, #tpu.memory_space<hbm>> -> memref<512x80xf32, #tpu.memory_space<hbm>>
      %dma_wait3A_1323 = arith.constant 0 : i32
      %dma_wait3A_1324 = arith.constant 0 : i32
      %dma_wait3A_1325 = tpu.memref_slice %arg28[%run_scoped3A_450, %dma_wait3A_1323, %dma_wait3A_1324] : memref<2x512x80xf32, #tpu.memory_space<vmem>> -> memref<1x512x80xf32, #tpu.memory_space<vmem>>
      %dma_wait3A_1326 = tpu.memref_squeeze %dma_wait3A_1325 : memref<1x512x80xf32, #tpu.memory_space<vmem>> -> memref<512x80xf32, #tpu.memory_space<vmem>>
      tpu.wait_dma2 semaphore(%run_scoped3A_1302 : memref<!tpu.dma_semaphore, #tpu.memory_space<semaphore_mem>>) src(%dma_wait3A_1326 : memref<512x80xf32, #tpu.memory_space<vmem>>) dst(%dma_wait3A_1322 : memref<512x80xf32, #tpu.memory_space<hbm>>)
      tpu.yield
    }) : () -> ()
    %dma_start3A_451 = arith.constant 0 : i32
    %dma_start3A_452 = arith.constant 0 : i32
    %dma_start3A_453 = arith.constant 0 : i32
    %dma_start3A_454 = tpu.memref_slice %arg28[%dma_start3A_451, %dma_start3A_452, %dma_start3A_453] : memref<2x512x80xf32, #tpu.memory_space<vmem>> -> memref<1x128x80xf32, #tpu.memory_space<vmem>>
    %dma_start3A_455 = tpu.memref_squeeze %dma_start3A_454 : memref<1x128x80xf32, #tpu.memory_space<vmem>> -> memref<128x80xf32, #tpu.memory_space<vmem>>
    %dma_start3A_456 = arith.constant 3072 : i32
    %dma_start3A_457 = tpu.memref_slice %arg27[%dma_start3A_456] : memref<8192xi32, #tpu.memory_space<vmem>> -> memref<128xi32, #tpu.memory_space<vmem>>
    %dma_start3A_458 = arith.constant 0 : i32
    %dma_start3A_459 = arith.constant 0 : i32
    %dma_start3A_460 = tpu.memref_slice %arg12[%dma_start3A_458, %dma_start3A_459] : memref<31253x80xf32, #tpu.memory_space<hbm>> -> memref<31253x80xf32, #tpu.memory_space<hbm>>
    tpu.enqueue_indirect_dma source(%dma_start3A_460 : memref<31253x80xf32, #tpu.memory_space<hbm>>) target(%dma_start3A_455 : memref<128x80xf32, #tpu.memory_space<vmem>>) offsets(%dma_start3A_457 : memref<128xi32, #tpu.memory_space<vmem>>) semaphore(%arg29 : memref<!tpu.dma_semaphore, #tpu.memory_space<semaphore_mem>>)
    %dma_start3A_461 = arith.constant 0 : i32
    %dma_start3A_462 = arith.constant 128 : i32
    %dma_start3A_463 = arith.constant 0 : i32
    %dma_start3A_464 = tpu.memref_slice %arg28[%dma_start3A_461, %dma_start3A_462, %dma_start3A_463] : memref<2x512x80xf32, #tpu.memory_space<vmem>> -> memref<1x128x80xf32, #tpu.memory_space<vmem>>
    %dma_start3A_465 = tpu.memref_squeeze %dma_start3A_464 : memref<1x128x80xf32, #tpu.memory_space<vmem>> -> memref<128x80xf32, #tpu.memory_space<vmem>>
    %dma_start3A_466 = arith.constant 3200 : i32
    %dma_start3A_467 = tpu.memref_slice %arg27[%dma_start3A_466] : memref<8192xi32, #tpu.memory_space<vmem>> -> memref<128xi32, #tpu.memory_space<vmem>>
    %dma_start3A_468 = arith.constant 0 : i32
    %dma_start3A_469 = arith.constant 0 : i32
    %dma_start3A_470 = tpu.memref_slice %arg12[%dma_start3A_468, %dma_start3A_469] : memref<31253x80xf32, #tpu.memory_space<hbm>> -> memref<31253x80xf32, #tpu.memory_space<hbm>>
    tpu.enqueue_indirect_dma source(%dma_start3A_470 : memref<31253x80xf32, #tpu.memory_space<hbm>>) target(%dma_start3A_465 : memref<128x80xf32, #tpu.memory_space<vmem>>) offsets(%dma_start3A_467 : memref<128xi32, #tpu.memory_space<vmem>>) semaphore(%arg29 : memref<!tpu.dma_semaphore, #tpu.memory_space<semaphore_mem>>)
    %dma_start3A_471 = arith.constant 0 : i32
    %dma_start3A_472 = arith.constant 256 : i32
    %dma_start3A_473 = arith.constant 0 : i32
    %dma_start3A_474 = tpu.memref_slice %arg28[%dma_start3A_471, %dma_start3A_472, %dma_start3A_473] : memref<2x512x80xf32, #tpu.memory_space<vmem>> -> memref<1x128x80xf32, #tpu.memory_space<vmem>>
    %dma_start3A_475 = tpu.memref_squeeze %dma_start3A_474 : memref<1x128x80xf32, #tpu.memory_space<vmem>> -> memref<128x80xf32, #tpu.memory_space<vmem>>
    %dma_start3A_476 = arith.constant 3328 : i32
    %dma_start3A_477 = tpu.memref_slice %arg27[%dma_start3A_476] : memref<8192xi32, #tpu.memory_space<vmem>> -> memref<128xi32, #tpu.memory_space<vmem>>
    %dma_start3A_478 = arith.constant 0 : i32
    %dma_start3A_479 = arith.constant 0 : i32
    %dma_start3A_480 = tpu.memref_slice %arg12[%dma_start3A_478, %dma_start3A_479] : memref<31253x80xf32, #tpu.memory_space<hbm>> -> memref<31253x80xf32, #tpu.memory_space<hbm>>
    tpu.enqueue_indirect_dma source(%dma_start3A_480 : memref<31253x80xf32, #tpu.memory_space<hbm>>) target(%dma_start3A_475 : memref<128x80xf32, #tpu.memory_space<vmem>>) offsets(%dma_start3A_477 : memref<128xi32, #tpu.memory_space<vmem>>) semaphore(%arg29 : memref<!tpu.dma_semaphore, #tpu.memory_space<semaphore_mem>>)
    %dma_start3A_481 = arith.constant 0 : i32
    %dma_start3A_482 = arith.constant 384 : i32
    %dma_start3A_483 = arith.constant 0 : i32
    %dma_start3A_484 = tpu.memref_slice %arg28[%dma_start3A_481, %dma_start3A_482, %dma_start3A_483] : memref<2x512x80xf32, #tpu.memory_space<vmem>> -> memref<1x128x80xf32, #tpu.memory_space<vmem>>
    %dma_start3A_485 = tpu.memref_squeeze %dma_start3A_484 : memref<1x128x80xf32, #tpu.memory_space<vmem>> -> memref<128x80xf32, #tpu.memory_space<vmem>>
    %dma_start3A_486 = arith.constant 3456 : i32
    %dma_start3A_487 = tpu.memref_slice %arg27[%dma_start3A_486] : memref<8192xi32, #tpu.memory_space<vmem>> -> memref<128xi32, #tpu.memory_space<vmem>>
    %dma_start3A_488 = arith.constant 0 : i32
    %dma_start3A_489 = arith.constant 0 : i32
    %dma_start3A_490 = tpu.memref_slice %arg12[%dma_start3A_488, %dma_start3A_489] : memref<31253x80xf32, #tpu.memory_space<hbm>> -> memref<31253x80xf32, #tpu.memory_space<hbm>>
    tpu.enqueue_indirect_dma source(%dma_start3A_490 : memref<31253x80xf32, #tpu.memory_space<hbm>>) target(%dma_start3A_485 : memref<128x80xf32, #tpu.memory_space<vmem>>) offsets(%dma_start3A_487 : memref<128xi32, #tpu.memory_space<vmem>>) semaphore(%arg29 : memref<!tpu.dma_semaphore, #tpu.memory_space<semaphore_mem>>)
    %dma_wait3A_491 = arith.constant 1 : i32
    %dma_wait3A_492 = arith.constant 0 : i32
    %dma_wait3A_493 = arith.constant 0 : i32
    %dma_wait3A_494 = tpu.memref_slice %arg28[%dma_wait3A_491, %dma_wait3A_492, %dma_wait3A_493] : memref<2x512x80xf32, #tpu.memory_space<vmem>> -> memref<1x128x80xf32, #tpu.memory_space<vmem>>
    %dma_wait3A_495 = tpu.memref_squeeze %dma_wait3A_494 : memref<1x128x80xf32, #tpu.memory_space<vmem>> -> memref<128x80xf32, #tpu.memory_space<vmem>>
    %dma_wait3A_496 = arith.constant 2560 : i32
    %dma_wait3A_497 = tpu.memref_slice %arg27[%dma_wait3A_496] : memref<8192xi32, #tpu.memory_space<vmem>> -> memref<128xi32, #tpu.memory_space<vmem>>
    %dma_wait3A_498 = arith.constant 0 : i32
    %dma_wait3A_499 = arith.constant 0 : i32
    %dma_wait3A_500 = tpu.memref_slice %arg11[%dma_wait3A_498, %dma_wait3A_499] : memref<31253x80xf32, #tpu.memory_space<hbm>> -> memref<31253x80xf32, #tpu.memory_space<hbm>>
    tpu.wait_indirect_dma semaphore(%arg30 : memref<!tpu.dma_semaphore, #tpu.memory_space<semaphore_mem>>) src(%dma_wait3A_500 : memref<31253x80xf32, #tpu.memory_space<hbm>>) dst(%dma_wait3A_495 : memref<128x80xf32, #tpu.memory_space<vmem>>)
    %dma_wait3A_501 = arith.constant 1 : i32
    %dma_wait3A_502 = arith.constant 128 : i32
    %dma_wait3A_503 = arith.constant 0 : i32
    %dma_wait3A_504 = tpu.memref_slice %arg28[%dma_wait3A_501, %dma_wait3A_502, %dma_wait3A_503] : memref<2x512x80xf32, #tpu.memory_space<vmem>> -> memref<1x128x80xf32, #tpu.memory_space<vmem>>
    %dma_wait3A_505 = tpu.memref_squeeze %dma_wait3A_504 : memref<1x128x80xf32, #tpu.memory_space<vmem>> -> memref<128x80xf32, #tpu.memory_space<vmem>>
    %dma_wait3A_506 = arith.constant 2688 : i32
    %dma_wait3A_507 = tpu.memref_slice %arg27[%dma_wait3A_506] : memref<8192xi32, #tpu.memory_space<vmem>> -> memref<128xi32, #tpu.memory_space<vmem>>
    %dma_wait3A_508 = arith.constant 0 : i32
    %dma_wait3A_509 = arith.constant 0 : i32
    %dma_wait3A_510 = tpu.memref_slice %arg11[%dma_wait3A_508, %dma_wait3A_509] : memref<31253x80xf32, #tpu.memory_space<hbm>> -> memref<31253x80xf32, #tpu.memory_space<hbm>>
    tpu.wait_indirect_dma semaphore(%arg30 : memref<!tpu.dma_semaphore, #tpu.memory_space<semaphore_mem>>) src(%dma_wait3A_510 : memref<31253x80xf32, #tpu.memory_space<hbm>>) dst(%dma_wait3A_505 : memref<128x80xf32, #tpu.memory_space<vmem>>)
    %dma_wait3A_511 = arith.constant 1 : i32
    %dma_wait3A_512 = arith.constant 256 : i32
    %dma_wait3A_513 = arith.constant 0 : i32
    %dma_wait3A_514 = tpu.memref_slice %arg28[%dma_wait3A_511, %dma_wait3A_512, %dma_wait3A_513] : memref<2x512x80xf32, #tpu.memory_space<vmem>> -> memref<1x128x80xf32, #tpu.memory_space<vmem>>
    %dma_wait3A_515 = tpu.memref_squeeze %dma_wait3A_514 : memref<1x128x80xf32, #tpu.memory_space<vmem>> -> memref<128x80xf32, #tpu.memory_space<vmem>>
    %dma_wait3A_516 = arith.constant 2816 : i32
    %dma_wait3A_517 = tpu.memref_slice %arg27[%dma_wait3A_516] : memref<8192xi32, #tpu.memory_space<vmem>> -> memref<128xi32, #tpu.memory_space<vmem>>
    %dma_wait3A_518 = arith.constant 0 : i32
    %dma_wait3A_519 = arith.constant 0 : i32
    %dma_wait3A_520 = tpu.memref_slice %arg11[%dma_wait3A_518, %dma_wait3A_519] : memref<31253x80xf32, #tpu.memory_space<hbm>> -> memref<31253x80xf32, #tpu.memory_space<hbm>>
    tpu.wait_indirect_dma semaphore(%arg30 : memref<!tpu.dma_semaphore, #tpu.memory_space<semaphore_mem>>) src(%dma_wait3A_520 : memref<31253x80xf32, #tpu.memory_space<hbm>>) dst(%dma_wait3A_515 : memref<128x80xf32, #tpu.memory_space<vmem>>)
    %dma_wait3A_521 = arith.constant 1 : i32
    %dma_wait3A_522 = arith.constant 384 : i32
    %dma_wait3A_523 = arith.constant 0 : i32
    %dma_wait3A_524 = tpu.memref_slice %arg28[%dma_wait3A_521, %dma_wait3A_522, %dma_wait3A_523] : memref<2x512x80xf32, #tpu.memory_space<vmem>> -> memref<1x128x80xf32, #tpu.memory_space<vmem>>
    %dma_wait3A_525 = tpu.memref_squeeze %dma_wait3A_524 : memref<1x128x80xf32, #tpu.memory_space<vmem>> -> memref<128x80xf32, #tpu.memory_space<vmem>>
    %dma_wait3A_526 = arith.constant 2944 : i32
    %dma_wait3A_527 = tpu.memref_slice %arg27[%dma_wait3A_526] : memref<8192xi32, #tpu.memory_space<vmem>> -> memref<128xi32, #tpu.memory_space<vmem>>
    %dma_wait3A_528 = arith.constant 0 : i32
    %dma_wait3A_529 = arith.constant 0 : i32
    %dma_wait3A_530 = tpu.memref_slice %arg11[%dma_wait3A_528, %dma_wait3A_529] : memref<31253x80xf32, #tpu.memory_space<hbm>> -> memref<31253x80xf32, #tpu.memory_space<hbm>>
    tpu.wait_indirect_dma semaphore(%arg30 : memref<!tpu.dma_semaphore, #tpu.memory_space<semaphore_mem>>) src(%dma_wait3A_530 : memref<31253x80xf32, #tpu.memory_space<hbm>>) dst(%dma_wait3A_525 : memref<128x80xf32, #tpu.memory_space<vmem>>)
    %run_scoped3A_531 = arith.constant 1 : i32
    "tpu.region"() ({
      %run_scoped3A_1302 = tpu.sem_alloc : memref<!tpu.dma_semaphore, #tpu.memory_space<semaphore_mem>>
      %dma_start3A_1303 = arith.constant 0 : i32
      %dma_start3A_1304 = arith.constant 0 : i32
      %dma_start3A_1305 = tpu.memref_slice %arg28[%run_scoped3A_531, %dma_start3A_1303, %dma_start3A_1304] : memref<2x512x80xf32, #tpu.memory_space<vmem>> -> memref<1x512x80xf32, #tpu.memory_space<vmem>>
      %dma_start3A_1306 = tpu.memref_squeeze %dma_start3A_1305 : memref<1x512x80xf32, #tpu.memory_space<vmem>> -> memref<512x80xf32, #tpu.memory_space<vmem>>
      %dma_start3A_1307 = arith.constant 400 : i32
      %dma_start3A_1308 = tpu.memref_slice %arg22[%mul3A_2, %dma_start3A_1307] : memref<16384x1280xf32, #tpu.memory_space<hbm>> -> memref<512x80xf32, #tpu.memory_space<hbm>>
      %dma_start3A_1309 = arith.constant 400 : i32
      %dma_start3A_1310 = tpu.memref_slice %arg22[%mul3A_2, %dma_start3A_1309] : memref<16384x1280xf32, #tpu.memory_space<hbm>> -> memref<512x80xf32, #tpu.memory_space<hbm>>
      %dma_start3A_1311 = arith.constant 0 : i32
      %dma_start3A_1312 = arith.constant 0 : i32
      %dma_start3A_1313 = tpu.memref_slice %arg28[%run_scoped3A_531, %dma_start3A_1311, %dma_start3A_1312] : memref<2x512x80xf32, #tpu.memory_space<vmem>> -> memref<1x512x80xf32, #tpu.memory_space<vmem>>
      %dma_start3A_1314 = tpu.memref_squeeze %dma_start3A_1313 : memref<1x512x80xf32, #tpu.memory_space<vmem>> -> memref<512x80xf32, #tpu.memory_space<vmem>>
      tpu.enqueue_dma source(%dma_start3A_1314 : memref<512x80xf32, #tpu.memory_space<vmem>>) target(%dma_start3A_1310 : memref<512x80xf32, #tpu.memory_space<hbm>>) target_semaphore(%run_scoped3A_1302 : memref<!tpu.dma_semaphore, #tpu.memory_space<semaphore_mem>>)
      %dma_wait3A_1315 = arith.constant 0 : i32
      %dma_wait3A_1316 = arith.constant 0 : i32
      %dma_wait3A_1317 = tpu.memref_slice %arg28[%run_scoped3A_531, %dma_wait3A_1315, %dma_wait3A_1316] : memref<2x512x80xf32, #tpu.memory_space<vmem>> -> memref<1x512x80xf32, #tpu.memory_space<vmem>>
      %dma_wait3A_1318 = tpu.memref_squeeze %dma_wait3A_1317 : memref<1x512x80xf32, #tpu.memory_space<vmem>> -> memref<512x80xf32, #tpu.memory_space<vmem>>
      %dma_wait3A_1319 = arith.constant 400 : i32
      %dma_wait3A_1320 = tpu.memref_slice %arg22[%mul3A_2, %dma_wait3A_1319] : memref<16384x1280xf32, #tpu.memory_space<hbm>> -> memref<512x80xf32, #tpu.memory_space<hbm>>
      %dma_wait3A_1321 = arith.constant 400 : i32
      %dma_wait3A_1322 = tpu.memref_slice %arg22[%mul3A_2, %dma_wait3A_1321] : memref<16384x1280xf32, #tpu.memory_space<hbm>> -> memref<512x80xf32, #tpu.memory_space<hbm>>
      %dma_wait3A_1323 = arith.constant 0 : i32
      %dma_wait3A_1324 = arith.constant 0 : i32
      %dma_wait3A_1325 = tpu.memref_slice %arg28[%run_scoped3A_531, %dma_wait3A_1323, %dma_wait3A_1324] : memref<2x512x80xf32, #tpu.memory_space<vmem>> -> memref<1x512x80xf32, #tpu.memory_space<vmem>>
      %dma_wait3A_1326 = tpu.memref_squeeze %dma_wait3A_1325 : memref<1x512x80xf32, #tpu.memory_space<vmem>> -> memref<512x80xf32, #tpu.memory_space<vmem>>
      tpu.wait_dma2 semaphore(%run_scoped3A_1302 : memref<!tpu.dma_semaphore, #tpu.memory_space<semaphore_mem>>) src(%dma_wait3A_1326 : memref<512x80xf32, #tpu.memory_space<vmem>>) dst(%dma_wait3A_1322 : memref<512x80xf32, #tpu.memory_space<hbm>>)
      tpu.yield
    }) : () -> ()
    %dma_start3A_532 = arith.constant 1 : i32
    %dma_start3A_533 = arith.constant 0 : i32
    %dma_start3A_534 = arith.constant 0 : i32
    %dma_start3A_535 = tpu.memref_slice %arg28[%dma_start3A_532, %dma_start3A_533, %dma_start3A_534] : memref<2x512x80xf32, #tpu.memory_space<vmem>> -> memref<1x128x80xf32, #tpu.memory_space<vmem>>
    %dma_start3A_536 = tpu.memref_squeeze %dma_start3A_535 : memref<1x128x80xf32, #tpu.memory_space<vmem>> -> memref<128x80xf32, #tpu.memory_space<vmem>>
    %dma_start3A_537 = arith.constant 3584 : i32
    %dma_start3A_538 = tpu.memref_slice %arg27[%dma_start3A_537] : memref<8192xi32, #tpu.memory_space<vmem>> -> memref<128xi32, #tpu.memory_space<vmem>>
    %dma_start3A_539 = arith.constant 0 : i32
    %dma_start3A_540 = arith.constant 0 : i32
    %dma_start3A_541 = tpu.memref_slice %arg13[%dma_start3A_539, %dma_start3A_540] : memref<31253x80xf32, #tpu.memory_space<hbm>> -> memref<31253x80xf32, #tpu.memory_space<hbm>>
    tpu.enqueue_indirect_dma source(%dma_start3A_541 : memref<31253x80xf32, #tpu.memory_space<hbm>>) target(%dma_start3A_536 : memref<128x80xf32, #tpu.memory_space<vmem>>) offsets(%dma_start3A_538 : memref<128xi32, #tpu.memory_space<vmem>>) semaphore(%arg30 : memref<!tpu.dma_semaphore, #tpu.memory_space<semaphore_mem>>)
    %dma_start3A_542 = arith.constant 1 : i32
    %dma_start3A_543 = arith.constant 128 : i32
    %dma_start3A_544 = arith.constant 0 : i32
    %dma_start3A_545 = tpu.memref_slice %arg28[%dma_start3A_542, %dma_start3A_543, %dma_start3A_544] : memref<2x512x80xf32, #tpu.memory_space<vmem>> -> memref<1x128x80xf32, #tpu.memory_space<vmem>>
    %dma_start3A_546 = tpu.memref_squeeze %dma_start3A_545 : memref<1x128x80xf32, #tpu.memory_space<vmem>> -> memref<128x80xf32, #tpu.memory_space<vmem>>
    %dma_start3A_547 = arith.constant 3712 : i32
    %dma_start3A_548 = tpu.memref_slice %arg27[%dma_start3A_547] : memref<8192xi32, #tpu.memory_space<vmem>> -> memref<128xi32, #tpu.memory_space<vmem>>
    %dma_start3A_549 = arith.constant 0 : i32
    %dma_start3A_550 = arith.constant 0 : i32
    %dma_start3A_551 = tpu.memref_slice %arg13[%dma_start3A_549, %dma_start3A_550] : memref<31253x80xf32, #tpu.memory_space<hbm>> -> memref<31253x80xf32, #tpu.memory_space<hbm>>
    tpu.enqueue_indirect_dma source(%dma_start3A_551 : memref<31253x80xf32, #tpu.memory_space<hbm>>) target(%dma_start3A_546 : memref<128x80xf32, #tpu.memory_space<vmem>>) offsets(%dma_start3A_548 : memref<128xi32, #tpu.memory_space<vmem>>) semaphore(%arg30 : memref<!tpu.dma_semaphore, #tpu.memory_space<semaphore_mem>>)
    %dma_start3A_552 = arith.constant 1 : i32
    %dma_start3A_553 = arith.constant 256 : i32
    %dma_start3A_554 = arith.constant 0 : i32
    %dma_start3A_555 = tpu.memref_slice %arg28[%dma_start3A_552, %dma_start3A_553, %dma_start3A_554] : memref<2x512x80xf32, #tpu.memory_space<vmem>> -> memref<1x128x80xf32, #tpu.memory_space<vmem>>
    %dma_start3A_556 = tpu.memref_squeeze %dma_start3A_555 : memref<1x128x80xf32, #tpu.memory_space<vmem>> -> memref<128x80xf32, #tpu.memory_space<vmem>>
    %dma_start3A_557 = arith.constant 3840 : i32
    %dma_start3A_558 = tpu.memref_slice %arg27[%dma_start3A_557] : memref<8192xi32, #tpu.memory_space<vmem>> -> memref<128xi32, #tpu.memory_space<vmem>>
    %dma_start3A_559 = arith.constant 0 : i32
    %dma_start3A_560 = arith.constant 0 : i32
    %dma_start3A_561 = tpu.memref_slice %arg13[%dma_start3A_559, %dma_start3A_560] : memref<31253x80xf32, #tpu.memory_space<hbm>> -> memref<31253x80xf32, #tpu.memory_space<hbm>>
    tpu.enqueue_indirect_dma source(%dma_start3A_561 : memref<31253x80xf32, #tpu.memory_space<hbm>>) target(%dma_start3A_556 : memref<128x80xf32, #tpu.memory_space<vmem>>) offsets(%dma_start3A_558 : memref<128xi32, #tpu.memory_space<vmem>>) semaphore(%arg30 : memref<!tpu.dma_semaphore, #tpu.memory_space<semaphore_mem>>)
    %dma_start3A_562 = arith.constant 1 : i32
    %dma_start3A_563 = arith.constant 384 : i32
    %dma_start3A_564 = arith.constant 0 : i32
    %dma_start3A_565 = tpu.memref_slice %arg28[%dma_start3A_562, %dma_start3A_563, %dma_start3A_564] : memref<2x512x80xf32, #tpu.memory_space<vmem>> -> memref<1x128x80xf32, #tpu.memory_space<vmem>>
    %dma_start3A_566 = tpu.memref_squeeze %dma_start3A_565 : memref<1x128x80xf32, #tpu.memory_space<vmem>> -> memref<128x80xf32, #tpu.memory_space<vmem>>
    %dma_start3A_567 = arith.constant 3968 : i32
    %dma_start3A_568 = tpu.memref_slice %arg27[%dma_start3A_567] : memref<8192xi32, #tpu.memory_space<vmem>> -> memref<128xi32, #tpu.memory_space<vmem>>
    %dma_start3A_569 = arith.constant 0 : i32
    %dma_start3A_570 = arith.constant 0 : i32
    %dma_start3A_571 = tpu.memref_slice %arg13[%dma_start3A_569, %dma_start3A_570] : memref<31253x80xf32, #tpu.memory_space<hbm>> -> memref<31253x80xf32, #tpu.memory_space<hbm>>
    tpu.enqueue_indirect_dma source(%dma_start3A_571 : memref<31253x80xf32, #tpu.memory_space<hbm>>) target(%dma_start3A_566 : memref<128x80xf32, #tpu.memory_space<vmem>>) offsets(%dma_start3A_568 : memref<128xi32, #tpu.memory_space<vmem>>) semaphore(%arg30 : memref<!tpu.dma_semaphore, #tpu.memory_space<semaphore_mem>>)
    %dma_wait3A_572 = arith.constant 0 : i32
    %dma_wait3A_573 = arith.constant 0 : i32
    %dma_wait3A_574 = arith.constant 0 : i32
    %dma_wait3A_575 = tpu.memref_slice %arg28[%dma_wait3A_572, %dma_wait3A_573, %dma_wait3A_574] : memref<2x512x80xf32, #tpu.memory_space<vmem>> -> memref<1x128x80xf32, #tpu.memory_space<vmem>>
    %dma_wait3A_576 = tpu.memref_squeeze %dma_wait3A_575 : memref<1x128x80xf32, #tpu.memory_space<vmem>> -> memref<128x80xf32, #tpu.memory_space<vmem>>
    %dma_wait3A_577 = arith.constant 3072 : i32
    %dma_wait3A_578 = tpu.memref_slice %arg27[%dma_wait3A_577] : memref<8192xi32, #tpu.memory_space<vmem>> -> memref<128xi32, #tpu.memory_space<vmem>>
    %dma_wait3A_579 = arith.constant 0 : i32
    %dma_wait3A_580 = arith.constant 0 : i32
    %dma_wait3A_581 = tpu.memref_slice %arg12[%dma_wait3A_579, %dma_wait3A_580] : memref<31253x80xf32, #tpu.memory_space<hbm>> -> memref<31253x80xf32, #tpu.memory_space<hbm>>
    tpu.wait_indirect_dma semaphore(%arg29 : memref<!tpu.dma_semaphore, #tpu.memory_space<semaphore_mem>>) src(%dma_wait3A_581 : memref<31253x80xf32, #tpu.memory_space<hbm>>) dst(%dma_wait3A_576 : memref<128x80xf32, #tpu.memory_space<vmem>>)
    %dma_wait3A_582 = arith.constant 0 : i32
    %dma_wait3A_583 = arith.constant 128 : i32
    %dma_wait3A_584 = arith.constant 0 : i32
    %dma_wait3A_585 = tpu.memref_slice %arg28[%dma_wait3A_582, %dma_wait3A_583, %dma_wait3A_584] : memref<2x512x80xf32, #tpu.memory_space<vmem>> -> memref<1x128x80xf32, #tpu.memory_space<vmem>>
    %dma_wait3A_586 = tpu.memref_squeeze %dma_wait3A_585 : memref<1x128x80xf32, #tpu.memory_space<vmem>> -> memref<128x80xf32, #tpu.memory_space<vmem>>
    %dma_wait3A_587 = arith.constant 3200 : i32
    %dma_wait3A_588 = tpu.memref_slice %arg27[%dma_wait3A_587] : memref<8192xi32, #tpu.memory_space<vmem>> -> memref<128xi32, #tpu.memory_space<vmem>>
    %dma_wait3A_589 = arith.constant 0 : i32
    %dma_wait3A_590 = arith.constant 0 : i32
    %dma_wait3A_591 = tpu.memref_slice %arg12[%dma_wait3A_589, %dma_wait3A_590] : memref<31253x80xf32, #tpu.memory_space<hbm>> -> memref<31253x80xf32, #tpu.memory_space<hbm>>
    tpu.wait_indirect_dma semaphore(%arg29 : memref<!tpu.dma_semaphore, #tpu.memory_space<semaphore_mem>>) src(%dma_wait3A_591 : memref<31253x80xf32, #tpu.memory_space<hbm>>) dst(%dma_wait3A_586 : memref<128x80xf32, #tpu.memory_space<vmem>>)
    %dma_wait3A_592 = arith.constant 0 : i32
    %dma_wait3A_593 = arith.constant 256 : i32
    %dma_wait3A_594 = arith.constant 0 : i32
    %dma_wait3A_595 = tpu.memref_slice %arg28[%dma_wait3A_592, %dma_wait3A_593, %dma_wait3A_594] : memref<2x512x80xf32, #tpu.memory_space<vmem>> -> memref<1x128x80xf32, #tpu.memory_space<vmem>>
    %dma_wait3A_596 = tpu.memref_squeeze %dma_wait3A_595 : memref<1x128x80xf32, #tpu.memory_space<vmem>> -> memref<128x80xf32, #tpu.memory_space<vmem>>
    %dma_wait3A_597 = arith.constant 3328 : i32
    %dma_wait3A_598 = tpu.memref_slice %arg27[%dma_wait3A_597] : memref<8192xi32, #tpu.memory_space<vmem>> -> memref<128xi32, #tpu.memory_space<vmem>>
    %dma_wait3A_599 = arith.constant 0 : i32
    %dma_wait3A_600 = arith.constant 0 : i32
    %dma_wait3A_601 = tpu.memref_slice %arg12[%dma_wait3A_599, %dma_wait3A_600] : memref<31253x80xf32, #tpu.memory_space<hbm>> -> memref<31253x80xf32, #tpu.memory_space<hbm>>
    tpu.wait_indirect_dma semaphore(%arg29 : memref<!tpu.dma_semaphore, #tpu.memory_space<semaphore_mem>>) src(%dma_wait3A_601 : memref<31253x80xf32, #tpu.memory_space<hbm>>) dst(%dma_wait3A_596 : memref<128x80xf32, #tpu.memory_space<vmem>>)
    %dma_wait3A_602 = arith.constant 0 : i32
    %dma_wait3A_603 = arith.constant 384 : i32
    %dma_wait3A_604 = arith.constant 0 : i32
    %dma_wait3A_605 = tpu.memref_slice %arg28[%dma_wait3A_602, %dma_wait3A_603, %dma_wait3A_604] : memref<2x512x80xf32, #tpu.memory_space<vmem>> -> memref<1x128x80xf32, #tpu.memory_space<vmem>>
    %dma_wait3A_606 = tpu.memref_squeeze %dma_wait3A_605 : memref<1x128x80xf32, #tpu.memory_space<vmem>> -> memref<128x80xf32, #tpu.memory_space<vmem>>
    %dma_wait3A_607 = arith.constant 3456 : i32
    %dma_wait3A_608 = tpu.memref_slice %arg27[%dma_wait3A_607] : memref<8192xi32, #tpu.memory_space<vmem>> -> memref<128xi32, #tpu.memory_space<vmem>>
    %dma_wait3A_609 = arith.constant 0 : i32
    %dma_wait3A_610 = arith.constant 0 : i32
    %dma_wait3A_611 = tpu.memref_slice %arg12[%dma_wait3A_609, %dma_wait3A_610] : memref<31253x80xf32, #tpu.memory_space<hbm>> -> memref<31253x80xf32, #tpu.memory_space<hbm>>
    tpu.wait_indirect_dma semaphore(%arg29 : memref<!tpu.dma_semaphore, #tpu.memory_space<semaphore_mem>>) src(%dma_wait3A_611 : memref<31253x80xf32, #tpu.memory_space<hbm>>) dst(%dma_wait3A_606 : memref<128x80xf32, #tpu.memory_space<vmem>>)
    %run_scoped3A_612 = arith.constant 0 : i32
    "tpu.region"() ({
      %run_scoped3A_1302 = tpu.sem_alloc : memref<!tpu.dma_semaphore, #tpu.memory_space<semaphore_mem>>
      %dma_start3A_1303 = arith.constant 0 : i32
      %dma_start3A_1304 = arith.constant 0 : i32
      %dma_start3A_1305 = tpu.memref_slice %arg28[%run_scoped3A_612, %dma_start3A_1303, %dma_start3A_1304] : memref<2x512x80xf32, #tpu.memory_space<vmem>> -> memref<1x512x80xf32, #tpu.memory_space<vmem>>
      %dma_start3A_1306 = tpu.memref_squeeze %dma_start3A_1305 : memref<1x512x80xf32, #tpu.memory_space<vmem>> -> memref<512x80xf32, #tpu.memory_space<vmem>>
      %dma_start3A_1307 = arith.constant 480 : i32
      %dma_start3A_1308 = tpu.memref_slice %arg22[%mul3A_2, %dma_start3A_1307] : memref<16384x1280xf32, #tpu.memory_space<hbm>> -> memref<512x80xf32, #tpu.memory_space<hbm>>
      %dma_start3A_1309 = arith.constant 480 : i32
      %dma_start3A_1310 = tpu.memref_slice %arg22[%mul3A_2, %dma_start3A_1309] : memref<16384x1280xf32, #tpu.memory_space<hbm>> -> memref<512x80xf32, #tpu.memory_space<hbm>>
      %dma_start3A_1311 = arith.constant 0 : i32
      %dma_start3A_1312 = arith.constant 0 : i32
      %dma_start3A_1313 = tpu.memref_slice %arg28[%run_scoped3A_612, %dma_start3A_1311, %dma_start3A_1312] : memref<2x512x80xf32, #tpu.memory_space<vmem>> -> memref<1x512x80xf32, #tpu.memory_space<vmem>>
      %dma_start3A_1314 = tpu.memref_squeeze %dma_start3A_1313 : memref<1x512x80xf32, #tpu.memory_space<vmem>> -> memref<512x80xf32, #tpu.memory_space<vmem>>
      tpu.enqueue_dma source(%dma_start3A_1314 : memref<512x80xf32, #tpu.memory_space<vmem>>) target(%dma_start3A_1310 : memref<512x80xf32, #tpu.memory_space<hbm>>) target_semaphore(%run_scoped3A_1302 : memref<!tpu.dma_semaphore, #tpu.memory_space<semaphore_mem>>)
      %dma_wait3A_1315 = arith.constant 0 : i32
      %dma_wait3A_1316 = arith.constant 0 : i32
      %dma_wait3A_1317 = tpu.memref_slice %arg28[%run_scoped3A_612, %dma_wait3A_1315, %dma_wait3A_1316] : memref<2x512x80xf32, #tpu.memory_space<vmem>> -> memref<1x512x80xf32, #tpu.memory_space<vmem>>
      %dma_wait3A_1318 = tpu.memref_squeeze %dma_wait3A_1317 : memref<1x512x80xf32, #tpu.memory_space<vmem>> -> memref<512x80xf32, #tpu.memory_space<vmem>>
      %dma_wait3A_1319 = arith.constant 480 : i32
      %dma_wait3A_1320 = tpu.memref_slice %arg22[%mul3A_2, %dma_wait3A_1319] : memref<16384x1280xf32, #tpu.memory_space<hbm>> -> memref<512x80xf32, #tpu.memory_space<hbm>>
      %dma_wait3A_1321 = arith.constant 480 : i32
      %dma_wait3A_1322 = tpu.memref_slice %arg22[%mul3A_2, %dma_wait3A_1321] : memref<16384x1280xf32, #tpu.memory_space<hbm>> -> memref<512x80xf32, #tpu.memory_space<hbm>>
      %dma_wait3A_1323 = arith.constant 0 : i32
      %dma_wait3A_1324 = arith.constant 0 : i32
      %dma_wait3A_1325 = tpu.memref_slice %arg28[%run_scoped3A_612, %dma_wait3A_1323, %dma_wait3A_1324] : memref<2x512x80xf32, #tpu.memory_space<vmem>> -> memref<1x512x80xf32, #tpu.memory_space<vmem>>
      %dma_wait3A_1326 = tpu.memref_squeeze %dma_wait3A_1325 : memref<1x512x80xf32, #tpu.memory_space<vmem>> -> memref<512x80xf32, #tpu.memory_space<vmem>>
      tpu.wait_dma2 semaphore(%run_scoped3A_1302 : memref<!tpu.dma_semaphore, #tpu.memory_space<semaphore_mem>>) src(%dma_wait3A_1326 : memref<512x80xf32, #tpu.memory_space<vmem>>) dst(%dma_wait3A_1322 : memref<512x80xf32, #tpu.memory_space<hbm>>)
      tpu.yield
    }) : () -> ()
    %dma_start3A_613 = arith.constant 0 : i32
    %dma_start3A_614 = arith.constant 0 : i32
    %dma_start3A_615 = arith.constant 0 : i32
    %dma_start3A_616 = tpu.memref_slice %arg28[%dma_start3A_613, %dma_start3A_614, %dma_start3A_615] : memref<2x512x80xf32, #tpu.memory_space<vmem>> -> memref<1x128x80xf32, #tpu.memory_space<vmem>>
    %dma_start3A_617 = tpu.memref_squeeze %dma_start3A_616 : memref<1x128x80xf32, #tpu.memory_space<vmem>> -> memref<128x80xf32, #tpu.memory_space<vmem>>
    %dma_start3A_618 = arith.constant 4096 : i32
    %dma_start3A_619 = tpu.memref_slice %arg27[%dma_start3A_618] : memref<8192xi32, #tpu.memory_space<vmem>> -> memref<128xi32, #tpu.memory_space<vmem>>
    %dma_start3A_620 = arith.constant 0 : i32
    %dma_start3A_621 = arith.constant 0 : i32
    %dma_start3A_622 = tpu.memref_slice %arg14[%dma_start3A_620, %dma_start3A_621] : memref<31253x80xf32, #tpu.memory_space<hbm>> -> memref<31253x80xf32, #tpu.memory_space<hbm>>
    tpu.enqueue_indirect_dma source(%dma_start3A_622 : memref<31253x80xf32, #tpu.memory_space<hbm>>) target(%dma_start3A_617 : memref<128x80xf32, #tpu.memory_space<vmem>>) offsets(%dma_start3A_619 : memref<128xi32, #tpu.memory_space<vmem>>) semaphore(%arg29 : memref<!tpu.dma_semaphore, #tpu.memory_space<semaphore_mem>>)
    %dma_start3A_623 = arith.constant 0 : i32
    %dma_start3A_624 = arith.constant 128 : i32
    %dma_start3A_625 = arith.constant 0 : i32
    %dma_start3A_626 = tpu.memref_slice %arg28[%dma_start3A_623, %dma_start3A_624, %dma_start3A_625] : memref<2x512x80xf32, #tpu.memory_space<vmem>> -> memref<1x128x80xf32, #tpu.memory_space<vmem>>
    %dma_start3A_627 = tpu.memref_squeeze %dma_start3A_626 : memref<1x128x80xf32, #tpu.memory_space<vmem>> -> memref<128x80xf32, #tpu.memory_space<vmem>>
    %dma_start3A_628 = arith.constant 4224 : i32
    %dma_start3A_629 = tpu.memref_slice %arg27[%dma_start3A_628] : memref<8192xi32, #tpu.memory_space<vmem>> -> memref<128xi32, #tpu.memory_space<vmem>>
    %dma_start3A_630 = arith.constant 0 : i32
    %dma_start3A_631 = arith.constant 0 : i32
    %dma_start3A_632 = tpu.memref_slice %arg14[%dma_start3A_630, %dma_start3A_631] : memref<31253x80xf32, #tpu.memory_space<hbm>> -> memref<31253x80xf32, #tpu.memory_space<hbm>>
    tpu.enqueue_indirect_dma source(%dma_start3A_632 : memref<31253x80xf32, #tpu.memory_space<hbm>>) target(%dma_start3A_627 : memref<128x80xf32, #tpu.memory_space<vmem>>) offsets(%dma_start3A_629 : memref<128xi32, #tpu.memory_space<vmem>>) semaphore(%arg29 : memref<!tpu.dma_semaphore, #tpu.memory_space<semaphore_mem>>)
    %dma_start3A_633 = arith.constant 0 : i32
    %dma_start3A_634 = arith.constant 256 : i32
    %dma_start3A_635 = arith.constant 0 : i32
    %dma_start3A_636 = tpu.memref_slice %arg28[%dma_start3A_633, %dma_start3A_634, %dma_start3A_635] : memref<2x512x80xf32, #tpu.memory_space<vmem>> -> memref<1x128x80xf32, #tpu.memory_space<vmem>>
    %dma_start3A_637 = tpu.memref_squeeze %dma_start3A_636 : memref<1x128x80xf32, #tpu.memory_space<vmem>> -> memref<128x80xf32, #tpu.memory_space<vmem>>
    %dma_start3A_638 = arith.constant 4352 : i32
    %dma_start3A_639 = tpu.memref_slice %arg27[%dma_start3A_638] : memref<8192xi32, #tpu.memory_space<vmem>> -> memref<128xi32, #tpu.memory_space<vmem>>
    %dma_start3A_640 = arith.constant 0 : i32
    %dma_start3A_641 = arith.constant 0 : i32
    %dma_start3A_642 = tpu.memref_slice %arg14[%dma_start3A_640, %dma_start3A_641] : memref<31253x80xf32, #tpu.memory_space<hbm>> -> memref<31253x80xf32, #tpu.memory_space<hbm>>
    tpu.enqueue_indirect_dma source(%dma_start3A_642 : memref<31253x80xf32, #tpu.memory_space<hbm>>) target(%dma_start3A_637 : memref<128x80xf32, #tpu.memory_space<vmem>>) offsets(%dma_start3A_639 : memref<128xi32, #tpu.memory_space<vmem>>) semaphore(%arg29 : memref<!tpu.dma_semaphore, #tpu.memory_space<semaphore_mem>>)
    %dma_start3A_643 = arith.constant 0 : i32
    %dma_start3A_644 = arith.constant 384 : i32
    %dma_start3A_645 = arith.constant 0 : i32
    %dma_start3A_646 = tpu.memref_slice %arg28[%dma_start3A_643, %dma_start3A_644, %dma_start3A_645] : memref<2x512x80xf32, #tpu.memory_space<vmem>> -> memref<1x128x80xf32, #tpu.memory_space<vmem>>
    %dma_start3A_647 = tpu.memref_squeeze %dma_start3A_646 : memref<1x128x80xf32, #tpu.memory_space<vmem>> -> memref<128x80xf32, #tpu.memory_space<vmem>>
    %dma_start3A_648 = arith.constant 4480 : i32
    %dma_start3A_649 = tpu.memref_slice %arg27[%dma_start3A_648] : memref<8192xi32, #tpu.memory_space<vmem>> -> memref<128xi32, #tpu.memory_space<vmem>>
    %dma_start3A_650 = arith.constant 0 : i32
    %dma_start3A_651 = arith.constant 0 : i32
    %dma_start3A_652 = tpu.memref_slice %arg14[%dma_start3A_650, %dma_start3A_651] : memref<31253x80xf32, #tpu.memory_space<hbm>> -> memref<31253x80xf32, #tpu.memory_space<hbm>>
    tpu.enqueue_indirect_dma source(%dma_start3A_652 : memref<31253x80xf32, #tpu.memory_space<hbm>>) target(%dma_start3A_647 : memref<128x80xf32, #tpu.memory_space<vmem>>) offsets(%dma_start3A_649 : memref<128xi32, #tpu.memory_space<vmem>>) semaphore(%arg29 : memref<!tpu.dma_semaphore, #tpu.memory_space<semaphore_mem>>)
    %dma_wait3A_653 = arith.constant 1 : i32
    %dma_wait3A_654 = arith.constant 0 : i32
    %dma_wait3A_655 = arith.constant 0 : i32
    %dma_wait3A_656 = tpu.memref_slice %arg28[%dma_wait3A_653, %dma_wait3A_654, %dma_wait3A_655] : memref<2x512x80xf32, #tpu.memory_space<vmem>> -> memref<1x128x80xf32, #tpu.memory_space<vmem>>
    %dma_wait3A_657 = tpu.memref_squeeze %dma_wait3A_656 : memref<1x128x80xf32, #tpu.memory_space<vmem>> -> memref<128x80xf32, #tpu.memory_space<vmem>>
    %dma_wait3A_658 = arith.constant 3584 : i32
    %dma_wait3A_659 = tpu.memref_slice %arg27[%dma_wait3A_658] : memref<8192xi32, #tpu.memory_space<vmem>> -> memref<128xi32, #tpu.memory_space<vmem>>
    %dma_wait3A_660 = arith.constant 0 : i32
    %dma_wait3A_661 = arith.constant 0 : i32
    %dma_wait3A_662 = tpu.memref_slice %arg13[%dma_wait3A_660, %dma_wait3A_661] : memref<31253x80xf32, #tpu.memory_space<hbm>> -> memref<31253x80xf32, #tpu.memory_space<hbm>>
    tpu.wait_indirect_dma semaphore(%arg30 : memref<!tpu.dma_semaphore, #tpu.memory_space<semaphore_mem>>) src(%dma_wait3A_662 : memref<31253x80xf32, #tpu.memory_space<hbm>>) dst(%dma_wait3A_657 : memref<128x80xf32, #tpu.memory_space<vmem>>)
    %dma_wait3A_663 = arith.constant 1 : i32
    %dma_wait3A_664 = arith.constant 128 : i32
    %dma_wait3A_665 = arith.constant 0 : i32
    %dma_wait3A_666 = tpu.memref_slice %arg28[%dma_wait3A_663, %dma_wait3A_664, %dma_wait3A_665] : memref<2x512x80xf32, #tpu.memory_space<vmem>> -> memref<1x128x80xf32, #tpu.memory_space<vmem>>
    %dma_wait3A_667 = tpu.memref_squeeze %dma_wait3A_666 : memref<1x128x80xf32, #tpu.memory_space<vmem>> -> memref<128x80xf32, #tpu.memory_space<vmem>>
    %dma_wait3A_668 = arith.constant 3712 : i32
    %dma_wait3A_669 = tpu.memref_slice %arg27[%dma_wait3A_668] : memref<8192xi32, #tpu.memory_space<vmem>> -> memref<128xi32, #tpu.memory_space<vmem>>
    %dma_wait3A_670 = arith.constant 0 : i32
    %dma_wait3A_671 = arith.constant 0 : i32
    %dma_wait3A_672 = tpu.memref_slice %arg13[%dma_wait3A_670, %dma_wait3A_671] : memref<31253x80xf32, #tpu.memory_space<hbm>> -> memref<31253x80xf32, #tpu.memory_space<hbm>>
    tpu.wait_indirect_dma semaphore(%arg30 : memref<!tpu.dma_semaphore, #tpu.memory_space<semaphore_mem>>) src(%dma_wait3A_672 : memref<31253x80xf32, #tpu.memory_space<hbm>>) dst(%dma_wait3A_667 : memref<128x80xf32, #tpu.memory_space<vmem>>)
    %dma_wait3A_673 = arith.constant 1 : i32
    %dma_wait3A_674 = arith.constant 256 : i32
    %dma_wait3A_675 = arith.constant 0 : i32
    %dma_wait3A_676 = tpu.memref_slice %arg28[%dma_wait3A_673, %dma_wait3A_674, %dma_wait3A_675] : memref<2x512x80xf32, #tpu.memory_space<vmem>> -> memref<1x128x80xf32, #tpu.memory_space<vmem>>
    %dma_wait3A_677 = tpu.memref_squeeze %dma_wait3A_676 : memref<1x128x80xf32, #tpu.memory_space<vmem>> -> memref<128x80xf32, #tpu.memory_space<vmem>>
    %dma_wait3A_678 = arith.constant 3840 : i32
    %dma_wait3A_679 = tpu.memref_slice %arg27[%dma_wait3A_678] : memref<8192xi32, #tpu.memory_space<vmem>> -> memref<128xi32, #tpu.memory_space<vmem>>
    %dma_wait3A_680 = arith.constant 0 : i32
    %dma_wait3A_681 = arith.constant 0 : i32
    %dma_wait3A_682 = tpu.memref_slice %arg13[%dma_wait3A_680, %dma_wait3A_681] : memref<31253x80xf32, #tpu.memory_space<hbm>> -> memref<31253x80xf32, #tpu.memory_space<hbm>>
    tpu.wait_indirect_dma semaphore(%arg30 : memref<!tpu.dma_semaphore, #tpu.memory_space<semaphore_mem>>) src(%dma_wait3A_682 : memref<31253x80xf32, #tpu.memory_space<hbm>>) dst(%dma_wait3A_677 : memref<128x80xf32, #tpu.memory_space<vmem>>)
    %dma_wait3A_683 = arith.constant 1 : i32
    %dma_wait3A_684 = arith.constant 384 : i32
    %dma_wait3A_685 = arith.constant 0 : i32
    %dma_wait3A_686 = tpu.memref_slice %arg28[%dma_wait3A_683, %dma_wait3A_684, %dma_wait3A_685] : memref<2x512x80xf32, #tpu.memory_space<vmem>> -> memref<1x128x80xf32, #tpu.memory_space<vmem>>
    %dma_wait3A_687 = tpu.memref_squeeze %dma_wait3A_686 : memref<1x128x80xf32, #tpu.memory_space<vmem>> -> memref<128x80xf32, #tpu.memory_space<vmem>>
    %dma_wait3A_688 = arith.constant 3968 : i32
    %dma_wait3A_689 = tpu.memref_slice %arg27[%dma_wait3A_688] : memref<8192xi32, #tpu.memory_space<vmem>> -> memref<128xi32, #tpu.memory_space<vmem>>
    %dma_wait3A_690 = arith.constant 0 : i32
    %dma_wait3A_691 = arith.constant 0 : i32
    %dma_wait3A_692 = tpu.memref_slice %arg13[%dma_wait3A_690, %dma_wait3A_691] : memref<31253x80xf32, #tpu.memory_space<hbm>> -> memref<31253x80xf32, #tpu.memory_space<hbm>>
    tpu.wait_indirect_dma semaphore(%arg30 : memref<!tpu.dma_semaphore, #tpu.memory_space<semaphore_mem>>) src(%dma_wait3A_692 : memref<31253x80xf32, #tpu.memory_space<hbm>>) dst(%dma_wait3A_687 : memref<128x80xf32, #tpu.memory_space<vmem>>)
    %run_scoped3A_693 = arith.constant 1 : i32
    "tpu.region"() ({
      %run_scoped3A_1302 = tpu.sem_alloc : memref<!tpu.dma_semaphore, #tpu.memory_space<semaphore_mem>>
      %dma_start3A_1303 = arith.constant 0 : i32
      %dma_start3A_1304 = arith.constant 0 : i32
      %dma_start3A_1305 = tpu.memref_slice %arg28[%run_scoped3A_693, %dma_start3A_1303, %dma_start3A_1304] : memref<2x512x80xf32, #tpu.memory_space<vmem>> -> memref<1x512x80xf32, #tpu.memory_space<vmem>>
      %dma_start3A_1306 = tpu.memref_squeeze %dma_start3A_1305 : memref<1x512x80xf32, #tpu.memory_space<vmem>> -> memref<512x80xf32, #tpu.memory_space<vmem>>
      %dma_start3A_1307 = arith.constant 560 : i32
      %dma_start3A_1308 = tpu.memref_slice %arg22[%mul3A_2, %dma_start3A_1307] : memref<16384x1280xf32, #tpu.memory_space<hbm>> -> memref<512x80xf32, #tpu.memory_space<hbm>>
      %dma_start3A_1309 = arith.constant 560 : i32
      %dma_start3A_1310 = tpu.memref_slice %arg22[%mul3A_2, %dma_start3A_1309] : memref<16384x1280xf32, #tpu.memory_space<hbm>> -> memref<512x80xf32, #tpu.memory_space<hbm>>
      %dma_start3A_1311 = arith.constant 0 : i32
      %dma_start3A_1312 = arith.constant 0 : i32
      %dma_start3A_1313 = tpu.memref_slice %arg28[%run_scoped3A_693, %dma_start3A_1311, %dma_start3A_1312] : memref<2x512x80xf32, #tpu.memory_space<vmem>> -> memref<1x512x80xf32, #tpu.memory_space<vmem>>
      %dma_start3A_1314 = tpu.memref_squeeze %dma_start3A_1313 : memref<1x512x80xf32, #tpu.memory_space<vmem>> -> memref<512x80xf32, #tpu.memory_space<vmem>>
      tpu.enqueue_dma source(%dma_start3A_1314 : memref<512x80xf32, #tpu.memory_space<vmem>>) target(%dma_start3A_1310 : memref<512x80xf32, #tpu.memory_space<hbm>>) target_semaphore(%run_scoped3A_1302 : memref<!tpu.dma_semaphore, #tpu.memory_space<semaphore_mem>>)
      %dma_wait3A_1315 = arith.constant 0 : i32
      %dma_wait3A_1316 = arith.constant 0 : i32
      %dma_wait3A_1317 = tpu.memref_slice %arg28[%run_scoped3A_693, %dma_wait3A_1315, %dma_wait3A_1316] : memref<2x512x80xf32, #tpu.memory_space<vmem>> -> memref<1x512x80xf32, #tpu.memory_space<vmem>>
      %dma_wait3A_1318 = tpu.memref_squeeze %dma_wait3A_1317 : memref<1x512x80xf32, #tpu.memory_space<vmem>> -> memref<512x80xf32, #tpu.memory_space<vmem>>
      %dma_wait3A_1319 = arith.constant 560 : i32
      %dma_wait3A_1320 = tpu.memref_slice %arg22[%mul3A_2, %dma_wait3A_1319] : memref<16384x1280xf32, #tpu.memory_space<hbm>> -> memref<512x80xf32, #tpu.memory_space<hbm>>
      %dma_wait3A_1321 = arith.constant 560 : i32
      %dma_wait3A_1322 = tpu.memref_slice %arg22[%mul3A_2, %dma_wait3A_1321] : memref<16384x1280xf32, #tpu.memory_space<hbm>> -> memref<512x80xf32, #tpu.memory_space<hbm>>
      %dma_wait3A_1323 = arith.constant 0 : i32
      %dma_wait3A_1324 = arith.constant 0 : i32
      %dma_wait3A_1325 = tpu.memref_slice %arg28[%run_scoped3A_693, %dma_wait3A_1323, %dma_wait3A_1324] : memref<2x512x80xf32, #tpu.memory_space<vmem>> -> memref<1x512x80xf32, #tpu.memory_space<vmem>>
      %dma_wait3A_1326 = tpu.memref_squeeze %dma_wait3A_1325 : memref<1x512x80xf32, #tpu.memory_space<vmem>> -> memref<512x80xf32, #tpu.memory_space<vmem>>
      tpu.wait_dma2 semaphore(%run_scoped3A_1302 : memref<!tpu.dma_semaphore, #tpu.memory_space<semaphore_mem>>) src(%dma_wait3A_1326 : memref<512x80xf32, #tpu.memory_space<vmem>>) dst(%dma_wait3A_1322 : memref<512x80xf32, #tpu.memory_space<hbm>>)
      tpu.yield
    }) : () -> ()
    %dma_start3A_694 = arith.constant 1 : i32
    %dma_start3A_695 = arith.constant 0 : i32
    %dma_start3A_696 = arith.constant 0 : i32
    %dma_start3A_697 = tpu.memref_slice %arg28[%dma_start3A_694, %dma_start3A_695, %dma_start3A_696] : memref<2x512x80xf32, #tpu.memory_space<vmem>> -> memref<1x128x80xf32, #tpu.memory_space<vmem>>
    %dma_start3A_698 = tpu.memref_squeeze %dma_start3A_697 : memref<1x128x80xf32, #tpu.memory_space<vmem>> -> memref<128x80xf32, #tpu.memory_space<vmem>>
    %dma_start3A_699 = arith.constant 4608 : i32
    %dma_start3A_700 = tpu.memref_slice %arg27[%dma_start3A_699] : memref<8192xi32, #tpu.memory_space<vmem>> -> memref<128xi32, #tpu.memory_space<vmem>>
    %dma_start3A_701 = arith.constant 0 : i32
    %dma_start3A_702 = arith.constant 0 : i32
    %dma_start3A_703 = tpu.memref_slice %arg15[%dma_start3A_701, %dma_start3A_702] : memref<31253x80xf32, #tpu.memory_space<hbm>> -> memref<31253x80xf32, #tpu.memory_space<hbm>>
    tpu.enqueue_indirect_dma source(%dma_start3A_703 : memref<31253x80xf32, #tpu.memory_space<hbm>>) target(%dma_start3A_698 : memref<128x80xf32, #tpu.memory_space<vmem>>) offsets(%dma_start3A_700 : memref<128xi32, #tpu.memory_space<vmem>>) semaphore(%arg30 : memref<!tpu.dma_semaphore, #tpu.memory_space<semaphore_mem>>)
    %dma_start3A_704 = arith.constant 1 : i32
    %dma_start3A_705 = arith.constant 128 : i32
    %dma_start3A_706 = arith.constant 0 : i32
    %dma_start3A_707 = tpu.memref_slice %arg28[%dma_start3A_704, %dma_start3A_705, %dma_start3A_706] : memref<2x512x80xf32, #tpu.memory_space<vmem>> -> memref<1x128x80xf32, #tpu.memory_space<vmem>>
    %dma_start3A_708 = tpu.memref_squeeze %dma_start3A_707 : memref<1x128x80xf32, #tpu.memory_space<vmem>> -> memref<128x80xf32, #tpu.memory_space<vmem>>
    %dma_start3A_709 = arith.constant 4736 : i32
    %dma_start3A_710 = tpu.memref_slice %arg27[%dma_start3A_709] : memref<8192xi32, #tpu.memory_space<vmem>> -> memref<128xi32, #tpu.memory_space<vmem>>
    %dma_start3A_711 = arith.constant 0 : i32
    %dma_start3A_712 = arith.constant 0 : i32
    %dma_start3A_713 = tpu.memref_slice %arg15[%dma_start3A_711, %dma_start3A_712] : memref<31253x80xf32, #tpu.memory_space<hbm>> -> memref<31253x80xf32, #tpu.memory_space<hbm>>
    tpu.enqueue_indirect_dma source(%dma_start3A_713 : memref<31253x80xf32, #tpu.memory_space<hbm>>) target(%dma_start3A_708 : memref<128x80xf32, #tpu.memory_space<vmem>>) offsets(%dma_start3A_710 : memref<128xi32, #tpu.memory_space<vmem>>) semaphore(%arg30 : memref<!tpu.dma_semaphore, #tpu.memory_space<semaphore_mem>>)
    %dma_start3A_714 = arith.constant 1 : i32
    %dma_start3A_715 = arith.constant 256 : i32
    %dma_start3A_716 = arith.constant 0 : i32
    %dma_start3A_717 = tpu.memref_slice %arg28[%dma_start3A_714, %dma_start3A_715, %dma_start3A_716] : memref<2x512x80xf32, #tpu.memory_space<vmem>> -> memref<1x128x80xf32, #tpu.memory_space<vmem>>
    %dma_start3A_718 = tpu.memref_squeeze %dma_start3A_717 : memref<1x128x80xf32, #tpu.memory_space<vmem>> -> memref<128x80xf32, #tpu.memory_space<vmem>>
    %dma_start3A_719 = arith.constant 4864 : i32
    %dma_start3A_720 = tpu.memref_slice %arg27[%dma_start3A_719] : memref<8192xi32, #tpu.memory_space<vmem>> -> memref<128xi32, #tpu.memory_space<vmem>>
    %dma_start3A_721 = arith.constant 0 : i32
    %dma_start3A_722 = arith.constant 0 : i32
    %dma_start3A_723 = tpu.memref_slice %arg15[%dma_start3A_721, %dma_start3A_722] : memref<31253x80xf32, #tpu.memory_space<hbm>> -> memref<31253x80xf32, #tpu.memory_space<hbm>>
    tpu.enqueue_indirect_dma source(%dma_start3A_723 : memref<31253x80xf32, #tpu.memory_space<hbm>>) target(%dma_start3A_718 : memref<128x80xf32, #tpu.memory_space<vmem>>) offsets(%dma_start3A_720 : memref<128xi32, #tpu.memory_space<vmem>>) semaphore(%arg30 : memref<!tpu.dma_semaphore, #tpu.memory_space<semaphore_mem>>)
    %dma_start3A_724 = arith.constant 1 : i32
    %dma_start3A_725 = arith.constant 384 : i32
    %dma_start3A_726 = arith.constant 0 : i32
    %dma_start3A_727 = tpu.memref_slice %arg28[%dma_start3A_724, %dma_start3A_725, %dma_start3A_726] : memref<2x512x80xf32, #tpu.memory_space<vmem>> -> memref<1x128x80xf32, #tpu.memory_space<vmem>>
    %dma_start3A_728 = tpu.memref_squeeze %dma_start3A_727 : memref<1x128x80xf32, #tpu.memory_space<vmem>> -> memref<128x80xf32, #tpu.memory_space<vmem>>
    %dma_start3A_729 = arith.constant 4992 : i32
    %dma_start3A_730 = tpu.memref_slice %arg27[%dma_start3A_729] : memref<8192xi32, #tpu.memory_space<vmem>> -> memref<128xi32, #tpu.memory_space<vmem>>
    %dma_start3A_731 = arith.constant 0 : i32
    %dma_start3A_732 = arith.constant 0 : i32
    %dma_start3A_733 = tpu.memref_slice %arg15[%dma_start3A_731, %dma_start3A_732] : memref<31253x80xf32, #tpu.memory_space<hbm>> -> memref<31253x80xf32, #tpu.memory_space<hbm>>
    tpu.enqueue_indirect_dma source(%dma_start3A_733 : memref<31253x80xf32, #tpu.memory_space<hbm>>) target(%dma_start3A_728 : memref<128x80xf32, #tpu.memory_space<vmem>>) offsets(%dma_start3A_730 : memref<128xi32, #tpu.memory_space<vmem>>) semaphore(%arg30 : memref<!tpu.dma_semaphore, #tpu.memory_space<semaphore_mem>>)
    %dma_wait3A_734 = arith.constant 0 : i32
    %dma_wait3A_735 = arith.constant 0 : i32
    %dma_wait3A_736 = arith.constant 0 : i32
    %dma_wait3A_737 = tpu.memref_slice %arg28[%dma_wait3A_734, %dma_wait3A_735, %dma_wait3A_736] : memref<2x512x80xf32, #tpu.memory_space<vmem>> -> memref<1x128x80xf32, #tpu.memory_space<vmem>>
    %dma_wait3A_738 = tpu.memref_squeeze %dma_wait3A_737 : memref<1x128x80xf32, #tpu.memory_space<vmem>> -> memref<128x80xf32, #tpu.memory_space<vmem>>
    %dma_wait3A_739 = arith.constant 4096 : i32
    %dma_wait3A_740 = tpu.memref_slice %arg27[%dma_wait3A_739] : memref<8192xi32, #tpu.memory_space<vmem>> -> memref<128xi32, #tpu.memory_space<vmem>>
    %dma_wait3A_741 = arith.constant 0 : i32
    %dma_wait3A_742 = arith.constant 0 : i32
    %dma_wait3A_743 = tpu.memref_slice %arg14[%dma_wait3A_741, %dma_wait3A_742] : memref<31253x80xf32, #tpu.memory_space<hbm>> -> memref<31253x80xf32, #tpu.memory_space<hbm>>
    tpu.wait_indirect_dma semaphore(%arg29 : memref<!tpu.dma_semaphore, #tpu.memory_space<semaphore_mem>>) src(%dma_wait3A_743 : memref<31253x80xf32, #tpu.memory_space<hbm>>) dst(%dma_wait3A_738 : memref<128x80xf32, #tpu.memory_space<vmem>>)
    %dma_wait3A_744 = arith.constant 0 : i32
    %dma_wait3A_745 = arith.constant 128 : i32
    %dma_wait3A_746 = arith.constant 0 : i32
    %dma_wait3A_747 = tpu.memref_slice %arg28[%dma_wait3A_744, %dma_wait3A_745, %dma_wait3A_746] : memref<2x512x80xf32, #tpu.memory_space<vmem>> -> memref<1x128x80xf32, #tpu.memory_space<vmem>>
    %dma_wait3A_748 = tpu.memref_squeeze %dma_wait3A_747 : memref<1x128x80xf32, #tpu.memory_space<vmem>> -> memref<128x80xf32, #tpu.memory_space<vmem>>
    %dma_wait3A_749 = arith.constant 4224 : i32
    %dma_wait3A_750 = tpu.memref_slice %arg27[%dma_wait3A_749] : memref<8192xi32, #tpu.memory_space<vmem>> -> memref<128xi32, #tpu.memory_space<vmem>>
    %dma_wait3A_751 = arith.constant 0 : i32
    %dma_wait3A_752 = arith.constant 0 : i32
    %dma_wait3A_753 = tpu.memref_slice %arg14[%dma_wait3A_751, %dma_wait3A_752] : memref<31253x80xf32, #tpu.memory_space<hbm>> -> memref<31253x80xf32, #tpu.memory_space<hbm>>
    tpu.wait_indirect_dma semaphore(%arg29 : memref<!tpu.dma_semaphore, #tpu.memory_space<semaphore_mem>>) src(%dma_wait3A_753 : memref<31253x80xf32, #tpu.memory_space<hbm>>) dst(%dma_wait3A_748 : memref<128x80xf32, #tpu.memory_space<vmem>>)
    %dma_wait3A_754 = arith.constant 0 : i32
    %dma_wait3A_755 = arith.constant 256 : i32
    %dma_wait3A_756 = arith.constant 0 : i32
    %dma_wait3A_757 = tpu.memref_slice %arg28[%dma_wait3A_754, %dma_wait3A_755, %dma_wait3A_756] : memref<2x512x80xf32, #tpu.memory_space<vmem>> -> memref<1x128x80xf32, #tpu.memory_space<vmem>>
    %dma_wait3A_758 = tpu.memref_squeeze %dma_wait3A_757 : memref<1x128x80xf32, #tpu.memory_space<vmem>> -> memref<128x80xf32, #tpu.memory_space<vmem>>
    %dma_wait3A_759 = arith.constant 4352 : i32
    %dma_wait3A_760 = tpu.memref_slice %arg27[%dma_wait3A_759] : memref<8192xi32, #tpu.memory_space<vmem>> -> memref<128xi32, #tpu.memory_space<vmem>>
    %dma_wait3A_761 = arith.constant 0 : i32
    %dma_wait3A_762 = arith.constant 0 : i32
    %dma_wait3A_763 = tpu.memref_slice %arg14[%dma_wait3A_761, %dma_wait3A_762] : memref<31253x80xf32, #tpu.memory_space<hbm>> -> memref<31253x80xf32, #tpu.memory_space<hbm>>
    tpu.wait_indirect_dma semaphore(%arg29 : memref<!tpu.dma_semaphore, #tpu.memory_space<semaphore_mem>>) src(%dma_wait3A_763 : memref<31253x80xf32, #tpu.memory_space<hbm>>) dst(%dma_wait3A_758 : memref<128x80xf32, #tpu.memory_space<vmem>>)
    %dma_wait3A_764 = arith.constant 0 : i32
    %dma_wait3A_765 = arith.constant 384 : i32
    %dma_wait3A_766 = arith.constant 0 : i32
    %dma_wait3A_767 = tpu.memref_slice %arg28[%dma_wait3A_764, %dma_wait3A_765, %dma_wait3A_766] : memref<2x512x80xf32, #tpu.memory_space<vmem>> -> memref<1x128x80xf32, #tpu.memory_space<vmem>>
    %dma_wait3A_768 = tpu.memref_squeeze %dma_wait3A_767 : memref<1x128x80xf32, #tpu.memory_space<vmem>> -> memref<128x80xf32, #tpu.memory_space<vmem>>
    %dma_wait3A_769 = arith.constant 4480 : i32
    %dma_wait3A_770 = tpu.memref_slice %arg27[%dma_wait3A_769] : memref<8192xi32, #tpu.memory_space<vmem>> -> memref<128xi32, #tpu.memory_space<vmem>>
    %dma_wait3A_771 = arith.constant 0 : i32
    %dma_wait3A_772 = arith.constant 0 : i32
    %dma_wait3A_773 = tpu.memref_slice %arg14[%dma_wait3A_771, %dma_wait3A_772] : memref<31253x80xf32, #tpu.memory_space<hbm>> -> memref<31253x80xf32, #tpu.memory_space<hbm>>
    tpu.wait_indirect_dma semaphore(%arg29 : memref<!tpu.dma_semaphore, #tpu.memory_space<semaphore_mem>>) src(%dma_wait3A_773 : memref<31253x80xf32, #tpu.memory_space<hbm>>) dst(%dma_wait3A_768 : memref<128x80xf32, #tpu.memory_space<vmem>>)
    %run_scoped3A_774 = arith.constant 0 : i32
    "tpu.region"() ({
      %run_scoped3A_1302 = tpu.sem_alloc : memref<!tpu.dma_semaphore, #tpu.memory_space<semaphore_mem>>
      %dma_start3A_1303 = arith.constant 0 : i32
      %dma_start3A_1304 = arith.constant 0 : i32
      %dma_start3A_1305 = tpu.memref_slice %arg28[%run_scoped3A_774, %dma_start3A_1303, %dma_start3A_1304] : memref<2x512x80xf32, #tpu.memory_space<vmem>> -> memref<1x512x80xf32, #tpu.memory_space<vmem>>
      %dma_start3A_1306 = tpu.memref_squeeze %dma_start3A_1305 : memref<1x512x80xf32, #tpu.memory_space<vmem>> -> memref<512x80xf32, #tpu.memory_space<vmem>>
      %dma_start3A_1307 = arith.constant 640 : i32
      %dma_start3A_1308 = tpu.memref_slice %arg22[%mul3A_2, %dma_start3A_1307] : memref<16384x1280xf32, #tpu.memory_space<hbm>> -> memref<512x80xf32, #tpu.memory_space<hbm>>
      %dma_start3A_1309 = arith.constant 640 : i32
      %dma_start3A_1310 = tpu.memref_slice %arg22[%mul3A_2, %dma_start3A_1309] : memref<16384x1280xf32, #tpu.memory_space<hbm>> -> memref<512x80xf32, #tpu.memory_space<hbm>>
      %dma_start3A_1311 = arith.constant 0 : i32
      %dma_start3A_1312 = arith.constant 0 : i32
      %dma_start3A_1313 = tpu.memref_slice %arg28[%run_scoped3A_774, %dma_start3A_1311, %dma_start3A_1312] : memref<2x512x80xf32, #tpu.memory_space<vmem>> -> memref<1x512x80xf32, #tpu.memory_space<vmem>>
      %dma_start3A_1314 = tpu.memref_squeeze %dma_start3A_1313 : memref<1x512x80xf32, #tpu.memory_space<vmem>> -> memref<512x80xf32, #tpu.memory_space<vmem>>
      tpu.enqueue_dma source(%dma_start3A_1314 : memref<512x80xf32, #tpu.memory_space<vmem>>) target(%dma_start3A_1310 : memref<512x80xf32, #tpu.memory_space<hbm>>) target_semaphore(%run_scoped3A_1302 : memref<!tpu.dma_semaphore, #tpu.memory_space<semaphore_mem>>)
      %dma_wait3A_1315 = arith.constant 0 : i32
      %dma_wait3A_1316 = arith.constant 0 : i32
      %dma_wait3A_1317 = tpu.memref_slice %arg28[%run_scoped3A_774, %dma_wait3A_1315, %dma_wait3A_1316] : memref<2x512x80xf32, #tpu.memory_space<vmem>> -> memref<1x512x80xf32, #tpu.memory_space<vmem>>
      %dma_wait3A_1318 = tpu.memref_squeeze %dma_wait3A_1317 : memref<1x512x80xf32, #tpu.memory_space<vmem>> -> memref<512x80xf32, #tpu.memory_space<vmem>>
      %dma_wait3A_1319 = arith.constant 640 : i32
      %dma_wait3A_1320 = tpu.memref_slice %arg22[%mul3A_2, %dma_wait3A_1319] : memref<16384x1280xf32, #tpu.memory_space<hbm>> -> memref<512x80xf32, #tpu.memory_space<hbm>>
      %dma_wait3A_1321 = arith.constant 640 : i32
      %dma_wait3A_1322 = tpu.memref_slice %arg22[%mul3A_2, %dma_wait3A_1321] : memref<16384x1280xf32, #tpu.memory_space<hbm>> -> memref<512x80xf32, #tpu.memory_space<hbm>>
      %dma_wait3A_1323 = arith.constant 0 : i32
      %dma_wait3A_1324 = arith.constant 0 : i32
      %dma_wait3A_1325 = tpu.memref_slice %arg28[%run_scoped3A_774, %dma_wait3A_1323, %dma_wait3A_1324] : memref<2x512x80xf32, #tpu.memory_space<vmem>> -> memref<1x512x80xf32, #tpu.memory_space<vmem>>
      %dma_wait3A_1326 = tpu.memref_squeeze %dma_wait3A_1325 : memref<1x512x80xf32, #tpu.memory_space<vmem>> -> memref<512x80xf32, #tpu.memory_space<vmem>>
      tpu.wait_dma2 semaphore(%run_scoped3A_1302 : memref<!tpu.dma_semaphore, #tpu.memory_space<semaphore_mem>>) src(%dma_wait3A_1326 : memref<512x80xf32, #tpu.memory_space<vmem>>) dst(%dma_wait3A_1322 : memref<512x80xf32, #tpu.memory_space<hbm>>)
      tpu.yield
    }) : () -> ()
    %dma_start3A_775 = arith.constant 0 : i32
    %dma_start3A_776 = arith.constant 0 : i32
    %dma_start3A_777 = arith.constant 0 : i32
    %dma_start3A_778 = tpu.memref_slice %arg28[%dma_start3A_775, %dma_start3A_776, %dma_start3A_777] : memref<2x512x80xf32, #tpu.memory_space<vmem>> -> memref<1x128x80xf32, #tpu.memory_space<vmem>>
    %dma_start3A_779 = tpu.memref_squeeze %dma_start3A_778 : memref<1x128x80xf32, #tpu.memory_space<vmem>> -> memref<128x80xf32, #tpu.memory_space<vmem>>
    %dma_start3A_780 = arith.constant 5120 : i32
    %dma_start3A_781 = tpu.memref_slice %arg27[%dma_start3A_780] : memref<8192xi32, #tpu.memory_space<vmem>> -> memref<128xi32, #tpu.memory_space<vmem>>
    %dma_start3A_782 = arith.constant 0 : i32
    %dma_start3A_783 = arith.constant 0 : i32
    %dma_start3A_784 = tpu.memref_slice %arg16[%dma_start3A_782, %dma_start3A_783] : memref<31253x80xf32, #tpu.memory_space<hbm>> -> memref<31253x80xf32, #tpu.memory_space<hbm>>
    tpu.enqueue_indirect_dma source(%dma_start3A_784 : memref<31253x80xf32, #tpu.memory_space<hbm>>) target(%dma_start3A_779 : memref<128x80xf32, #tpu.memory_space<vmem>>) offsets(%dma_start3A_781 : memref<128xi32, #tpu.memory_space<vmem>>) semaphore(%arg29 : memref<!tpu.dma_semaphore, #tpu.memory_space<semaphore_mem>>)
    %dma_start3A_785 = arith.constant 0 : i32
    %dma_start3A_786 = arith.constant 128 : i32
    %dma_start3A_787 = arith.constant 0 : i32
    %dma_start3A_788 = tpu.memref_slice %arg28[%dma_start3A_785, %dma_start3A_786, %dma_start3A_787] : memref<2x512x80xf32, #tpu.memory_space<vmem>> -> memref<1x128x80xf32, #tpu.memory_space<vmem>>
    %dma_start3A_789 = tpu.memref_squeeze %dma_start3A_788 : memref<1x128x80xf32, #tpu.memory_space<vmem>> -> memref<128x80xf32, #tpu.memory_space<vmem>>
    %dma_start3A_790 = arith.constant 5248 : i32
    %dma_start3A_791 = tpu.memref_slice %arg27[%dma_start3A_790] : memref<8192xi32, #tpu.memory_space<vmem>> -> memref<128xi32, #tpu.memory_space<vmem>>
    %dma_start3A_792 = arith.constant 0 : i32
    %dma_start3A_793 = arith.constant 0 : i32
    %dma_start3A_794 = tpu.memref_slice %arg16[%dma_start3A_792, %dma_start3A_793] : memref<31253x80xf32, #tpu.memory_space<hbm>> -> memref<31253x80xf32, #tpu.memory_space<hbm>>
    tpu.enqueue_indirect_dma source(%dma_start3A_794 : memref<31253x80xf32, #tpu.memory_space<hbm>>) target(%dma_start3A_789 : memref<128x80xf32, #tpu.memory_space<vmem>>) offsets(%dma_start3A_791 : memref<128xi32, #tpu.memory_space<vmem>>) semaphore(%arg29 : memref<!tpu.dma_semaphore, #tpu.memory_space<semaphore_mem>>)
    %dma_start3A_795 = arith.constant 0 : i32
    %dma_start3A_796 = arith.constant 256 : i32
    %dma_start3A_797 = arith.constant 0 : i32
    %dma_start3A_798 = tpu.memref_slice %arg28[%dma_start3A_795, %dma_start3A_796, %dma_start3A_797] : memref<2x512x80xf32, #tpu.memory_space<vmem>> -> memref<1x128x80xf32, #tpu.memory_space<vmem>>
    %dma_start3A_799 = tpu.memref_squeeze %dma_start3A_798 : memref<1x128x80xf32, #tpu.memory_space<vmem>> -> memref<128x80xf32, #tpu.memory_space<vmem>>
    %dma_start3A_800 = arith.constant 5376 : i32
    %dma_start3A_801 = tpu.memref_slice %arg27[%dma_start3A_800] : memref<8192xi32, #tpu.memory_space<vmem>> -> memref<128xi32, #tpu.memory_space<vmem>>
    %dma_start3A_802 = arith.constant 0 : i32
    %dma_start3A_803 = arith.constant 0 : i32
    %dma_start3A_804 = tpu.memref_slice %arg16[%dma_start3A_802, %dma_start3A_803] : memref<31253x80xf32, #tpu.memory_space<hbm>> -> memref<31253x80xf32, #tpu.memory_space<hbm>>
    tpu.enqueue_indirect_dma source(%dma_start3A_804 : memref<31253x80xf32, #tpu.memory_space<hbm>>) target(%dma_start3A_799 : memref<128x80xf32, #tpu.memory_space<vmem>>) offsets(%dma_start3A_801 : memref<128xi32, #tpu.memory_space<vmem>>) semaphore(%arg29 : memref<!tpu.dma_semaphore, #tpu.memory_space<semaphore_mem>>)
    %dma_start3A_805 = arith.constant 0 : i32
    %dma_start3A_806 = arith.constant 384 : i32
    %dma_start3A_807 = arith.constant 0 : i32
    %dma_start3A_808 = tpu.memref_slice %arg28[%dma_start3A_805, %dma_start3A_806, %dma_start3A_807] : memref<2x512x80xf32, #tpu.memory_space<vmem>> -> memref<1x128x80xf32, #tpu.memory_space<vmem>>
    %dma_start3A_809 = tpu.memref_squeeze %dma_start3A_808 : memref<1x128x80xf32, #tpu.memory_space<vmem>> -> memref<128x80xf32, #tpu.memory_space<vmem>>
    %dma_start3A_810 = arith.constant 5504 : i32
    %dma_start3A_811 = tpu.memref_slice %arg27[%dma_start3A_810] : memref<8192xi32, #tpu.memory_space<vmem>> -> memref<128xi32, #tpu.memory_space<vmem>>
    %dma_start3A_812 = arith.constant 0 : i32
    %dma_start3A_813 = arith.constant 0 : i32
    %dma_start3A_814 = tpu.memref_slice %arg16[%dma_start3A_812, %dma_start3A_813] : memref<31253x80xf32, #tpu.memory_space<hbm>> -> memref<31253x80xf32, #tpu.memory_space<hbm>>
    tpu.enqueue_indirect_dma source(%dma_start3A_814 : memref<31253x80xf32, #tpu.memory_space<hbm>>) target(%dma_start3A_809 : memref<128x80xf32, #tpu.memory_space<vmem>>) offsets(%dma_start3A_811 : memref<128xi32, #tpu.memory_space<vmem>>) semaphore(%arg29 : memref<!tpu.dma_semaphore, #tpu.memory_space<semaphore_mem>>)
    %dma_wait3A_815 = arith.constant 1 : i32
    %dma_wait3A_816 = arith.constant 0 : i32
    %dma_wait3A_817 = arith.constant 0 : i32
    %dma_wait3A_818 = tpu.memref_slice %arg28[%dma_wait3A_815, %dma_wait3A_816, %dma_wait3A_817] : memref<2x512x80xf32, #tpu.memory_space<vmem>> -> memref<1x128x80xf32, #tpu.memory_space<vmem>>
    %dma_wait3A_819 = tpu.memref_squeeze %dma_wait3A_818 : memref<1x128x80xf32, #tpu.memory_space<vmem>> -> memref<128x80xf32, #tpu.memory_space<vmem>>
    %dma_wait3A_820 = arith.constant 4608 : i32
    %dma_wait3A_821 = tpu.memref_slice %arg27[%dma_wait3A_820] : memref<8192xi32, #tpu.memory_space<vmem>> -> memref<128xi32, #tpu.memory_space<vmem>>
    %dma_wait3A_822 = arith.constant 0 : i32
    %dma_wait3A_823 = arith.constant 0 : i32
    %dma_wait3A_824 = tpu.memref_slice %arg15[%dma_wait3A_822, %dma_wait3A_823] : memref<31253x80xf32, #tpu.memory_space<hbm>> -> memref<31253x80xf32, #tpu.memory_space<hbm>>
    tpu.wait_indirect_dma semaphore(%arg30 : memref<!tpu.dma_semaphore, #tpu.memory_space<semaphore_mem>>) src(%dma_wait3A_824 : memref<31253x80xf32, #tpu.memory_space<hbm>>) dst(%dma_wait3A_819 : memref<128x80xf32, #tpu.memory_space<vmem>>)
    %dma_wait3A_825 = arith.constant 1 : i32
    %dma_wait3A_826 = arith.constant 128 : i32
    %dma_wait3A_827 = arith.constant 0 : i32
    %dma_wait3A_828 = tpu.memref_slice %arg28[%dma_wait3A_825, %dma_wait3A_826, %dma_wait3A_827] : memref<2x512x80xf32, #tpu.memory_space<vmem>> -> memref<1x128x80xf32, #tpu.memory_space<vmem>>
    %dma_wait3A_829 = tpu.memref_squeeze %dma_wait3A_828 : memref<1x128x80xf32, #tpu.memory_space<vmem>> -> memref<128x80xf32, #tpu.memory_space<vmem>>
    %dma_wait3A_830 = arith.constant 4736 : i32
    %dma_wait3A_831 = tpu.memref_slice %arg27[%dma_wait3A_830] : memref<8192xi32, #tpu.memory_space<vmem>> -> memref<128xi32, #tpu.memory_space<vmem>>
    %dma_wait3A_832 = arith.constant 0 : i32
    %dma_wait3A_833 = arith.constant 0 : i32
    %dma_wait3A_834 = tpu.memref_slice %arg15[%dma_wait3A_832, %dma_wait3A_833] : memref<31253x80xf32, #tpu.memory_space<hbm>> -> memref<31253x80xf32, #tpu.memory_space<hbm>>
    tpu.wait_indirect_dma semaphore(%arg30 : memref<!tpu.dma_semaphore, #tpu.memory_space<semaphore_mem>>) src(%dma_wait3A_834 : memref<31253x80xf32, #tpu.memory_space<hbm>>) dst(%dma_wait3A_829 : memref<128x80xf32, #tpu.memory_space<vmem>>)
    %dma_wait3A_835 = arith.constant 1 : i32
    %dma_wait3A_836 = arith.constant 256 : i32
    %dma_wait3A_837 = arith.constant 0 : i32
    %dma_wait3A_838 = tpu.memref_slice %arg28[%dma_wait3A_835, %dma_wait3A_836, %dma_wait3A_837] : memref<2x512x80xf32, #tpu.memory_space<vmem>> -> memref<1x128x80xf32, #tpu.memory_space<vmem>>
    %dma_wait3A_839 = tpu.memref_squeeze %dma_wait3A_838 : memref<1x128x80xf32, #tpu.memory_space<vmem>> -> memref<128x80xf32, #tpu.memory_space<vmem>>
    %dma_wait3A_840 = arith.constant 4864 : i32
    %dma_wait3A_841 = tpu.memref_slice %arg27[%dma_wait3A_840] : memref<8192xi32, #tpu.memory_space<vmem>> -> memref<128xi32, #tpu.memory_space<vmem>>
    %dma_wait3A_842 = arith.constant 0 : i32
    %dma_wait3A_843 = arith.constant 0 : i32
    %dma_wait3A_844 = tpu.memref_slice %arg15[%dma_wait3A_842, %dma_wait3A_843] : memref<31253x80xf32, #tpu.memory_space<hbm>> -> memref<31253x80xf32, #tpu.memory_space<hbm>>
    tpu.wait_indirect_dma semaphore(%arg30 : memref<!tpu.dma_semaphore, #tpu.memory_space<semaphore_mem>>) src(%dma_wait3A_844 : memref<31253x80xf32, #tpu.memory_space<hbm>>) dst(%dma_wait3A_839 : memref<128x80xf32, #tpu.memory_space<vmem>>)
    %dma_wait3A_845 = arith.constant 1 : i32
    %dma_wait3A_846 = arith.constant 384 : i32
    %dma_wait3A_847 = arith.constant 0 : i32
    %dma_wait3A_848 = tpu.memref_slice %arg28[%dma_wait3A_845, %dma_wait3A_846, %dma_wait3A_847] : memref<2x512x80xf32, #tpu.memory_space<vmem>> -> memref<1x128x80xf32, #tpu.memory_space<vmem>>
    %dma_wait3A_849 = tpu.memref_squeeze %dma_wait3A_848 : memref<1x128x80xf32, #tpu.memory_space<vmem>> -> memref<128x80xf32, #tpu.memory_space<vmem>>
    %dma_wait3A_850 = arith.constant 4992 : i32
    %dma_wait3A_851 = tpu.memref_slice %arg27[%dma_wait3A_850] : memref<8192xi32, #tpu.memory_space<vmem>> -> memref<128xi32, #tpu.memory_space<vmem>>
    %dma_wait3A_852 = arith.constant 0 : i32
    %dma_wait3A_853 = arith.constant 0 : i32
    %dma_wait3A_854 = tpu.memref_slice %arg15[%dma_wait3A_852, %dma_wait3A_853] : memref<31253x80xf32, #tpu.memory_space<hbm>> -> memref<31253x80xf32, #tpu.memory_space<hbm>>
    tpu.wait_indirect_dma semaphore(%arg30 : memref<!tpu.dma_semaphore, #tpu.memory_space<semaphore_mem>>) src(%dma_wait3A_854 : memref<31253x80xf32, #tpu.memory_space<hbm>>) dst(%dma_wait3A_849 : memref<128x80xf32, #tpu.memory_space<vmem>>)
    %run_scoped3A_855 = arith.constant 1 : i32
    "tpu.region"() ({
      %run_scoped3A_1302 = tpu.sem_alloc : memref<!tpu.dma_semaphore, #tpu.memory_space<semaphore_mem>>
      %dma_start3A_1303 = arith.constant 0 : i32
      %dma_start3A_1304 = arith.constant 0 : i32
      %dma_start3A_1305 = tpu.memref_slice %arg28[%run_scoped3A_855, %dma_start3A_1303, %dma_start3A_1304] : memref<2x512x80xf32, #tpu.memory_space<vmem>> -> memref<1x512x80xf32, #tpu.memory_space<vmem>>
      %dma_start3A_1306 = tpu.memref_squeeze %dma_start3A_1305 : memref<1x512x80xf32, #tpu.memory_space<vmem>> -> memref<512x80xf32, #tpu.memory_space<vmem>>
      %dma_start3A_1307 = arith.constant 720 : i32
      %dma_start3A_1308 = tpu.memref_slice %arg22[%mul3A_2, %dma_start3A_1307] : memref<16384x1280xf32, #tpu.memory_space<hbm>> -> memref<512x80xf32, #tpu.memory_space<hbm>>
      %dma_start3A_1309 = arith.constant 720 : i32
      %dma_start3A_1310 = tpu.memref_slice %arg22[%mul3A_2, %dma_start3A_1309] : memref<16384x1280xf32, #tpu.memory_space<hbm>> -> memref<512x80xf32, #tpu.memory_space<hbm>>
      %dma_start3A_1311 = arith.constant 0 : i32
      %dma_start3A_1312 = arith.constant 0 : i32
      %dma_start3A_1313 = tpu.memref_slice %arg28[%run_scoped3A_855, %dma_start3A_1311, %dma_start3A_1312] : memref<2x512x80xf32, #tpu.memory_space<vmem>> -> memref<1x512x80xf32, #tpu.memory_space<vmem>>
      %dma_start3A_1314 = tpu.memref_squeeze %dma_start3A_1313 : memref<1x512x80xf32, #tpu.memory_space<vmem>> -> memref<512x80xf32, #tpu.memory_space<vmem>>
      tpu.enqueue_dma source(%dma_start3A_1314 : memref<512x80xf32, #tpu.memory_space<vmem>>) target(%dma_start3A_1310 : memref<512x80xf32, #tpu.memory_space<hbm>>) target_semaphore(%run_scoped3A_1302 : memref<!tpu.dma_semaphore, #tpu.memory_space<semaphore_mem>>)
      %dma_wait3A_1315 = arith.constant 0 : i32
      %dma_wait3A_1316 = arith.constant 0 : i32
      %dma_wait3A_1317 = tpu.memref_slice %arg28[%run_scoped3A_855, %dma_wait3A_1315, %dma_wait3A_1316] : memref<2x512x80xf32, #tpu.memory_space<vmem>> -> memref<1x512x80xf32, #tpu.memory_space<vmem>>
      %dma_wait3A_1318 = tpu.memref_squeeze %dma_wait3A_1317 : memref<1x512x80xf32, #tpu.memory_space<vmem>> -> memref<512x80xf32, #tpu.memory_space<vmem>>
      %dma_wait3A_1319 = arith.constant 720 : i32
      %dma_wait3A_1320 = tpu.memref_slice %arg22[%mul3A_2, %dma_wait3A_1319] : memref<16384x1280xf32, #tpu.memory_space<hbm>> -> memref<512x80xf32, #tpu.memory_space<hbm>>
      %dma_wait3A_1321 = arith.constant 720 : i32
      %dma_wait3A_1322 = tpu.memref_slice %arg22[%mul3A_2, %dma_wait3A_1321] : memref<16384x1280xf32, #tpu.memory_space<hbm>> -> memref<512x80xf32, #tpu.memory_space<hbm>>
      %dma_wait3A_1323 = arith.constant 0 : i32
      %dma_wait3A_1324 = arith.constant 0 : i32
      %dma_wait3A_1325 = tpu.memref_slice %arg28[%run_scoped3A_855, %dma_wait3A_1323, %dma_wait3A_1324] : memref<2x512x80xf32, #tpu.memory_space<vmem>> -> memref<1x512x80xf32, #tpu.memory_space<vmem>>
      %dma_wait3A_1326 = tpu.memref_squeeze %dma_wait3A_1325 : memref<1x512x80xf32, #tpu.memory_space<vmem>> -> memref<512x80xf32, #tpu.memory_space<vmem>>
      tpu.wait_dma2 semaphore(%run_scoped3A_1302 : memref<!tpu.dma_semaphore, #tpu.memory_space<semaphore_mem>>) src(%dma_wait3A_1326 : memref<512x80xf32, #tpu.memory_space<vmem>>) dst(%dma_wait3A_1322 : memref<512x80xf32, #tpu.memory_space<hbm>>)
      tpu.yield
    }) : () -> ()
    %dma_start3A_856 = arith.constant 1 : i32
    %dma_start3A_857 = arith.constant 0 : i32
    %dma_start3A_858 = arith.constant 0 : i32
    %dma_start3A_859 = tpu.memref_slice %arg28[%dma_start3A_856, %dma_start3A_857, %dma_start3A_858] : memref<2x512x80xf32, #tpu.memory_space<vmem>> -> memref<1x128x80xf32, #tpu.memory_space<vmem>>
    %dma_start3A_860 = tpu.memref_squeeze %dma_start3A_859 : memref<1x128x80xf32, #tpu.memory_space<vmem>> -> memref<128x80xf32, #tpu.memory_space<vmem>>
    %dma_start3A_861 = arith.constant 5632 : i32
    %dma_start3A_862 = tpu.memref_slice %arg27[%dma_start3A_861] : memref<8192xi32, #tpu.memory_space<vmem>> -> memref<128xi32, #tpu.memory_space<vmem>>
    %dma_start3A_863 = arith.constant 0 : i32
    %dma_start3A_864 = arith.constant 0 : i32
    %dma_start3A_865 = tpu.memref_slice %arg17[%dma_start3A_863, %dma_start3A_864] : memref<31253x80xf32, #tpu.memory_space<hbm>> -> memref<31253x80xf32, #tpu.memory_space<hbm>>
    tpu.enqueue_indirect_dma source(%dma_start3A_865 : memref<31253x80xf32, #tpu.memory_space<hbm>>) target(%dma_start3A_860 : memref<128x80xf32, #tpu.memory_space<vmem>>) offsets(%dma_start3A_862 : memref<128xi32, #tpu.memory_space<vmem>>) semaphore(%arg30 : memref<!tpu.dma_semaphore, #tpu.memory_space<semaphore_mem>>)
    %dma_start3A_866 = arith.constant 1 : i32
    %dma_start3A_867 = arith.constant 128 : i32
    %dma_start3A_868 = arith.constant 0 : i32
    %dma_start3A_869 = tpu.memref_slice %arg28[%dma_start3A_866, %dma_start3A_867, %dma_start3A_868] : memref<2x512x80xf32, #tpu.memory_space<vmem>> -> memref<1x128x80xf32, #tpu.memory_space<vmem>>
    %dma_start3A_870 = tpu.memref_squeeze %dma_start3A_869 : memref<1x128x80xf32, #tpu.memory_space<vmem>> -> memref<128x80xf32, #tpu.memory_space<vmem>>
    %dma_start3A_871 = arith.constant 5760 : i32
    %dma_start3A_872 = tpu.memref_slice %arg27[%dma_start3A_871] : memref<8192xi32, #tpu.memory_space<vmem>> -> memref<128xi32, #tpu.memory_space<vmem>>
    %dma_start3A_873 = arith.constant 0 : i32
    %dma_start3A_874 = arith.constant 0 : i32
    %dma_start3A_875 = tpu.memref_slice %arg17[%dma_start3A_873, %dma_start3A_874] : memref<31253x80xf32, #tpu.memory_space<hbm>> -> memref<31253x80xf32, #tpu.memory_space<hbm>>
    tpu.enqueue_indirect_dma source(%dma_start3A_875 : memref<31253x80xf32, #tpu.memory_space<hbm>>) target(%dma_start3A_870 : memref<128x80xf32, #tpu.memory_space<vmem>>) offsets(%dma_start3A_872 : memref<128xi32, #tpu.memory_space<vmem>>) semaphore(%arg30 : memref<!tpu.dma_semaphore, #tpu.memory_space<semaphore_mem>>)
    %dma_start3A_876 = arith.constant 1 : i32
    %dma_start3A_877 = arith.constant 256 : i32
    %dma_start3A_878 = arith.constant 0 : i32
    %dma_start3A_879 = tpu.memref_slice %arg28[%dma_start3A_876, %dma_start3A_877, %dma_start3A_878] : memref<2x512x80xf32, #tpu.memory_space<vmem>> -> memref<1x128x80xf32, #tpu.memory_space<vmem>>
    %dma_start3A_880 = tpu.memref_squeeze %dma_start3A_879 : memref<1x128x80xf32, #tpu.memory_space<vmem>> -> memref<128x80xf32, #tpu.memory_space<vmem>>
    %dma_start3A_881 = arith.constant 5888 : i32
    %dma_start3A_882 = tpu.memref_slice %arg27[%dma_start3A_881] : memref<8192xi32, #tpu.memory_space<vmem>> -> memref<128xi32, #tpu.memory_space<vmem>>
    %dma_start3A_883 = arith.constant 0 : i32
    %dma_start3A_884 = arith.constant 0 : i32
    %dma_start3A_885 = tpu.memref_slice %arg17[%dma_start3A_883, %dma_start3A_884] : memref<31253x80xf32, #tpu.memory_space<hbm>> -> memref<31253x80xf32, #tpu.memory_space<hbm>>
    tpu.enqueue_indirect_dma source(%dma_start3A_885 : memref<31253x80xf32, #tpu.memory_space<hbm>>) target(%dma_start3A_880 : memref<128x80xf32, #tpu.memory_space<vmem>>) offsets(%dma_start3A_882 : memref<128xi32, #tpu.memory_space<vmem>>) semaphore(%arg30 : memref<!tpu.dma_semaphore, #tpu.memory_space<semaphore_mem>>)
    %dma_start3A_886 = arith.constant 1 : i32
    %dma_start3A_887 = arith.constant 384 : i32
    %dma_start3A_888 = arith.constant 0 : i32
    %dma_start3A_889 = tpu.memref_slice %arg28[%dma_start3A_886, %dma_start3A_887, %dma_start3A_888] : memref<2x512x80xf32, #tpu.memory_space<vmem>> -> memref<1x128x80xf32, #tpu.memory_space<vmem>>
    %dma_start3A_890 = tpu.memref_squeeze %dma_start3A_889 : memref<1x128x80xf32, #tpu.memory_space<vmem>> -> memref<128x80xf32, #tpu.memory_space<vmem>>
    %dma_start3A_891 = arith.constant 6016 : i32
    %dma_start3A_892 = tpu.memref_slice %arg27[%dma_start3A_891] : memref<8192xi32, #tpu.memory_space<vmem>> -> memref<128xi32, #tpu.memory_space<vmem>>
    %dma_start3A_893 = arith.constant 0 : i32
    %dma_start3A_894 = arith.constant 0 : i32
    %dma_start3A_895 = tpu.memref_slice %arg17[%dma_start3A_893, %dma_start3A_894] : memref<31253x80xf32, #tpu.memory_space<hbm>> -> memref<31253x80xf32, #tpu.memory_space<hbm>>
    tpu.enqueue_indirect_dma source(%dma_start3A_895 : memref<31253x80xf32, #tpu.memory_space<hbm>>) target(%dma_start3A_890 : memref<128x80xf32, #tpu.memory_space<vmem>>) offsets(%dma_start3A_892 : memref<128xi32, #tpu.memory_space<vmem>>) semaphore(%arg30 : memref<!tpu.dma_semaphore, #tpu.memory_space<semaphore_mem>>)
    %dma_wait3A_896 = arith.constant 0 : i32
    %dma_wait3A_897 = arith.constant 0 : i32
    %dma_wait3A_898 = arith.constant 0 : i32
    %dma_wait3A_899 = tpu.memref_slice %arg28[%dma_wait3A_896, %dma_wait3A_897, %dma_wait3A_898] : memref<2x512x80xf32, #tpu.memory_space<vmem>> -> memref<1x128x80xf32, #tpu.memory_space<vmem>>
    %dma_wait3A_900 = tpu.memref_squeeze %dma_wait3A_899 : memref<1x128x80xf32, #tpu.memory_space<vmem>> -> memref<128x80xf32, #tpu.memory_space<vmem>>
    %dma_wait3A_901 = arith.constant 5120 : i32
    %dma_wait3A_902 = tpu.memref_slice %arg27[%dma_wait3A_901] : memref<8192xi32, #tpu.memory_space<vmem>> -> memref<128xi32, #tpu.memory_space<vmem>>
    %dma_wait3A_903 = arith.constant 0 : i32
    %dma_wait3A_904 = arith.constant 0 : i32
    %dma_wait3A_905 = tpu.memref_slice %arg16[%dma_wait3A_903, %dma_wait3A_904] : memref<31253x80xf32, #tpu.memory_space<hbm>> -> memref<31253x80xf32, #tpu.memory_space<hbm>>
    tpu.wait_indirect_dma semaphore(%arg29 : memref<!tpu.dma_semaphore, #tpu.memory_space<semaphore_mem>>) src(%dma_wait3A_905 : memref<31253x80xf32, #tpu.memory_space<hbm>>) dst(%dma_wait3A_900 : memref<128x80xf32, #tpu.memory_space<vmem>>)
    %dma_wait3A_906 = arith.constant 0 : i32
    %dma_wait3A_907 = arith.constant 128 : i32
    %dma_wait3A_908 = arith.constant 0 : i32
    %dma_wait3A_909 = tpu.memref_slice %arg28[%dma_wait3A_906, %dma_wait3A_907, %dma_wait3A_908] : memref<2x512x80xf32, #tpu.memory_space<vmem>> -> memref<1x128x80xf32, #tpu.memory_space<vmem>>
    %dma_wait3A_910 = tpu.memref_squeeze %dma_wait3A_909 : memref<1x128x80xf32, #tpu.memory_space<vmem>> -> memref<128x80xf32, #tpu.memory_space<vmem>>
    %dma_wait3A_911 = arith.constant 5248 : i32
    %dma_wait3A_912 = tpu.memref_slice %arg27[%dma_wait3A_911] : memref<8192xi32, #tpu.memory_space<vmem>> -> memref<128xi32, #tpu.memory_space<vmem>>
    %dma_wait3A_913 = arith.constant 0 : i32
    %dma_wait3A_914 = arith.constant 0 : i32
    %dma_wait3A_915 = tpu.memref_slice %arg16[%dma_wait3A_913, %dma_wait3A_914] : memref<31253x80xf32, #tpu.memory_space<hbm>> -> memref<31253x80xf32, #tpu.memory_space<hbm>>
    tpu.wait_indirect_dma semaphore(%arg29 : memref<!tpu.dma_semaphore, #tpu.memory_space<semaphore_mem>>) src(%dma_wait3A_915 : memref<31253x80xf32, #tpu.memory_space<hbm>>) dst(%dma_wait3A_910 : memref<128x80xf32, #tpu.memory_space<vmem>>)
    %dma_wait3A_916 = arith.constant 0 : i32
    %dma_wait3A_917 = arith.constant 256 : i32
    %dma_wait3A_918 = arith.constant 0 : i32
    %dma_wait3A_919 = tpu.memref_slice %arg28[%dma_wait3A_916, %dma_wait3A_917, %dma_wait3A_918] : memref<2x512x80xf32, #tpu.memory_space<vmem>> -> memref<1x128x80xf32, #tpu.memory_space<vmem>>
    %dma_wait3A_920 = tpu.memref_squeeze %dma_wait3A_919 : memref<1x128x80xf32, #tpu.memory_space<vmem>> -> memref<128x80xf32, #tpu.memory_space<vmem>>
    %dma_wait3A_921 = arith.constant 5376 : i32
    %dma_wait3A_922 = tpu.memref_slice %arg27[%dma_wait3A_921] : memref<8192xi32, #tpu.memory_space<vmem>> -> memref<128xi32, #tpu.memory_space<vmem>>
    %dma_wait3A_923 = arith.constant 0 : i32
    %dma_wait3A_924 = arith.constant 0 : i32
    %dma_wait3A_925 = tpu.memref_slice %arg16[%dma_wait3A_923, %dma_wait3A_924] : memref<31253x80xf32, #tpu.memory_space<hbm>> -> memref<31253x80xf32, #tpu.memory_space<hbm>>
    tpu.wait_indirect_dma semaphore(%arg29 : memref<!tpu.dma_semaphore, #tpu.memory_space<semaphore_mem>>) src(%dma_wait3A_925 : memref<31253x80xf32, #tpu.memory_space<hbm>>) dst(%dma_wait3A_920 : memref<128x80xf32, #tpu.memory_space<vmem>>)
    %dma_wait3A_926 = arith.constant 0 : i32
    %dma_wait3A_927 = arith.constant 384 : i32
    %dma_wait3A_928 = arith.constant 0 : i32
    %dma_wait3A_929 = tpu.memref_slice %arg28[%dma_wait3A_926, %dma_wait3A_927, %dma_wait3A_928] : memref<2x512x80xf32, #tpu.memory_space<vmem>> -> memref<1x128x80xf32, #tpu.memory_space<vmem>>
    %dma_wait3A_930 = tpu.memref_squeeze %dma_wait3A_929 : memref<1x128x80xf32, #tpu.memory_space<vmem>> -> memref<128x80xf32, #tpu.memory_space<vmem>>
    %dma_wait3A_931 = arith.constant 5504 : i32
    %dma_wait3A_932 = tpu.memref_slice %arg27[%dma_wait3A_931] : memref<8192xi32, #tpu.memory_space<vmem>> -> memref<128xi32, #tpu.memory_space<vmem>>
    %dma_wait3A_933 = arith.constant 0 : i32
    %dma_wait3A_934 = arith.constant 0 : i32
    %dma_wait3A_935 = tpu.memref_slice %arg16[%dma_wait3A_933, %dma_wait3A_934] : memref<31253x80xf32, #tpu.memory_space<hbm>> -> memref<31253x80xf32, #tpu.memory_space<hbm>>
    tpu.wait_indirect_dma semaphore(%arg29 : memref<!tpu.dma_semaphore, #tpu.memory_space<semaphore_mem>>) src(%dma_wait3A_935 : memref<31253x80xf32, #tpu.memory_space<hbm>>) dst(%dma_wait3A_930 : memref<128x80xf32, #tpu.memory_space<vmem>>)
    %run_scoped3A_936 = arith.constant 0 : i32
    "tpu.region"() ({
      %run_scoped3A_1302 = tpu.sem_alloc : memref<!tpu.dma_semaphore, #tpu.memory_space<semaphore_mem>>
      %dma_start3A_1303 = arith.constant 0 : i32
      %dma_start3A_1304 = arith.constant 0 : i32
      %dma_start3A_1305 = tpu.memref_slice %arg28[%run_scoped3A_936, %dma_start3A_1303, %dma_start3A_1304] : memref<2x512x80xf32, #tpu.memory_space<vmem>> -> memref<1x512x80xf32, #tpu.memory_space<vmem>>
      %dma_start3A_1306 = tpu.memref_squeeze %dma_start3A_1305 : memref<1x512x80xf32, #tpu.memory_space<vmem>> -> memref<512x80xf32, #tpu.memory_space<vmem>>
      %dma_start3A_1307 = arith.constant 800 : i32
      %dma_start3A_1308 = tpu.memref_slice %arg22[%mul3A_2, %dma_start3A_1307] : memref<16384x1280xf32, #tpu.memory_space<hbm>> -> memref<512x80xf32, #tpu.memory_space<hbm>>
      %dma_start3A_1309 = arith.constant 800 : i32
      %dma_start3A_1310 = tpu.memref_slice %arg22[%mul3A_2, %dma_start3A_1309] : memref<16384x1280xf32, #tpu.memory_space<hbm>> -> memref<512x80xf32, #tpu.memory_space<hbm>>
      %dma_start3A_1311 = arith.constant 0 : i32
      %dma_start3A_1312 = arith.constant 0 : i32
      %dma_start3A_1313 = tpu.memref_slice %arg28[%run_scoped3A_936, %dma_start3A_1311, %dma_start3A_1312] : memref<2x512x80xf32, #tpu.memory_space<vmem>> -> memref<1x512x80xf32, #tpu.memory_space<vmem>>
      %dma_start3A_1314 = tpu.memref_squeeze %dma_start3A_1313 : memref<1x512x80xf32, #tpu.memory_space<vmem>> -> memref<512x80xf32, #tpu.memory_space<vmem>>
      tpu.enqueue_dma source(%dma_start3A_1314 : memref<512x80xf32, #tpu.memory_space<vmem>>) target(%dma_start3A_1310 : memref<512x80xf32, #tpu.memory_space<hbm>>) target_semaphore(%run_scoped3A_1302 : memref<!tpu.dma_semaphore, #tpu.memory_space<semaphore_mem>>)
      %dma_wait3A_1315 = arith.constant 0 : i32
      %dma_wait3A_1316 = arith.constant 0 : i32
      %dma_wait3A_1317 = tpu.memref_slice %arg28[%run_scoped3A_936, %dma_wait3A_1315, %dma_wait3A_1316] : memref<2x512x80xf32, #tpu.memory_space<vmem>> -> memref<1x512x80xf32, #tpu.memory_space<vmem>>
      %dma_wait3A_1318 = tpu.memref_squeeze %dma_wait3A_1317 : memref<1x512x80xf32, #tpu.memory_space<vmem>> -> memref<512x80xf32, #tpu.memory_space<vmem>>
      %dma_wait3A_1319 = arith.constant 800 : i32
      %dma_wait3A_1320 = tpu.memref_slice %arg22[%mul3A_2, %dma_wait3A_1319] : memref<16384x1280xf32, #tpu.memory_space<hbm>> -> memref<512x80xf32, #tpu.memory_space<hbm>>
      %dma_wait3A_1321 = arith.constant 800 : i32
      %dma_wait3A_1322 = tpu.memref_slice %arg22[%mul3A_2, %dma_wait3A_1321] : memref<16384x1280xf32, #tpu.memory_space<hbm>> -> memref<512x80xf32, #tpu.memory_space<hbm>>
      %dma_wait3A_1323 = arith.constant 0 : i32
      %dma_wait3A_1324 = arith.constant 0 : i32
      %dma_wait3A_1325 = tpu.memref_slice %arg28[%run_scoped3A_936, %dma_wait3A_1323, %dma_wait3A_1324] : memref<2x512x80xf32, #tpu.memory_space<vmem>> -> memref<1x512x80xf32, #tpu.memory_space<vmem>>
      %dma_wait3A_1326 = tpu.memref_squeeze %dma_wait3A_1325 : memref<1x512x80xf32, #tpu.memory_space<vmem>> -> memref<512x80xf32, #tpu.memory_space<vmem>>
      tpu.wait_dma2 semaphore(%run_scoped3A_1302 : memref<!tpu.dma_semaphore, #tpu.memory_space<semaphore_mem>>) src(%dma_wait3A_1326 : memref<512x80xf32, #tpu.memory_space<vmem>>) dst(%dma_wait3A_1322 : memref<512x80xf32, #tpu.memory_space<hbm>>)
      tpu.yield
    }) : () -> ()
    %dma_start3A_937 = arith.constant 0 : i32
    %dma_start3A_938 = arith.constant 0 : i32
    %dma_start3A_939 = arith.constant 0 : i32
    %dma_start3A_940 = tpu.memref_slice %arg28[%dma_start3A_937, %dma_start3A_938, %dma_start3A_939] : memref<2x512x80xf32, #tpu.memory_space<vmem>> -> memref<1x128x80xf32, #tpu.memory_space<vmem>>
    %dma_start3A_941 = tpu.memref_squeeze %dma_start3A_940 : memref<1x128x80xf32, #tpu.memory_space<vmem>> -> memref<128x80xf32, #tpu.memory_space<vmem>>
    %dma_start3A_942 = arith.constant 6144 : i32
    %dma_start3A_943 = tpu.memref_slice %arg27[%dma_start3A_942] : memref<8192xi32, #tpu.memory_space<vmem>> -> memref<128xi32, #tpu.memory_space<vmem>>
    %dma_start3A_944 = arith.constant 0 : i32
    %dma_start3A_945 = arith.constant 0 : i32
    %dma_start3A_946 = tpu.memref_slice %arg18[%dma_start3A_944, %dma_start3A_945] : memref<31253x80xf32, #tpu.memory_space<hbm>> -> memref<31253x80xf32, #tpu.memory_space<hbm>>
    tpu.enqueue_indirect_dma source(%dma_start3A_946 : memref<31253x80xf32, #tpu.memory_space<hbm>>) target(%dma_start3A_941 : memref<128x80xf32, #tpu.memory_space<vmem>>) offsets(%dma_start3A_943 : memref<128xi32, #tpu.memory_space<vmem>>) semaphore(%arg29 : memref<!tpu.dma_semaphore, #tpu.memory_space<semaphore_mem>>)
    %dma_start3A_947 = arith.constant 0 : i32
    %dma_start3A_948 = arith.constant 128 : i32
    %dma_start3A_949 = arith.constant 0 : i32
    %dma_start3A_950 = tpu.memref_slice %arg28[%dma_start3A_947, %dma_start3A_948, %dma_start3A_949] : memref<2x512x80xf32, #tpu.memory_space<vmem>> -> memref<1x128x80xf32, #tpu.memory_space<vmem>>
    %dma_start3A_951 = tpu.memref_squeeze %dma_start3A_950 : memref<1x128x80xf32, #tpu.memory_space<vmem>> -> memref<128x80xf32, #tpu.memory_space<vmem>>
    %dma_start3A_952 = arith.constant 6272 : i32
    %dma_start3A_953 = tpu.memref_slice %arg27[%dma_start3A_952] : memref<8192xi32, #tpu.memory_space<vmem>> -> memref<128xi32, #tpu.memory_space<vmem>>
    %dma_start3A_954 = arith.constant 0 : i32
    %dma_start3A_955 = arith.constant 0 : i32
    %dma_start3A_956 = tpu.memref_slice %arg18[%dma_start3A_954, %dma_start3A_955] : memref<31253x80xf32, #tpu.memory_space<hbm>> -> memref<31253x80xf32, #tpu.memory_space<hbm>>
    tpu.enqueue_indirect_dma source(%dma_start3A_956 : memref<31253x80xf32, #tpu.memory_space<hbm>>) target(%dma_start3A_951 : memref<128x80xf32, #tpu.memory_space<vmem>>) offsets(%dma_start3A_953 : memref<128xi32, #tpu.memory_space<vmem>>) semaphore(%arg29 : memref<!tpu.dma_semaphore, #tpu.memory_space<semaphore_mem>>)
    %dma_start3A_957 = arith.constant 0 : i32
    %dma_start3A_958 = arith.constant 256 : i32
    %dma_start3A_959 = arith.constant 0 : i32
    %dma_start3A_960 = tpu.memref_slice %arg28[%dma_start3A_957, %dma_start3A_958, %dma_start3A_959] : memref<2x512x80xf32, #tpu.memory_space<vmem>> -> memref<1x128x80xf32, #tpu.memory_space<vmem>>
    %dma_start3A_961 = tpu.memref_squeeze %dma_start3A_960 : memref<1x128x80xf32, #tpu.memory_space<vmem>> -> memref<128x80xf32, #tpu.memory_space<vmem>>
    %dma_start3A_962 = arith.constant 6400 : i32
    %dma_start3A_963 = tpu.memref_slice %arg27[%dma_start3A_962] : memref<8192xi32, #tpu.memory_space<vmem>> -> memref<128xi32, #tpu.memory_space<vmem>>
    %dma_start3A_964 = arith.constant 0 : i32
    %dma_start3A_965 = arith.constant 0 : i32
    %dma_start3A_966 = tpu.memref_slice %arg18[%dma_start3A_964, %dma_start3A_965] : memref<31253x80xf32, #tpu.memory_space<hbm>> -> memref<31253x80xf32, #tpu.memory_space<hbm>>
    tpu.enqueue_indirect_dma source(%dma_start3A_966 : memref<31253x80xf32, #tpu.memory_space<hbm>>) target(%dma_start3A_961 : memref<128x80xf32, #tpu.memory_space<vmem>>) offsets(%dma_start3A_963 : memref<128xi32, #tpu.memory_space<vmem>>) semaphore(%arg29 : memref<!tpu.dma_semaphore, #tpu.memory_space<semaphore_mem>>)
    %dma_start3A_967 = arith.constant 0 : i32
    %dma_start3A_968 = arith.constant 384 : i32
    %dma_start3A_969 = arith.constant 0 : i32
    %dma_start3A_970 = tpu.memref_slice %arg28[%dma_start3A_967, %dma_start3A_968, %dma_start3A_969] : memref<2x512x80xf32, #tpu.memory_space<vmem>> -> memref<1x128x80xf32, #tpu.memory_space<vmem>>
    %dma_start3A_971 = tpu.memref_squeeze %dma_start3A_970 : memref<1x128x80xf32, #tpu.memory_space<vmem>> -> memref<128x80xf32, #tpu.memory_space<vmem>>
    %dma_start3A_972 = arith.constant 6528 : i32
    %dma_start3A_973 = tpu.memref_slice %arg27[%dma_start3A_972] : memref<8192xi32, #tpu.memory_space<vmem>> -> memref<128xi32, #tpu.memory_space<vmem>>
    %dma_start3A_974 = arith.constant 0 : i32
    %dma_start3A_975 = arith.constant 0 : i32
    %dma_start3A_976 = tpu.memref_slice %arg18[%dma_start3A_974, %dma_start3A_975] : memref<31253x80xf32, #tpu.memory_space<hbm>> -> memref<31253x80xf32, #tpu.memory_space<hbm>>
    tpu.enqueue_indirect_dma source(%dma_start3A_976 : memref<31253x80xf32, #tpu.memory_space<hbm>>) target(%dma_start3A_971 : memref<128x80xf32, #tpu.memory_space<vmem>>) offsets(%dma_start3A_973 : memref<128xi32, #tpu.memory_space<vmem>>) semaphore(%arg29 : memref<!tpu.dma_semaphore, #tpu.memory_space<semaphore_mem>>)
    %dma_wait3A_977 = arith.constant 1 : i32
    %dma_wait3A_978 = arith.constant 0 : i32
    %dma_wait3A_979 = arith.constant 0 : i32
    %dma_wait3A_980 = tpu.memref_slice %arg28[%dma_wait3A_977, %dma_wait3A_978, %dma_wait3A_979] : memref<2x512x80xf32, #tpu.memory_space<vmem>> -> memref<1x128x80xf32, #tpu.memory_space<vmem>>
    %dma_wait3A_981 = tpu.memref_squeeze %dma_wait3A_980 : memref<1x128x80xf32, #tpu.memory_space<vmem>> -> memref<128x80xf32, #tpu.memory_space<vmem>>
    %dma_wait3A_982 = arith.constant 5632 : i32
    %dma_wait3A_983 = tpu.memref_slice %arg27[%dma_wait3A_982] : memref<8192xi32, #tpu.memory_space<vmem>> -> memref<128xi32, #tpu.memory_space<vmem>>
    %dma_wait3A_984 = arith.constant 0 : i32
    %dma_wait3A_985 = arith.constant 0 : i32
    %dma_wait3A_986 = tpu.memref_slice %arg17[%dma_wait3A_984, %dma_wait3A_985] : memref<31253x80xf32, #tpu.memory_space<hbm>> -> memref<31253x80xf32, #tpu.memory_space<hbm>>
    tpu.wait_indirect_dma semaphore(%arg30 : memref<!tpu.dma_semaphore, #tpu.memory_space<semaphore_mem>>) src(%dma_wait3A_986 : memref<31253x80xf32, #tpu.memory_space<hbm>>) dst(%dma_wait3A_981 : memref<128x80xf32, #tpu.memory_space<vmem>>)
    %dma_wait3A_987 = arith.constant 1 : i32
    %dma_wait3A_988 = arith.constant 128 : i32
    %dma_wait3A_989 = arith.constant 0 : i32
    %dma_wait3A_990 = tpu.memref_slice %arg28[%dma_wait3A_987, %dma_wait3A_988, %dma_wait3A_989] : memref<2x512x80xf32, #tpu.memory_space<vmem>> -> memref<1x128x80xf32, #tpu.memory_space<vmem>>
    %dma_wait3A_991 = tpu.memref_squeeze %dma_wait3A_990 : memref<1x128x80xf32, #tpu.memory_space<vmem>> -> memref<128x80xf32, #tpu.memory_space<vmem>>
    %dma_wait3A_992 = arith.constant 5760 : i32
    %dma_wait3A_993 = tpu.memref_slice %arg27[%dma_wait3A_992] : memref<8192xi32, #tpu.memory_space<vmem>> -> memref<128xi32, #tpu.memory_space<vmem>>
    %dma_wait3A_994 = arith.constant 0 : i32
    %dma_wait3A_995 = arith.constant 0 : i32
    %dma_wait3A_996 = tpu.memref_slice %arg17[%dma_wait3A_994, %dma_wait3A_995] : memref<31253x80xf32, #tpu.memory_space<hbm>> -> memref<31253x80xf32, #tpu.memory_space<hbm>>
    tpu.wait_indirect_dma semaphore(%arg30 : memref<!tpu.dma_semaphore, #tpu.memory_space<semaphore_mem>>) src(%dma_wait3A_996 : memref<31253x80xf32, #tpu.memory_space<hbm>>) dst(%dma_wait3A_991 : memref<128x80xf32, #tpu.memory_space<vmem>>)
    %dma_wait3A_997 = arith.constant 1 : i32
    %dma_wait3A_998 = arith.constant 256 : i32
    %dma_wait3A_999 = arith.constant 0 : i32
    %dma_wait3A_1000 = tpu.memref_slice %arg28[%dma_wait3A_997, %dma_wait3A_998, %dma_wait3A_999] : memref<2x512x80xf32, #tpu.memory_space<vmem>> -> memref<1x128x80xf32, #tpu.memory_space<vmem>>
    %dma_wait3A_1001 = tpu.memref_squeeze %dma_wait3A_1000 : memref<1x128x80xf32, #tpu.memory_space<vmem>> -> memref<128x80xf32, #tpu.memory_space<vmem>>
    %dma_wait3A_1002 = arith.constant 5888 : i32
    %dma_wait3A_1003 = tpu.memref_slice %arg27[%dma_wait3A_1002] : memref<8192xi32, #tpu.memory_space<vmem>> -> memref<128xi32, #tpu.memory_space<vmem>>
    %dma_wait3A_1004 = arith.constant 0 : i32
    %dma_wait3A_1005 = arith.constant 0 : i32
    %dma_wait3A_1006 = tpu.memref_slice %arg17[%dma_wait3A_1004, %dma_wait3A_1005] : memref<31253x80xf32, #tpu.memory_space<hbm>> -> memref<31253x80xf32, #tpu.memory_space<hbm>>
    tpu.wait_indirect_dma semaphore(%arg30 : memref<!tpu.dma_semaphore, #tpu.memory_space<semaphore_mem>>) src(%dma_wait3A_1006 : memref<31253x80xf32, #tpu.memory_space<hbm>>) dst(%dma_wait3A_1001 : memref<128x80xf32, #tpu.memory_space<vmem>>)
    %dma_wait3A_1007 = arith.constant 1 : i32
    %dma_wait3A_1008 = arith.constant 384 : i32
    %dma_wait3A_1009 = arith.constant 0 : i32
    %dma_wait3A_1010 = tpu.memref_slice %arg28[%dma_wait3A_1007, %dma_wait3A_1008, %dma_wait3A_1009] : memref<2x512x80xf32, #tpu.memory_space<vmem>> -> memref<1x128x80xf32, #tpu.memory_space<vmem>>
    %dma_wait3A_1011 = tpu.memref_squeeze %dma_wait3A_1010 : memref<1x128x80xf32, #tpu.memory_space<vmem>> -> memref<128x80xf32, #tpu.memory_space<vmem>>
    %dma_wait3A_1012 = arith.constant 6016 : i32
    %dma_wait3A_1013 = tpu.memref_slice %arg27[%dma_wait3A_1012] : memref<8192xi32, #tpu.memory_space<vmem>> -> memref<128xi32, #tpu.memory_space<vmem>>
    %dma_wait3A_1014 = arith.constant 0 : i32
    %dma_wait3A_1015 = arith.constant 0 : i32
    %dma_wait3A_1016 = tpu.memref_slice %arg17[%dma_wait3A_1014, %dma_wait3A_1015] : memref<31253x80xf32, #tpu.memory_space<hbm>> -> memref<31253x80xf32, #tpu.memory_space<hbm>>
    tpu.wait_indirect_dma semaphore(%arg30 : memref<!tpu.dma_semaphore, #tpu.memory_space<semaphore_mem>>) src(%dma_wait3A_1016 : memref<31253x80xf32, #tpu.memory_space<hbm>>) dst(%dma_wait3A_1011 : memref<128x80xf32, #tpu.memory_space<vmem>>)
    %run_scoped3A_1017 = arith.constant 1 : i32
    "tpu.region"() ({
      %run_scoped3A_1302 = tpu.sem_alloc : memref<!tpu.dma_semaphore, #tpu.memory_space<semaphore_mem>>
      %dma_start3A_1303 = arith.constant 0 : i32
      %dma_start3A_1304 = arith.constant 0 : i32
      %dma_start3A_1305 = tpu.memref_slice %arg28[%run_scoped3A_1017, %dma_start3A_1303, %dma_start3A_1304] : memref<2x512x80xf32, #tpu.memory_space<vmem>> -> memref<1x512x80xf32, #tpu.memory_space<vmem>>
      %dma_start3A_1306 = tpu.memref_squeeze %dma_start3A_1305 : memref<1x512x80xf32, #tpu.memory_space<vmem>> -> memref<512x80xf32, #tpu.memory_space<vmem>>
      %dma_start3A_1307 = arith.constant 880 : i32
      %dma_start3A_1308 = tpu.memref_slice %arg22[%mul3A_2, %dma_start3A_1307] : memref<16384x1280xf32, #tpu.memory_space<hbm>> -> memref<512x80xf32, #tpu.memory_space<hbm>>
      %dma_start3A_1309 = arith.constant 880 : i32
      %dma_start3A_1310 = tpu.memref_slice %arg22[%mul3A_2, %dma_start3A_1309] : memref<16384x1280xf32, #tpu.memory_space<hbm>> -> memref<512x80xf32, #tpu.memory_space<hbm>>
      %dma_start3A_1311 = arith.constant 0 : i32
      %dma_start3A_1312 = arith.constant 0 : i32
      %dma_start3A_1313 = tpu.memref_slice %arg28[%run_scoped3A_1017, %dma_start3A_1311, %dma_start3A_1312] : memref<2x512x80xf32, #tpu.memory_space<vmem>> -> memref<1x512x80xf32, #tpu.memory_space<vmem>>
      %dma_start3A_1314 = tpu.memref_squeeze %dma_start3A_1313 : memref<1x512x80xf32, #tpu.memory_space<vmem>> -> memref<512x80xf32, #tpu.memory_space<vmem>>
      tpu.enqueue_dma source(%dma_start3A_1314 : memref<512x80xf32, #tpu.memory_space<vmem>>) target(%dma_start3A_1310 : memref<512x80xf32, #tpu.memory_space<hbm>>) target_semaphore(%run_scoped3A_1302 : memref<!tpu.dma_semaphore, #tpu.memory_space<semaphore_mem>>)
      %dma_wait3A_1315 = arith.constant 0 : i32
      %dma_wait3A_1316 = arith.constant 0 : i32
      %dma_wait3A_1317 = tpu.memref_slice %arg28[%run_scoped3A_1017, %dma_wait3A_1315, %dma_wait3A_1316] : memref<2x512x80xf32, #tpu.memory_space<vmem>> -> memref<1x512x80xf32, #tpu.memory_space<vmem>>
      %dma_wait3A_1318 = tpu.memref_squeeze %dma_wait3A_1317 : memref<1x512x80xf32, #tpu.memory_space<vmem>> -> memref<512x80xf32, #tpu.memory_space<vmem>>
      %dma_wait3A_1319 = arith.constant 880 : i32
      %dma_wait3A_1320 = tpu.memref_slice %arg22[%mul3A_2, %dma_wait3A_1319] : memref<16384x1280xf32, #tpu.memory_space<hbm>> -> memref<512x80xf32, #tpu.memory_space<hbm>>
      %dma_wait3A_1321 = arith.constant 880 : i32
      %dma_wait3A_1322 = tpu.memref_slice %arg22[%mul3A_2, %dma_wait3A_1321] : memref<16384x1280xf32, #tpu.memory_space<hbm>> -> memref<512x80xf32, #tpu.memory_space<hbm>>
      %dma_wait3A_1323 = arith.constant 0 : i32
      %dma_wait3A_1324 = arith.constant 0 : i32
      %dma_wait3A_1325 = tpu.memref_slice %arg28[%run_scoped3A_1017, %dma_wait3A_1323, %dma_wait3A_1324] : memref<2x512x80xf32, #tpu.memory_space<vmem>> -> memref<1x512x80xf32, #tpu.memory_space<vmem>>
      %dma_wait3A_1326 = tpu.memref_squeeze %dma_wait3A_1325 : memref<1x512x80xf32, #tpu.memory_space<vmem>> -> memref<512x80xf32, #tpu.memory_space<vmem>>
      tpu.wait_dma2 semaphore(%run_scoped3A_1302 : memref<!tpu.dma_semaphore, #tpu.memory_space<semaphore_mem>>) src(%dma_wait3A_1326 : memref<512x80xf32, #tpu.memory_space<vmem>>) dst(%dma_wait3A_1322 : memref<512x80xf32, #tpu.memory_space<hbm>>)
      tpu.yield
    }) : () -> ()
    %dma_start3A_1018 = arith.constant 1 : i32
    %dma_start3A_1019 = arith.constant 0 : i32
    %dma_start3A_1020 = arith.constant 0 : i32
    %dma_start3A_1021 = tpu.memref_slice %arg28[%dma_start3A_1018, %dma_start3A_1019, %dma_start3A_1020] : memref<2x512x80xf32, #tpu.memory_space<vmem>> -> memref<1x128x80xf32, #tpu.memory_space<vmem>>
    %dma_start3A_1022 = tpu.memref_squeeze %dma_start3A_1021 : memref<1x128x80xf32, #tpu.memory_space<vmem>> -> memref<128x80xf32, #tpu.memory_space<vmem>>
    %dma_start3A_1023 = arith.constant 6656 : i32
    %dma_start3A_1024 = tpu.memref_slice %arg27[%dma_start3A_1023] : memref<8192xi32, #tpu.memory_space<vmem>> -> memref<128xi32, #tpu.memory_space<vmem>>
    %dma_start3A_1025 = arith.constant 0 : i32
    %dma_start3A_1026 = arith.constant 0 : i32
    %dma_start3A_1027 = tpu.memref_slice %arg19[%dma_start3A_1025, %dma_start3A_1026] : memref<31253x80xf32, #tpu.memory_space<hbm>> -> memref<31253x80xf32, #tpu.memory_space<hbm>>
    tpu.enqueue_indirect_dma source(%dma_start3A_1027 : memref<31253x80xf32, #tpu.memory_space<hbm>>) target(%dma_start3A_1022 : memref<128x80xf32, #tpu.memory_space<vmem>>) offsets(%dma_start3A_1024 : memref<128xi32, #tpu.memory_space<vmem>>) semaphore(%arg30 : memref<!tpu.dma_semaphore, #tpu.memory_space<semaphore_mem>>)
    %dma_start3A_1028 = arith.constant 1 : i32
    %dma_start3A_1029 = arith.constant 128 : i32
    %dma_start3A_1030 = arith.constant 0 : i32
    %dma_start3A_1031 = tpu.memref_slice %arg28[%dma_start3A_1028, %dma_start3A_1029, %dma_start3A_1030] : memref<2x512x80xf32, #tpu.memory_space<vmem>> -> memref<1x128x80xf32, #tpu.memory_space<vmem>>
    %dma_start3A_1032 = tpu.memref_squeeze %dma_start3A_1031 : memref<1x128x80xf32, #tpu.memory_space<vmem>> -> memref<128x80xf32, #tpu.memory_space<vmem>>
    %dma_start3A_1033 = arith.constant 6784 : i32
    %dma_start3A_1034 = tpu.memref_slice %arg27[%dma_start3A_1033] : memref<8192xi32, #tpu.memory_space<vmem>> -> memref<128xi32, #tpu.memory_space<vmem>>
    %dma_start3A_1035 = arith.constant 0 : i32
    %dma_start3A_1036 = arith.constant 0 : i32
    %dma_start3A_1037 = tpu.memref_slice %arg19[%dma_start3A_1035, %dma_start3A_1036] : memref<31253x80xf32, #tpu.memory_space<hbm>> -> memref<31253x80xf32, #tpu.memory_space<hbm>>
    tpu.enqueue_indirect_dma source(%dma_start3A_1037 : memref<31253x80xf32, #tpu.memory_space<hbm>>) target(%dma_start3A_1032 : memref<128x80xf32, #tpu.memory_space<vmem>>) offsets(%dma_start3A_1034 : memref<128xi32, #tpu.memory_space<vmem>>) semaphore(%arg30 : memref<!tpu.dma_semaphore, #tpu.memory_space<semaphore_mem>>)
    %dma_start3A_1038 = arith.constant 1 : i32
    %dma_start3A_1039 = arith.constant 256 : i32
    %dma_start3A_1040 = arith.constant 0 : i32
    %dma_start3A_1041 = tpu.memref_slice %arg28[%dma_start3A_1038, %dma_start3A_1039, %dma_start3A_1040] : memref<2x512x80xf32, #tpu.memory_space<vmem>> -> memref<1x128x80xf32, #tpu.memory_space<vmem>>
    %dma_start3A_1042 = tpu.memref_squeeze %dma_start3A_1041 : memref<1x128x80xf32, #tpu.memory_space<vmem>> -> memref<128x80xf32, #tpu.memory_space<vmem>>
    %dma_start3A_1043 = arith.constant 6912 : i32
    %dma_start3A_1044 = tpu.memref_slice %arg27[%dma_start3A_1043] : memref<8192xi32, #tpu.memory_space<vmem>> -> memref<128xi32, #tpu.memory_space<vmem>>
    %dma_start3A_1045 = arith.constant 0 : i32
    %dma_start3A_1046 = arith.constant 0 : i32
    %dma_start3A_1047 = tpu.memref_slice %arg19[%dma_start3A_1045, %dma_start3A_1046] : memref<31253x80xf32, #tpu.memory_space<hbm>> -> memref<31253x80xf32, #tpu.memory_space<hbm>>
    tpu.enqueue_indirect_dma source(%dma_start3A_1047 : memref<31253x80xf32, #tpu.memory_space<hbm>>) target(%dma_start3A_1042 : memref<128x80xf32, #tpu.memory_space<vmem>>) offsets(%dma_start3A_1044 : memref<128xi32, #tpu.memory_space<vmem>>) semaphore(%arg30 : memref<!tpu.dma_semaphore, #tpu.memory_space<semaphore_mem>>)
    %dma_start3A_1048 = arith.constant 1 : i32
    %dma_start3A_1049 = arith.constant 384 : i32
    %dma_start3A_1050 = arith.constant 0 : i32
    %dma_start3A_1051 = tpu.memref_slice %arg28[%dma_start3A_1048, %dma_start3A_1049, %dma_start3A_1050] : memref<2x512x80xf32, #tpu.memory_space<vmem>> -> memref<1x128x80xf32, #tpu.memory_space<vmem>>
    %dma_start3A_1052 = tpu.memref_squeeze %dma_start3A_1051 : memref<1x128x80xf32, #tpu.memory_space<vmem>> -> memref<128x80xf32, #tpu.memory_space<vmem>>
    %dma_start3A_1053 = arith.constant 7040 : i32
    %dma_start3A_1054 = tpu.memref_slice %arg27[%dma_start3A_1053] : memref<8192xi32, #tpu.memory_space<vmem>> -> memref<128xi32, #tpu.memory_space<vmem>>
    %dma_start3A_1055 = arith.constant 0 : i32
    %dma_start3A_1056 = arith.constant 0 : i32
    %dma_start3A_1057 = tpu.memref_slice %arg19[%dma_start3A_1055, %dma_start3A_1056] : memref<31253x80xf32, #tpu.memory_space<hbm>> -> memref<31253x80xf32, #tpu.memory_space<hbm>>
    tpu.enqueue_indirect_dma source(%dma_start3A_1057 : memref<31253x80xf32, #tpu.memory_space<hbm>>) target(%dma_start3A_1052 : memref<128x80xf32, #tpu.memory_space<vmem>>) offsets(%dma_start3A_1054 : memref<128xi32, #tpu.memory_space<vmem>>) semaphore(%arg30 : memref<!tpu.dma_semaphore, #tpu.memory_space<semaphore_mem>>)
    %dma_wait3A_1058 = arith.constant 0 : i32
    %dma_wait3A_1059 = arith.constant 0 : i32
    %dma_wait3A_1060 = arith.constant 0 : i32
    %dma_wait3A_1061 = tpu.memref_slice %arg28[%dma_wait3A_1058, %dma_wait3A_1059, %dma_wait3A_1060] : memref<2x512x80xf32, #tpu.memory_space<vmem>> -> memref<1x128x80xf32, #tpu.memory_space<vmem>>
    %dma_wait3A_1062 = tpu.memref_squeeze %dma_wait3A_1061 : memref<1x128x80xf32, #tpu.memory_space<vmem>> -> memref<128x80xf32, #tpu.memory_space<vmem>>
    %dma_wait3A_1063 = arith.constant 6144 : i32
    %dma_wait3A_1064 = tpu.memref_slice %arg27[%dma_wait3A_1063] : memref<8192xi32, #tpu.memory_space<vmem>> -> memref<128xi32, #tpu.memory_space<vmem>>
    %dma_wait3A_1065 = arith.constant 0 : i32
    %dma_wait3A_1066 = arith.constant 0 : i32
    %dma_wait3A_1067 = tpu.memref_slice %arg18[%dma_wait3A_1065, %dma_wait3A_1066] : memref<31253x80xf32, #tpu.memory_space<hbm>> -> memref<31253x80xf32, #tpu.memory_space<hbm>>
    tpu.wait_indirect_dma semaphore(%arg29 : memref<!tpu.dma_semaphore, #tpu.memory_space<semaphore_mem>>) src(%dma_wait3A_1067 : memref<31253x80xf32, #tpu.memory_space<hbm>>) dst(%dma_wait3A_1062 : memref<128x80xf32, #tpu.memory_space<vmem>>)
    %dma_wait3A_1068 = arith.constant 0 : i32
    %dma_wait3A_1069 = arith.constant 128 : i32
    %dma_wait3A_1070 = arith.constant 0 : i32
    %dma_wait3A_1071 = tpu.memref_slice %arg28[%dma_wait3A_1068, %dma_wait3A_1069, %dma_wait3A_1070] : memref<2x512x80xf32, #tpu.memory_space<vmem>> -> memref<1x128x80xf32, #tpu.memory_space<vmem>>
    %dma_wait3A_1072 = tpu.memref_squeeze %dma_wait3A_1071 : memref<1x128x80xf32, #tpu.memory_space<vmem>> -> memref<128x80xf32, #tpu.memory_space<vmem>>
    %dma_wait3A_1073 = arith.constant 6272 : i32
    %dma_wait3A_1074 = tpu.memref_slice %arg27[%dma_wait3A_1073] : memref<8192xi32, #tpu.memory_space<vmem>> -> memref<128xi32, #tpu.memory_space<vmem>>
    %dma_wait3A_1075 = arith.constant 0 : i32
    %dma_wait3A_1076 = arith.constant 0 : i32
    %dma_wait3A_1077 = tpu.memref_slice %arg18[%dma_wait3A_1075, %dma_wait3A_1076] : memref<31253x80xf32, #tpu.memory_space<hbm>> -> memref<31253x80xf32, #tpu.memory_space<hbm>>
    tpu.wait_indirect_dma semaphore(%arg29 : memref<!tpu.dma_semaphore, #tpu.memory_space<semaphore_mem>>) src(%dma_wait3A_1077 : memref<31253x80xf32, #tpu.memory_space<hbm>>) dst(%dma_wait3A_1072 : memref<128x80xf32, #tpu.memory_space<vmem>>)
    %dma_wait3A_1078 = arith.constant 0 : i32
    %dma_wait3A_1079 = arith.constant 256 : i32
    %dma_wait3A_1080 = arith.constant 0 : i32
    %dma_wait3A_1081 = tpu.memref_slice %arg28[%dma_wait3A_1078, %dma_wait3A_1079, %dma_wait3A_1080] : memref<2x512x80xf32, #tpu.memory_space<vmem>> -> memref<1x128x80xf32, #tpu.memory_space<vmem>>
    %dma_wait3A_1082 = tpu.memref_squeeze %dma_wait3A_1081 : memref<1x128x80xf32, #tpu.memory_space<vmem>> -> memref<128x80xf32, #tpu.memory_space<vmem>>
    %dma_wait3A_1083 = arith.constant 6400 : i32
    %dma_wait3A_1084 = tpu.memref_slice %arg27[%dma_wait3A_1083] : memref<8192xi32, #tpu.memory_space<vmem>> -> memref<128xi32, #tpu.memory_space<vmem>>
    %dma_wait3A_1085 = arith.constant 0 : i32
    %dma_wait3A_1086 = arith.constant 0 : i32
    %dma_wait3A_1087 = tpu.memref_slice %arg18[%dma_wait3A_1085, %dma_wait3A_1086] : memref<31253x80xf32, #tpu.memory_space<hbm>> -> memref<31253x80xf32, #tpu.memory_space<hbm>>
    tpu.wait_indirect_dma semaphore(%arg29 : memref<!tpu.dma_semaphore, #tpu.memory_space<semaphore_mem>>) src(%dma_wait3A_1087 : memref<31253x80xf32, #tpu.memory_space<hbm>>) dst(%dma_wait3A_1082 : memref<128x80xf32, #tpu.memory_space<vmem>>)
    %dma_wait3A_1088 = arith.constant 0 : i32
    %dma_wait3A_1089 = arith.constant 384 : i32
    %dma_wait3A_1090 = arith.constant 0 : i32
    %dma_wait3A_1091 = tpu.memref_slice %arg28[%dma_wait3A_1088, %dma_wait3A_1089, %dma_wait3A_1090] : memref<2x512x80xf32, #tpu.memory_space<vmem>> -> memref<1x128x80xf32, #tpu.memory_space<vmem>>
    %dma_wait3A_1092 = tpu.memref_squeeze %dma_wait3A_1091 : memref<1x128x80xf32, #tpu.memory_space<vmem>> -> memref<128x80xf32, #tpu.memory_space<vmem>>
    %dma_wait3A_1093 = arith.constant 6528 : i32
    %dma_wait3A_1094 = tpu.memref_slice %arg27[%dma_wait3A_1093] : memref<8192xi32, #tpu.memory_space<vmem>> -> memref<128xi32, #tpu.memory_space<vmem>>
    %dma_wait3A_1095 = arith.constant 0 : i32
    %dma_wait3A_1096 = arith.constant 0 : i32
    %dma_wait3A_1097 = tpu.memref_slice %arg18[%dma_wait3A_1095, %dma_wait3A_1096] : memref<31253x80xf32, #tpu.memory_space<hbm>> -> memref<31253x80xf32, #tpu.memory_space<hbm>>
    tpu.wait_indirect_dma semaphore(%arg29 : memref<!tpu.dma_semaphore, #tpu.memory_space<semaphore_mem>>) src(%dma_wait3A_1097 : memref<31253x80xf32, #tpu.memory_space<hbm>>) dst(%dma_wait3A_1092 : memref<128x80xf32, #tpu.memory_space<vmem>>)
    %run_scoped3A_1098 = arith.constant 0 : i32
    "tpu.region"() ({
      %run_scoped3A_1302 = tpu.sem_alloc : memref<!tpu.dma_semaphore, #tpu.memory_space<semaphore_mem>>
      %dma_start3A_1303 = arith.constant 0 : i32
      %dma_start3A_1304 = arith.constant 0 : i32
      %dma_start3A_1305 = tpu.memref_slice %arg28[%run_scoped3A_1098, %dma_start3A_1303, %dma_start3A_1304] : memref<2x512x80xf32, #tpu.memory_space<vmem>> -> memref<1x512x80xf32, #tpu.memory_space<vmem>>
      %dma_start3A_1306 = tpu.memref_squeeze %dma_start3A_1305 : memref<1x512x80xf32, #tpu.memory_space<vmem>> -> memref<512x80xf32, #tpu.memory_space<vmem>>
      %dma_start3A_1307 = arith.constant 960 : i32
      %dma_start3A_1308 = tpu.memref_slice %arg22[%mul3A_2, %dma_start3A_1307] : memref<16384x1280xf32, #tpu.memory_space<hbm>> -> memref<512x80xf32, #tpu.memory_space<hbm>>
      %dma_start3A_1309 = arith.constant 960 : i32
      %dma_start3A_1310 = tpu.memref_slice %arg22[%mul3A_2, %dma_start3A_1309] : memref<16384x1280xf32, #tpu.memory_space<hbm>> -> memref<512x80xf32, #tpu.memory_space<hbm>>
      %dma_start3A_1311 = arith.constant 0 : i32
      %dma_start3A_1312 = arith.constant 0 : i32
      %dma_start3A_1313 = tpu.memref_slice %arg28[%run_scoped3A_1098, %dma_start3A_1311, %dma_start3A_1312] : memref<2x512x80xf32, #tpu.memory_space<vmem>> -> memref<1x512x80xf32, #tpu.memory_space<vmem>>
      %dma_start3A_1314 = tpu.memref_squeeze %dma_start3A_1313 : memref<1x512x80xf32, #tpu.memory_space<vmem>> -> memref<512x80xf32, #tpu.memory_space<vmem>>
      tpu.enqueue_dma source(%dma_start3A_1314 : memref<512x80xf32, #tpu.memory_space<vmem>>) target(%dma_start3A_1310 : memref<512x80xf32, #tpu.memory_space<hbm>>) target_semaphore(%run_scoped3A_1302 : memref<!tpu.dma_semaphore, #tpu.memory_space<semaphore_mem>>)
      %dma_wait3A_1315 = arith.constant 0 : i32
      %dma_wait3A_1316 = arith.constant 0 : i32
      %dma_wait3A_1317 = tpu.memref_slice %arg28[%run_scoped3A_1098, %dma_wait3A_1315, %dma_wait3A_1316] : memref<2x512x80xf32, #tpu.memory_space<vmem>> -> memref<1x512x80xf32, #tpu.memory_space<vmem>>
      %dma_wait3A_1318 = tpu.memref_squeeze %dma_wait3A_1317 : memref<1x512x80xf32, #tpu.memory_space<vmem>> -> memref<512x80xf32, #tpu.memory_space<vmem>>
      %dma_wait3A_1319 = arith.constant 960 : i32
      %dma_wait3A_1320 = tpu.memref_slice %arg22[%mul3A_2, %dma_wait3A_1319] : memref<16384x1280xf32, #tpu.memory_space<hbm>> -> memref<512x80xf32, #tpu.memory_space<hbm>>
      %dma_wait3A_1321 = arith.constant 960 : i32
      %dma_wait3A_1322 = tpu.memref_slice %arg22[%mul3A_2, %dma_wait3A_1321] : memref<16384x1280xf32, #tpu.memory_space<hbm>> -> memref<512x80xf32, #tpu.memory_space<hbm>>
      %dma_wait3A_1323 = arith.constant 0 : i32
      %dma_wait3A_1324 = arith.constant 0 : i32
      %dma_wait3A_1325 = tpu.memref_slice %arg28[%run_scoped3A_1098, %dma_wait3A_1323, %dma_wait3A_1324] : memref<2x512x80xf32, #tpu.memory_space<vmem>> -> memref<1x512x80xf32, #tpu.memory_space<vmem>>
      %dma_wait3A_1326 = tpu.memref_squeeze %dma_wait3A_1325 : memref<1x512x80xf32, #tpu.memory_space<vmem>> -> memref<512x80xf32, #tpu.memory_space<vmem>>
      tpu.wait_dma2 semaphore(%run_scoped3A_1302 : memref<!tpu.dma_semaphore, #tpu.memory_space<semaphore_mem>>) src(%dma_wait3A_1326 : memref<512x80xf32, #tpu.memory_space<vmem>>) dst(%dma_wait3A_1322 : memref<512x80xf32, #tpu.memory_space<hbm>>)
      tpu.yield
    }) : () -> ()
    %dma_start3A_1099 = arith.constant 0 : i32
    %dma_start3A_1100 = arith.constant 0 : i32
    %dma_start3A_1101 = arith.constant 0 : i32
    %dma_start3A_1102 = tpu.memref_slice %arg28[%dma_start3A_1099, %dma_start3A_1100, %dma_start3A_1101] : memref<2x512x80xf32, #tpu.memory_space<vmem>> -> memref<1x128x80xf32, #tpu.memory_space<vmem>>
    %dma_start3A_1103 = tpu.memref_squeeze %dma_start3A_1102 : memref<1x128x80xf32, #tpu.memory_space<vmem>> -> memref<128x80xf32, #tpu.memory_space<vmem>>
    %dma_start3A_1104 = arith.constant 7168 : i32
    %dma_start3A_1105 = tpu.memref_slice %arg27[%dma_start3A_1104] : memref<8192xi32, #tpu.memory_space<vmem>> -> memref<128xi32, #tpu.memory_space<vmem>>
    %dma_start3A_1106 = arith.constant 0 : i32
    %dma_start3A_1107 = arith.constant 0 : i32
    %dma_start3A_1108 = tpu.memref_slice %arg20[%dma_start3A_1106, %dma_start3A_1107] : memref<31253x80xf32, #tpu.memory_space<hbm>> -> memref<31253x80xf32, #tpu.memory_space<hbm>>
    tpu.enqueue_indirect_dma source(%dma_start3A_1108 : memref<31253x80xf32, #tpu.memory_space<hbm>>) target(%dma_start3A_1103 : memref<128x80xf32, #tpu.memory_space<vmem>>) offsets(%dma_start3A_1105 : memref<128xi32, #tpu.memory_space<vmem>>) semaphore(%arg29 : memref<!tpu.dma_semaphore, #tpu.memory_space<semaphore_mem>>)
    %dma_start3A_1109 = arith.constant 0 : i32
    %dma_start3A_1110 = arith.constant 128 : i32
    %dma_start3A_1111 = arith.constant 0 : i32
    %dma_start3A_1112 = tpu.memref_slice %arg28[%dma_start3A_1109, %dma_start3A_1110, %dma_start3A_1111] : memref<2x512x80xf32, #tpu.memory_space<vmem>> -> memref<1x128x80xf32, #tpu.memory_space<vmem>>
    %dma_start3A_1113 = tpu.memref_squeeze %dma_start3A_1112 : memref<1x128x80xf32, #tpu.memory_space<vmem>> -> memref<128x80xf32, #tpu.memory_space<vmem>>
    %dma_start3A_1114 = arith.constant 7296 : i32
    %dma_start3A_1115 = tpu.memref_slice %arg27[%dma_start3A_1114] : memref<8192xi32, #tpu.memory_space<vmem>> -> memref<128xi32, #tpu.memory_space<vmem>>
    %dma_start3A_1116 = arith.constant 0 : i32
    %dma_start3A_1117 = arith.constant 0 : i32
    %dma_start3A_1118 = tpu.memref_slice %arg20[%dma_start3A_1116, %dma_start3A_1117] : memref<31253x80xf32, #tpu.memory_space<hbm>> -> memref<31253x80xf32, #tpu.memory_space<hbm>>
    tpu.enqueue_indirect_dma source(%dma_start3A_1118 : memref<31253x80xf32, #tpu.memory_space<hbm>>) target(%dma_start3A_1113 : memref<128x80xf32, #tpu.memory_space<vmem>>) offsets(%dma_start3A_1115 : memref<128xi32, #tpu.memory_space<vmem>>) semaphore(%arg29 : memref<!tpu.dma_semaphore, #tpu.memory_space<semaphore_mem>>)
    %dma_start3A_1119 = arith.constant 0 : i32
    %dma_start3A_1120 = arith.constant 256 : i32
    %dma_start3A_1121 = arith.constant 0 : i32
    %dma_start3A_1122 = tpu.memref_slice %arg28[%dma_start3A_1119, %dma_start3A_1120, %dma_start3A_1121] : memref<2x512x80xf32, #tpu.memory_space<vmem>> -> memref<1x128x80xf32, #tpu.memory_space<vmem>>
    %dma_start3A_1123 = tpu.memref_squeeze %dma_start3A_1122 : memref<1x128x80xf32, #tpu.memory_space<vmem>> -> memref<128x80xf32, #tpu.memory_space<vmem>>
    %dma_start3A_1124 = arith.constant 7424 : i32
    %dma_start3A_1125 = tpu.memref_slice %arg27[%dma_start3A_1124] : memref<8192xi32, #tpu.memory_space<vmem>> -> memref<128xi32, #tpu.memory_space<vmem>>
    %dma_start3A_1126 = arith.constant 0 : i32
    %dma_start3A_1127 = arith.constant 0 : i32
    %dma_start3A_1128 = tpu.memref_slice %arg20[%dma_start3A_1126, %dma_start3A_1127] : memref<31253x80xf32, #tpu.memory_space<hbm>> -> memref<31253x80xf32, #tpu.memory_space<hbm>>
    tpu.enqueue_indirect_dma source(%dma_start3A_1128 : memref<31253x80xf32, #tpu.memory_space<hbm>>) target(%dma_start3A_1123 : memref<128x80xf32, #tpu.memory_space<vmem>>) offsets(%dma_start3A_1125 : memref<128xi32, #tpu.memory_space<vmem>>) semaphore(%arg29 : memref<!tpu.dma_semaphore, #tpu.memory_space<semaphore_mem>>)
    %dma_start3A_1129 = arith.constant 0 : i32
    %dma_start3A_1130 = arith.constant 384 : i32
    %dma_start3A_1131 = arith.constant 0 : i32
    %dma_start3A_1132 = tpu.memref_slice %arg28[%dma_start3A_1129, %dma_start3A_1130, %dma_start3A_1131] : memref<2x512x80xf32, #tpu.memory_space<vmem>> -> memref<1x128x80xf32, #tpu.memory_space<vmem>>
    %dma_start3A_1133 = tpu.memref_squeeze %dma_start3A_1132 : memref<1x128x80xf32, #tpu.memory_space<vmem>> -> memref<128x80xf32, #tpu.memory_space<vmem>>
    %dma_start3A_1134 = arith.constant 7552 : i32
    %dma_start3A_1135 = tpu.memref_slice %arg27[%dma_start3A_1134] : memref<8192xi32, #tpu.memory_space<vmem>> -> memref<128xi32, #tpu.memory_space<vmem>>
    %dma_start3A_1136 = arith.constant 0 : i32
    %dma_start3A_1137 = arith.constant 0 : i32
    %dma_start3A_1138 = tpu.memref_slice %arg20[%dma_start3A_1136, %dma_start3A_1137] : memref<31253x80xf32, #tpu.memory_space<hbm>> -> memref<31253x80xf32, #tpu.memory_space<hbm>>
    tpu.enqueue_indirect_dma source(%dma_start3A_1138 : memref<31253x80xf32, #tpu.memory_space<hbm>>) target(%dma_start3A_1133 : memref<128x80xf32, #tpu.memory_space<vmem>>) offsets(%dma_start3A_1135 : memref<128xi32, #tpu.memory_space<vmem>>) semaphore(%arg29 : memref<!tpu.dma_semaphore, #tpu.memory_space<semaphore_mem>>)
    %dma_wait3A_1139 = arith.constant 1 : i32
    %dma_wait3A_1140 = arith.constant 0 : i32
    %dma_wait3A_1141 = arith.constant 0 : i32
    %dma_wait3A_1142 = tpu.memref_slice %arg28[%dma_wait3A_1139, %dma_wait3A_1140, %dma_wait3A_1141] : memref<2x512x80xf32, #tpu.memory_space<vmem>> -> memref<1x128x80xf32, #tpu.memory_space<vmem>>
    %dma_wait3A_1143 = tpu.memref_squeeze %dma_wait3A_1142 : memref<1x128x80xf32, #tpu.memory_space<vmem>> -> memref<128x80xf32, #tpu.memory_space<vmem>>
    %dma_wait3A_1144 = arith.constant 6656 : i32
    %dma_wait3A_1145 = tpu.memref_slice %arg27[%dma_wait3A_1144] : memref<8192xi32, #tpu.memory_space<vmem>> -> memref<128xi32, #tpu.memory_space<vmem>>
    %dma_wait3A_1146 = arith.constant 0 : i32
    %dma_wait3A_1147 = arith.constant 0 : i32
    %dma_wait3A_1148 = tpu.memref_slice %arg19[%dma_wait3A_1146, %dma_wait3A_1147] : memref<31253x80xf32, #tpu.memory_space<hbm>> -> memref<31253x80xf32, #tpu.memory_space<hbm>>
    tpu.wait_indirect_dma semaphore(%arg30 : memref<!tpu.dma_semaphore, #tpu.memory_space<semaphore_mem>>) src(%dma_wait3A_1148 : memref<31253x80xf32, #tpu.memory_space<hbm>>) dst(%dma_wait3A_1143 : memref<128x80xf32, #tpu.memory_space<vmem>>)
    %dma_wait3A_1149 = arith.constant 1 : i32
    %dma_wait3A_1150 = arith.constant 128 : i32
    %dma_wait3A_1151 = arith.constant 0 : i32
    %dma_wait3A_1152 = tpu.memref_slice %arg28[%dma_wait3A_1149, %dma_wait3A_1150, %dma_wait3A_1151] : memref<2x512x80xf32, #tpu.memory_space<vmem>> -> memref<1x128x80xf32, #tpu.memory_space<vmem>>
    %dma_wait3A_1153 = tpu.memref_squeeze %dma_wait3A_1152 : memref<1x128x80xf32, #tpu.memory_space<vmem>> -> memref<128x80xf32, #tpu.memory_space<vmem>>
    %dma_wait3A_1154 = arith.constant 6784 : i32
    %dma_wait3A_1155 = tpu.memref_slice %arg27[%dma_wait3A_1154] : memref<8192xi32, #tpu.memory_space<vmem>> -> memref<128xi32, #tpu.memory_space<vmem>>
    %dma_wait3A_1156 = arith.constant 0 : i32
    %dma_wait3A_1157 = arith.constant 0 : i32
    %dma_wait3A_1158 = tpu.memref_slice %arg19[%dma_wait3A_1156, %dma_wait3A_1157] : memref<31253x80xf32, #tpu.memory_space<hbm>> -> memref<31253x80xf32, #tpu.memory_space<hbm>>
    tpu.wait_indirect_dma semaphore(%arg30 : memref<!tpu.dma_semaphore, #tpu.memory_space<semaphore_mem>>) src(%dma_wait3A_1158 : memref<31253x80xf32, #tpu.memory_space<hbm>>) dst(%dma_wait3A_1153 : memref<128x80xf32, #tpu.memory_space<vmem>>)
    %dma_wait3A_1159 = arith.constant 1 : i32
    %dma_wait3A_1160 = arith.constant 256 : i32
    %dma_wait3A_1161 = arith.constant 0 : i32
    %dma_wait3A_1162 = tpu.memref_slice %arg28[%dma_wait3A_1159, %dma_wait3A_1160, %dma_wait3A_1161] : memref<2x512x80xf32, #tpu.memory_space<vmem>> -> memref<1x128x80xf32, #tpu.memory_space<vmem>>
    %dma_wait3A_1163 = tpu.memref_squeeze %dma_wait3A_1162 : memref<1x128x80xf32, #tpu.memory_space<vmem>> -> memref<128x80xf32, #tpu.memory_space<vmem>>
    %dma_wait3A_1164 = arith.constant 6912 : i32
    %dma_wait3A_1165 = tpu.memref_slice %arg27[%dma_wait3A_1164] : memref<8192xi32, #tpu.memory_space<vmem>> -> memref<128xi32, #tpu.memory_space<vmem>>
    %dma_wait3A_1166 = arith.constant 0 : i32
    %dma_wait3A_1167 = arith.constant 0 : i32
    %dma_wait3A_1168 = tpu.memref_slice %arg19[%dma_wait3A_1166, %dma_wait3A_1167] : memref<31253x80xf32, #tpu.memory_space<hbm>> -> memref<31253x80xf32, #tpu.memory_space<hbm>>
    tpu.wait_indirect_dma semaphore(%arg30 : memref<!tpu.dma_semaphore, #tpu.memory_space<semaphore_mem>>) src(%dma_wait3A_1168 : memref<31253x80xf32, #tpu.memory_space<hbm>>) dst(%dma_wait3A_1163 : memref<128x80xf32, #tpu.memory_space<vmem>>)
    %dma_wait3A_1169 = arith.constant 1 : i32
    %dma_wait3A_1170 = arith.constant 384 : i32
    %dma_wait3A_1171 = arith.constant 0 : i32
    %dma_wait3A_1172 = tpu.memref_slice %arg28[%dma_wait3A_1169, %dma_wait3A_1170, %dma_wait3A_1171] : memref<2x512x80xf32, #tpu.memory_space<vmem>> -> memref<1x128x80xf32, #tpu.memory_space<vmem>>
    %dma_wait3A_1173 = tpu.memref_squeeze %dma_wait3A_1172 : memref<1x128x80xf32, #tpu.memory_space<vmem>> -> memref<128x80xf32, #tpu.memory_space<vmem>>
    %dma_wait3A_1174 = arith.constant 7040 : i32
    %dma_wait3A_1175 = tpu.memref_slice %arg27[%dma_wait3A_1174] : memref<8192xi32, #tpu.memory_space<vmem>> -> memref<128xi32, #tpu.memory_space<vmem>>
    %dma_wait3A_1176 = arith.constant 0 : i32
    %dma_wait3A_1177 = arith.constant 0 : i32
    %dma_wait3A_1178 = tpu.memref_slice %arg19[%dma_wait3A_1176, %dma_wait3A_1177] : memref<31253x80xf32, #tpu.memory_space<hbm>> -> memref<31253x80xf32, #tpu.memory_space<hbm>>
    tpu.wait_indirect_dma semaphore(%arg30 : memref<!tpu.dma_semaphore, #tpu.memory_space<semaphore_mem>>) src(%dma_wait3A_1178 : memref<31253x80xf32, #tpu.memory_space<hbm>>) dst(%dma_wait3A_1173 : memref<128x80xf32, #tpu.memory_space<vmem>>)
    %run_scoped3A_1179 = arith.constant 1 : i32
    "tpu.region"() ({
      %run_scoped3A_1302 = tpu.sem_alloc : memref<!tpu.dma_semaphore, #tpu.memory_space<semaphore_mem>>
      %dma_start3A_1303 = arith.constant 0 : i32
      %dma_start3A_1304 = arith.constant 0 : i32
      %dma_start3A_1305 = tpu.memref_slice %arg28[%run_scoped3A_1179, %dma_start3A_1303, %dma_start3A_1304] : memref<2x512x80xf32, #tpu.memory_space<vmem>> -> memref<1x512x80xf32, #tpu.memory_space<vmem>>
      %dma_start3A_1306 = tpu.memref_squeeze %dma_start3A_1305 : memref<1x512x80xf32, #tpu.memory_space<vmem>> -> memref<512x80xf32, #tpu.memory_space<vmem>>
      %dma_start3A_1307 = arith.constant 1040 : i32
      %dma_start3A_1308 = tpu.memref_slice %arg22[%mul3A_2, %dma_start3A_1307] : memref<16384x1280xf32, #tpu.memory_space<hbm>> -> memref<512x80xf32, #tpu.memory_space<hbm>>
      %dma_start3A_1309 = arith.constant 1040 : i32
      %dma_start3A_1310 = tpu.memref_slice %arg22[%mul3A_2, %dma_start3A_1309] : memref<16384x1280xf32, #tpu.memory_space<hbm>> -> memref<512x80xf32, #tpu.memory_space<hbm>>
      %dma_start3A_1311 = arith.constant 0 : i32
      %dma_start3A_1312 = arith.constant 0 : i32
      %dma_start3A_1313 = tpu.memref_slice %arg28[%run_scoped3A_1179, %dma_start3A_1311, %dma_start3A_1312] : memref<2x512x80xf32, #tpu.memory_space<vmem>> -> memref<1x512x80xf32, #tpu.memory_space<vmem>>
      %dma_start3A_1314 = tpu.memref_squeeze %dma_start3A_1313 : memref<1x512x80xf32, #tpu.memory_space<vmem>> -> memref<512x80xf32, #tpu.memory_space<vmem>>
      tpu.enqueue_dma source(%dma_start3A_1314 : memref<512x80xf32, #tpu.memory_space<vmem>>) target(%dma_start3A_1310 : memref<512x80xf32, #tpu.memory_space<hbm>>) target_semaphore(%run_scoped3A_1302 : memref<!tpu.dma_semaphore, #tpu.memory_space<semaphore_mem>>)
      %dma_wait3A_1315 = arith.constant 0 : i32
      %dma_wait3A_1316 = arith.constant 0 : i32
      %dma_wait3A_1317 = tpu.memref_slice %arg28[%run_scoped3A_1179, %dma_wait3A_1315, %dma_wait3A_1316] : memref<2x512x80xf32, #tpu.memory_space<vmem>> -> memref<1x512x80xf32, #tpu.memory_space<vmem>>
      %dma_wait3A_1318 = tpu.memref_squeeze %dma_wait3A_1317 : memref<1x512x80xf32, #tpu.memory_space<vmem>> -> memref<512x80xf32, #tpu.memory_space<vmem>>
      %dma_wait3A_1319 = arith.constant 1040 : i32
      %dma_wait3A_1320 = tpu.memref_slice %arg22[%mul3A_2, %dma_wait3A_1319] : memref<16384x1280xf32, #tpu.memory_space<hbm>> -> memref<512x80xf32, #tpu.memory_space<hbm>>
      %dma_wait3A_1321 = arith.constant 1040 : i32
      %dma_wait3A_1322 = tpu.memref_slice %arg22[%mul3A_2, %dma_wait3A_1321] : memref<16384x1280xf32, #tpu.memory_space<hbm>> -> memref<512x80xf32, #tpu.memory_space<hbm>>
      %dma_wait3A_1323 = arith.constant 0 : i32
      %dma_wait3A_1324 = arith.constant 0 : i32
      %dma_wait3A_1325 = tpu.memref_slice %arg28[%run_scoped3A_1179, %dma_wait3A_1323, %dma_wait3A_1324] : memref<2x512x80xf32, #tpu.memory_space<vmem>> -> memref<1x512x80xf32, #tpu.memory_space<vmem>>
      %dma_wait3A_1326 = tpu.memref_squeeze %dma_wait3A_1325 : memref<1x512x80xf32, #tpu.memory_space<vmem>> -> memref<512x80xf32, #tpu.memory_space<vmem>>
      tpu.wait_dma2 semaphore(%run_scoped3A_1302 : memref<!tpu.dma_semaphore, #tpu.memory_space<semaphore_mem>>) src(%dma_wait3A_1326 : memref<512x80xf32, #tpu.memory_space<vmem>>) dst(%dma_wait3A_1322 : memref<512x80xf32, #tpu.memory_space<hbm>>)
      tpu.yield
    }) : () -> ()
    %dma_start3A_1180 = arith.constant 1 : i32
    %dma_start3A_1181 = arith.constant 0 : i32
    %dma_start3A_1182 = arith.constant 0 : i32
    %dma_start3A_1183 = tpu.memref_slice %arg28[%dma_start3A_1180, %dma_start3A_1181, %dma_start3A_1182] : memref<2x512x80xf32, #tpu.memory_space<vmem>> -> memref<1x128x80xf32, #tpu.memory_space<vmem>>
    %dma_start3A_1184 = tpu.memref_squeeze %dma_start3A_1183 : memref<1x128x80xf32, #tpu.memory_space<vmem>> -> memref<128x80xf32, #tpu.memory_space<vmem>>
    %dma_start3A_1185 = arith.constant 7680 : i32
    %dma_start3A_1186 = tpu.memref_slice %arg27[%dma_start3A_1185] : memref<8192xi32, #tpu.memory_space<vmem>> -> memref<128xi32, #tpu.memory_space<vmem>>
    %dma_start3A_1187 = arith.constant 0 : i32
    %dma_start3A_1188 = arith.constant 0 : i32
    %dma_start3A_1189 = tpu.memref_slice %arg21[%dma_start3A_1187, %dma_start3A_1188] : memref<31253x80xf32, #tpu.memory_space<hbm>> -> memref<31253x80xf32, #tpu.memory_space<hbm>>
    tpu.enqueue_indirect_dma source(%dma_start3A_1189 : memref<31253x80xf32, #tpu.memory_space<hbm>>) target(%dma_start3A_1184 : memref<128x80xf32, #tpu.memory_space<vmem>>) offsets(%dma_start3A_1186 : memref<128xi32, #tpu.memory_space<vmem>>) semaphore(%arg30 : memref<!tpu.dma_semaphore, #tpu.memory_space<semaphore_mem>>)
    %dma_start3A_1190 = arith.constant 1 : i32
    %dma_start3A_1191 = arith.constant 128 : i32
    %dma_start3A_1192 = arith.constant 0 : i32
    %dma_start3A_1193 = tpu.memref_slice %arg28[%dma_start3A_1190, %dma_start3A_1191, %dma_start3A_1192] : memref<2x512x80xf32, #tpu.memory_space<vmem>> -> memref<1x128x80xf32, #tpu.memory_space<vmem>>
    %dma_start3A_1194 = tpu.memref_squeeze %dma_start3A_1193 : memref<1x128x80xf32, #tpu.memory_space<vmem>> -> memref<128x80xf32, #tpu.memory_space<vmem>>
    %dma_start3A_1195 = arith.constant 7808 : i32
    %dma_start3A_1196 = tpu.memref_slice %arg27[%dma_start3A_1195] : memref<8192xi32, #tpu.memory_space<vmem>> -> memref<128xi32, #tpu.memory_space<vmem>>
    %dma_start3A_1197 = arith.constant 0 : i32
    %dma_start3A_1198 = arith.constant 0 : i32
    %dma_start3A_1199 = tpu.memref_slice %arg21[%dma_start3A_1197, %dma_start3A_1198] : memref<31253x80xf32, #tpu.memory_space<hbm>> -> memref<31253x80xf32, #tpu.memory_space<hbm>>
    tpu.enqueue_indirect_dma source(%dma_start3A_1199 : memref<31253x80xf32, #tpu.memory_space<hbm>>) target(%dma_start3A_1194 : memref<128x80xf32, #tpu.memory_space<vmem>>) offsets(%dma_start3A_1196 : memref<128xi32, #tpu.memory_space<vmem>>) semaphore(%arg30 : memref<!tpu.dma_semaphore, #tpu.memory_space<semaphore_mem>>)
    %dma_start3A_1200 = arith.constant 1 : i32
    %dma_start3A_1201 = arith.constant 256 : i32
    %dma_start3A_1202 = arith.constant 0 : i32
    %dma_start3A_1203 = tpu.memref_slice %arg28[%dma_start3A_1200, %dma_start3A_1201, %dma_start3A_1202] : memref<2x512x80xf32, #tpu.memory_space<vmem>> -> memref<1x128x80xf32, #tpu.memory_space<vmem>>
    %dma_start3A_1204 = tpu.memref_squeeze %dma_start3A_1203 : memref<1x128x80xf32, #tpu.memory_space<vmem>> -> memref<128x80xf32, #tpu.memory_space<vmem>>
    %dma_start3A_1205 = arith.constant 7936 : i32
    %dma_start3A_1206 = tpu.memref_slice %arg27[%dma_start3A_1205] : memref<8192xi32, #tpu.memory_space<vmem>> -> memref<128xi32, #tpu.memory_space<vmem>>
    %dma_start3A_1207 = arith.constant 0 : i32
    %dma_start3A_1208 = arith.constant 0 : i32
    %dma_start3A_1209 = tpu.memref_slice %arg21[%dma_start3A_1207, %dma_start3A_1208] : memref<31253x80xf32, #tpu.memory_space<hbm>> -> memref<31253x80xf32, #tpu.memory_space<hbm>>
    tpu.enqueue_indirect_dma source(%dma_start3A_1209 : memref<31253x80xf32, #tpu.memory_space<hbm>>) target(%dma_start3A_1204 : memref<128x80xf32, #tpu.memory_space<vmem>>) offsets(%dma_start3A_1206 : memref<128xi32, #tpu.memory_space<vmem>>) semaphore(%arg30 : memref<!tpu.dma_semaphore, #tpu.memory_space<semaphore_mem>>)
    %dma_start3A_1210 = arith.constant 1 : i32
    %dma_start3A_1211 = arith.constant 384 : i32
    %dma_start3A_1212 = arith.constant 0 : i32
    %dma_start3A_1213 = tpu.memref_slice %arg28[%dma_start3A_1210, %dma_start3A_1211, %dma_start3A_1212] : memref<2x512x80xf32, #tpu.memory_space<vmem>> -> memref<1x128x80xf32, #tpu.memory_space<vmem>>
    %dma_start3A_1214 = tpu.memref_squeeze %dma_start3A_1213 : memref<1x128x80xf32, #tpu.memory_space<vmem>> -> memref<128x80xf32, #tpu.memory_space<vmem>>
    %dma_start3A_1215 = arith.constant 8064 : i32
    %dma_start3A_1216 = tpu.memref_slice %arg27[%dma_start3A_1215] : memref<8192xi32, #tpu.memory_space<vmem>> -> memref<128xi32, #tpu.memory_space<vmem>>
    %dma_start3A_1217 = arith.constant 0 : i32
    %dma_start3A_1218 = arith.constant 0 : i32
    %dma_start3A_1219 = tpu.memref_slice %arg21[%dma_start3A_1217, %dma_start3A_1218] : memref<31253x80xf32, #tpu.memory_space<hbm>> -> memref<31253x80xf32, #tpu.memory_space<hbm>>
    tpu.enqueue_indirect_dma source(%dma_start3A_1219 : memref<31253x80xf32, #tpu.memory_space<hbm>>) target(%dma_start3A_1214 : memref<128x80xf32, #tpu.memory_space<vmem>>) offsets(%dma_start3A_1216 : memref<128xi32, #tpu.memory_space<vmem>>) semaphore(%arg30 : memref<!tpu.dma_semaphore, #tpu.memory_space<semaphore_mem>>)
    %dma_wait3A_1220 = arith.constant 0 : i32
    %dma_wait3A_1221 = arith.constant 0 : i32
    %dma_wait3A_1222 = arith.constant 0 : i32
    %dma_wait3A_1223 = tpu.memref_slice %arg28[%dma_wait3A_1220, %dma_wait3A_1221, %dma_wait3A_1222] : memref<2x512x80xf32, #tpu.memory_space<vmem>> -> memref<1x128x80xf32, #tpu.memory_space<vmem>>
    %dma_wait3A_1224 = tpu.memref_squeeze %dma_wait3A_1223 : memref<1x128x80xf32, #tpu.memory_space<vmem>> -> memref<128x80xf32, #tpu.memory_space<vmem>>
    %dma_wait3A_1225 = arith.constant 7168 : i32
    %dma_wait3A_1226 = tpu.memref_slice %arg27[%dma_wait3A_1225] : memref<8192xi32, #tpu.memory_space<vmem>> -> memref<128xi32, #tpu.memory_space<vmem>>
    %dma_wait3A_1227 = arith.constant 0 : i32
    %dma_wait3A_1228 = arith.constant 0 : i32
    %dma_wait3A_1229 = tpu.memref_slice %arg20[%dma_wait3A_1227, %dma_wait3A_1228] : memref<31253x80xf32, #tpu.memory_space<hbm>> -> memref<31253x80xf32, #tpu.memory_space<hbm>>
    tpu.wait_indirect_dma semaphore(%arg29 : memref<!tpu.dma_semaphore, #tpu.memory_space<semaphore_mem>>) src(%dma_wait3A_1229 : memref<31253x80xf32, #tpu.memory_space<hbm>>) dst(%dma_wait3A_1224 : memref<128x80xf32, #tpu.memory_space<vmem>>)
    %dma_wait3A_1230 = arith.constant 0 : i32
    %dma_wait3A_1231 = arith.constant 128 : i32
    %dma_wait3A_1232 = arith.constant 0 : i32
    %dma_wait3A_1233 = tpu.memref_slice %arg28[%dma_wait3A_1230, %dma_wait3A_1231, %dma_wait3A_1232] : memref<2x512x80xf32, #tpu.memory_space<vmem>> -> memref<1x128x80xf32, #tpu.memory_space<vmem>>
    %dma_wait3A_1234 = tpu.memref_squeeze %dma_wait3A_1233 : memref<1x128x80xf32, #tpu.memory_space<vmem>> -> memref<128x80xf32, #tpu.memory_space<vmem>>
    %dma_wait3A_1235 = arith.constant 7296 : i32
    %dma_wait3A_1236 = tpu.memref_slice %arg27[%dma_wait3A_1235] : memref<8192xi32, #tpu.memory_space<vmem>> -> memref<128xi32, #tpu.memory_space<vmem>>
    %dma_wait3A_1237 = arith.constant 0 : i32
    %dma_wait3A_1238 = arith.constant 0 : i32
    %dma_wait3A_1239 = tpu.memref_slice %arg20[%dma_wait3A_1237, %dma_wait3A_1238] : memref<31253x80xf32, #tpu.memory_space<hbm>> -> memref<31253x80xf32, #tpu.memory_space<hbm>>
    tpu.wait_indirect_dma semaphore(%arg29 : memref<!tpu.dma_semaphore, #tpu.memory_space<semaphore_mem>>) src(%dma_wait3A_1239 : memref<31253x80xf32, #tpu.memory_space<hbm>>) dst(%dma_wait3A_1234 : memref<128x80xf32, #tpu.memory_space<vmem>>)
    %dma_wait3A_1240 = arith.constant 0 : i32
    %dma_wait3A_1241 = arith.constant 256 : i32
    %dma_wait3A_1242 = arith.constant 0 : i32
    %dma_wait3A_1243 = tpu.memref_slice %arg28[%dma_wait3A_1240, %dma_wait3A_1241, %dma_wait3A_1242] : memref<2x512x80xf32, #tpu.memory_space<vmem>> -> memref<1x128x80xf32, #tpu.memory_space<vmem>>
    %dma_wait3A_1244 = tpu.memref_squeeze %dma_wait3A_1243 : memref<1x128x80xf32, #tpu.memory_space<vmem>> -> memref<128x80xf32, #tpu.memory_space<vmem>>
    %dma_wait3A_1245 = arith.constant 7424 : i32
    %dma_wait3A_1246 = tpu.memref_slice %arg27[%dma_wait3A_1245] : memref<8192xi32, #tpu.memory_space<vmem>> -> memref<128xi32, #tpu.memory_space<vmem>>
    %dma_wait3A_1247 = arith.constant 0 : i32
    %dma_wait3A_1248 = arith.constant 0 : i32
    %dma_wait3A_1249 = tpu.memref_slice %arg20[%dma_wait3A_1247, %dma_wait3A_1248] : memref<31253x80xf32, #tpu.memory_space<hbm>> -> memref<31253x80xf32, #tpu.memory_space<hbm>>
    tpu.wait_indirect_dma semaphore(%arg29 : memref<!tpu.dma_semaphore, #tpu.memory_space<semaphore_mem>>) src(%dma_wait3A_1249 : memref<31253x80xf32, #tpu.memory_space<hbm>>) dst(%dma_wait3A_1244 : memref<128x80xf32, #tpu.memory_space<vmem>>)
    %dma_wait3A_1250 = arith.constant 0 : i32
    %dma_wait3A_1251 = arith.constant 384 : i32
    %dma_wait3A_1252 = arith.constant 0 : i32
    %dma_wait3A_1253 = tpu.memref_slice %arg28[%dma_wait3A_1250, %dma_wait3A_1251, %dma_wait3A_1252] : memref<2x512x80xf32, #tpu.memory_space<vmem>> -> memref<1x128x80xf32, #tpu.memory_space<vmem>>
    %dma_wait3A_1254 = tpu.memref_squeeze %dma_wait3A_1253 : memref<1x128x80xf32, #tpu.memory_space<vmem>> -> memref<128x80xf32, #tpu.memory_space<vmem>>
    %dma_wait3A_1255 = arith.constant 7552 : i32
    %dma_wait3A_1256 = tpu.memref_slice %arg27[%dma_wait3A_1255] : memref<8192xi32, #tpu.memory_space<vmem>> -> memref<128xi32, #tpu.memory_space<vmem>>
    %dma_wait3A_1257 = arith.constant 0 : i32
    %dma_wait3A_1258 = arith.constant 0 : i32
    %dma_wait3A_1259 = tpu.memref_slice %arg20[%dma_wait3A_1257, %dma_wait3A_1258] : memref<31253x80xf32, #tpu.memory_space<hbm>> -> memref<31253x80xf32, #tpu.memory_space<hbm>>
    tpu.wait_indirect_dma semaphore(%arg29 : memref<!tpu.dma_semaphore, #tpu.memory_space<semaphore_mem>>) src(%dma_wait3A_1259 : memref<31253x80xf32, #tpu.memory_space<hbm>>) dst(%dma_wait3A_1254 : memref<128x80xf32, #tpu.memory_space<vmem>>)
    %run_scoped3A_1260 = arith.constant 0 : i32
    "tpu.region"() ({
      %run_scoped3A_1302 = tpu.sem_alloc : memref<!tpu.dma_semaphore, #tpu.memory_space<semaphore_mem>>
      %dma_start3A_1303 = arith.constant 0 : i32
      %dma_start3A_1304 = arith.constant 0 : i32
      %dma_start3A_1305 = tpu.memref_slice %arg28[%run_scoped3A_1260, %dma_start3A_1303, %dma_start3A_1304] : memref<2x512x80xf32, #tpu.memory_space<vmem>> -> memref<1x512x80xf32, #tpu.memory_space<vmem>>
      %dma_start3A_1306 = tpu.memref_squeeze %dma_start3A_1305 : memref<1x512x80xf32, #tpu.memory_space<vmem>> -> memref<512x80xf32, #tpu.memory_space<vmem>>
      %dma_start3A_1307 = arith.constant 1120 : i32
      %dma_start3A_1308 = tpu.memref_slice %arg22[%mul3A_2, %dma_start3A_1307] : memref<16384x1280xf32, #tpu.memory_space<hbm>> -> memref<512x80xf32, #tpu.memory_space<hbm>>
      %dma_start3A_1309 = arith.constant 1120 : i32
      %dma_start3A_1310 = tpu.memref_slice %arg22[%mul3A_2, %dma_start3A_1309] : memref<16384x1280xf32, #tpu.memory_space<hbm>> -> memref<512x80xf32, #tpu.memory_space<hbm>>
      %dma_start3A_1311 = arith.constant 0 : i32
      %dma_start3A_1312 = arith.constant 0 : i32
      %dma_start3A_1313 = tpu.memref_slice %arg28[%run_scoped3A_1260, %dma_start3A_1311, %dma_start3A_1312] : memref<2x512x80xf32, #tpu.memory_space<vmem>> -> memref<1x512x80xf32, #tpu.memory_space<vmem>>
      %dma_start3A_1314 = tpu.memref_squeeze %dma_start3A_1313 : memref<1x512x80xf32, #tpu.memory_space<vmem>> -> memref<512x80xf32, #tpu.memory_space<vmem>>
      tpu.enqueue_dma source(%dma_start3A_1314 : memref<512x80xf32, #tpu.memory_space<vmem>>) target(%dma_start3A_1310 : memref<512x80xf32, #tpu.memory_space<hbm>>) target_semaphore(%run_scoped3A_1302 : memref<!tpu.dma_semaphore, #tpu.memory_space<semaphore_mem>>)
      %dma_wait3A_1315 = arith.constant 0 : i32
      %dma_wait3A_1316 = arith.constant 0 : i32
      %dma_wait3A_1317 = tpu.memref_slice %arg28[%run_scoped3A_1260, %dma_wait3A_1315, %dma_wait3A_1316] : memref<2x512x80xf32, #tpu.memory_space<vmem>> -> memref<1x512x80xf32, #tpu.memory_space<vmem>>
      %dma_wait3A_1318 = tpu.memref_squeeze %dma_wait3A_1317 : memref<1x512x80xf32, #tpu.memory_space<vmem>> -> memref<512x80xf32, #tpu.memory_space<vmem>>
      %dma_wait3A_1319 = arith.constant 1120 : i32
      %dma_wait3A_1320 = tpu.memref_slice %arg22[%mul3A_2, %dma_wait3A_1319] : memref<16384x1280xf32, #tpu.memory_space<hbm>> -> memref<512x80xf32, #tpu.memory_space<hbm>>
      %dma_wait3A_1321 = arith.constant 1120 : i32
      %dma_wait3A_1322 = tpu.memref_slice %arg22[%mul3A_2, %dma_wait3A_1321] : memref<16384x1280xf32, #tpu.memory_space<hbm>> -> memref<512x80xf32, #tpu.memory_space<hbm>>
      %dma_wait3A_1323 = arith.constant 0 : i32
      %dma_wait3A_1324 = arith.constant 0 : i32
      %dma_wait3A_1325 = tpu.memref_slice %arg28[%run_scoped3A_1260, %dma_wait3A_1323, %dma_wait3A_1324] : memref<2x512x80xf32, #tpu.memory_space<vmem>> -> memref<1x512x80xf32, #tpu.memory_space<vmem>>
      %dma_wait3A_1326 = tpu.memref_squeeze %dma_wait3A_1325 : memref<1x512x80xf32, #tpu.memory_space<vmem>> -> memref<512x80xf32, #tpu.memory_space<vmem>>
      tpu.wait_dma2 semaphore(%run_scoped3A_1302 : memref<!tpu.dma_semaphore, #tpu.memory_space<semaphore_mem>>) src(%dma_wait3A_1326 : memref<512x80xf32, #tpu.memory_space<vmem>>) dst(%dma_wait3A_1322 : memref<512x80xf32, #tpu.memory_space<hbm>>)
      tpu.yield
    }) : () -> ()
    %dma_wait3A_1261 = arith.constant 1 : i32
    %dma_wait3A_1262 = arith.constant 0 : i32
    %dma_wait3A_1263 = arith.constant 0 : i32
    %dma_wait3A_1264 = tpu.memref_slice %arg28[%dma_wait3A_1261, %dma_wait3A_1262, %dma_wait3A_1263] : memref<2x512x80xf32, #tpu.memory_space<vmem>> -> memref<1x128x80xf32, #tpu.memory_space<vmem>>
    %dma_wait3A_1265 = tpu.memref_squeeze %dma_wait3A_1264 : memref<1x128x80xf32, #tpu.memory_space<vmem>> -> memref<128x80xf32, #tpu.memory_space<vmem>>
    %dma_wait3A_1266 = arith.constant 7680 : i32
    %dma_wait3A_1267 = tpu.memref_slice %arg27[%dma_wait3A_1266] : memref<8192xi32, #tpu.memory_space<vmem>> -> memref<128xi32, #tpu.memory_space<vmem>>
    %dma_wait3A_1268 = arith.constant 0 : i32
    %dma_wait3A_1269 = arith.constant 0 : i32
    %dma_wait3A_1270 = tpu.memref_slice %arg21[%dma_wait3A_1268, %dma_wait3A_1269] : memref<31253x80xf32, #tpu.memory_space<hbm>> -> memref<31253x80xf32, #tpu.memory_space<hbm>>
    tpu.wait_indirect_dma semaphore(%arg30 : memref<!tpu.dma_semaphore, #tpu.memory_space<semaphore_mem>>) src(%dma_wait3A_1270 : memref<31253x80xf32, #tpu.memory_space<hbm>>) dst(%dma_wait3A_1265 : memref<128x80xf32, #tpu.memory_space<vmem>>)
    %dma_wait3A_1271 = arith.constant 1 : i32
    %dma_wait3A_1272 = arith.constant 128 : i32
    %dma_wait3A_1273 = arith.constant 0 : i32
    %dma_wait3A_1274 = tpu.memref_slice %arg28[%dma_wait3A_1271, %dma_wait3A_1272, %dma_wait3A_1273] : memref<2x512x80xf32, #tpu.memory_space<vmem>> -> memref<1x128x80xf32, #tpu.memory_space<vmem>>
    %dma_wait3A_1275 = tpu.memref_squeeze %dma_wait3A_1274 : memref<1x128x80xf32, #tpu.memory_space<vmem>> -> memref<128x80xf32, #tpu.memory_space<vmem>>
    %dma_wait3A_1276 = arith.constant 7808 : i32
    %dma_wait3A_1277 = tpu.memref_slice %arg27[%dma_wait3A_1276] : memref<8192xi32, #tpu.memory_space<vmem>> -> memref<128xi32, #tpu.memory_space<vmem>>
    %dma_wait3A_1278 = arith.constant 0 : i32
    %dma_wait3A_1279 = arith.constant 0 : i32
    %dma_wait3A_1280 = tpu.memref_slice %arg21[%dma_wait3A_1278, %dma_wait3A_1279] : memref<31253x80xf32, #tpu.memory_space<hbm>> -> memref<31253x80xf32, #tpu.memory_space<hbm>>
    tpu.wait_indirect_dma semaphore(%arg30 : memref<!tpu.dma_semaphore, #tpu.memory_space<semaphore_mem>>) src(%dma_wait3A_1280 : memref<31253x80xf32, #tpu.memory_space<hbm>>) dst(%dma_wait3A_1275 : memref<128x80xf32, #tpu.memory_space<vmem>>)
    %dma_wait3A_1281 = arith.constant 1 : i32
    %dma_wait3A_1282 = arith.constant 256 : i32
    %dma_wait3A_1283 = arith.constant 0 : i32
    %dma_wait3A_1284 = tpu.memref_slice %arg28[%dma_wait3A_1281, %dma_wait3A_1282, %dma_wait3A_1283] : memref<2x512x80xf32, #tpu.memory_space<vmem>> -> memref<1x128x80xf32, #tpu.memory_space<vmem>>
    %dma_wait3A_1285 = tpu.memref_squeeze %dma_wait3A_1284 : memref<1x128x80xf32, #tpu.memory_space<vmem>> -> memref<128x80xf32, #tpu.memory_space<vmem>>
    %dma_wait3A_1286 = arith.constant 7936 : i32
    %dma_wait3A_1287 = tpu.memref_slice %arg27[%dma_wait3A_1286] : memref<8192xi32, #tpu.memory_space<vmem>> -> memref<128xi32, #tpu.memory_space<vmem>>
    %dma_wait3A_1288 = arith.constant 0 : i32
    %dma_wait3A_1289 = arith.constant 0 : i32
    %dma_wait3A_1290 = tpu.memref_slice %arg21[%dma_wait3A_1288, %dma_wait3A_1289] : memref<31253x80xf32, #tpu.memory_space<hbm>> -> memref<31253x80xf32, #tpu.memory_space<hbm>>
    tpu.wait_indirect_dma semaphore(%arg30 : memref<!tpu.dma_semaphore, #tpu.memory_space<semaphore_mem>>) src(%dma_wait3A_1290 : memref<31253x80xf32, #tpu.memory_space<hbm>>) dst(%dma_wait3A_1285 : memref<128x80xf32, #tpu.memory_space<vmem>>)
    %dma_wait3A_1291 = arith.constant 1 : i32
    %dma_wait3A_1292 = arith.constant 384 : i32
    %dma_wait3A_1293 = arith.constant 0 : i32
    %dma_wait3A_1294 = tpu.memref_slice %arg28[%dma_wait3A_1291, %dma_wait3A_1292, %dma_wait3A_1293] : memref<2x512x80xf32, #tpu.memory_space<vmem>> -> memref<1x128x80xf32, #tpu.memory_space<vmem>>
    %dma_wait3A_1295 = tpu.memref_squeeze %dma_wait3A_1294 : memref<1x128x80xf32, #tpu.memory_space<vmem>> -> memref<128x80xf32, #tpu.memory_space<vmem>>
    %dma_wait3A_1296 = arith.constant 8064 : i32
    %dma_wait3A_1297 = tpu.memref_slice %arg27[%dma_wait3A_1296] : memref<8192xi32, #tpu.memory_space<vmem>> -> memref<128xi32, #tpu.memory_space<vmem>>
    %dma_wait3A_1298 = arith.constant 0 : i32
    %dma_wait3A_1299 = arith.constant 0 : i32
    %dma_wait3A_1300 = tpu.memref_slice %arg21[%dma_wait3A_1298, %dma_wait3A_1299] : memref<31253x80xf32, #tpu.memory_space<hbm>> -> memref<31253x80xf32, #tpu.memory_space<hbm>>
    tpu.wait_indirect_dma semaphore(%arg30 : memref<!tpu.dma_semaphore, #tpu.memory_space<semaphore_mem>>) src(%dma_wait3A_1300 : memref<31253x80xf32, #tpu.memory_space<hbm>>) dst(%dma_wait3A_1295 : memref<128x80xf32, #tpu.memory_space<vmem>>)
    %run_scoped3A_1301 = arith.constant 1 : i32
    "tpu.region"() ({
      %run_scoped3A_1302 = tpu.sem_alloc : memref<!tpu.dma_semaphore, #tpu.memory_space<semaphore_mem>>
      %dma_start3A_1303 = arith.constant 0 : i32
      %dma_start3A_1304 = arith.constant 0 : i32
      %dma_start3A_1305 = tpu.memref_slice %arg28[%run_scoped3A_1301, %dma_start3A_1303, %dma_start3A_1304] : memref<2x512x80xf32, #tpu.memory_space<vmem>> -> memref<1x512x80xf32, #tpu.memory_space<vmem>>
      %dma_start3A_1306 = tpu.memref_squeeze %dma_start3A_1305 : memref<1x512x80xf32, #tpu.memory_space<vmem>> -> memref<512x80xf32, #tpu.memory_space<vmem>>
      %dma_start3A_1307 = arith.constant 1200 : i32
      %dma_start3A_1308 = tpu.memref_slice %arg22[%mul3A_2, %dma_start3A_1307] : memref<16384x1280xf32, #tpu.memory_space<hbm>> -> memref<512x80xf32, #tpu.memory_space<hbm>>
      %dma_start3A_1309 = arith.constant 1200 : i32
      %dma_start3A_1310 = tpu.memref_slice %arg22[%mul3A_2, %dma_start3A_1309] : memref<16384x1280xf32, #tpu.memory_space<hbm>> -> memref<512x80xf32, #tpu.memory_space<hbm>>
      %dma_start3A_1311 = arith.constant 0 : i32
      %dma_start3A_1312 = arith.constant 0 : i32
      %dma_start3A_1313 = tpu.memref_slice %arg28[%run_scoped3A_1301, %dma_start3A_1311, %dma_start3A_1312] : memref<2x512x80xf32, #tpu.memory_space<vmem>> -> memref<1x512x80xf32, #tpu.memory_space<vmem>>
      %dma_start3A_1314 = tpu.memref_squeeze %dma_start3A_1313 : memref<1x512x80xf32, #tpu.memory_space<vmem>> -> memref<512x80xf32, #tpu.memory_space<vmem>>
      tpu.enqueue_dma source(%dma_start3A_1314 : memref<512x80xf32, #tpu.memory_space<vmem>>) target(%dma_start3A_1310 : memref<512x80xf32, #tpu.memory_space<hbm>>) target_semaphore(%run_scoped3A_1302 : memref<!tpu.dma_semaphore, #tpu.memory_space<semaphore_mem>>)
      %dma_wait3A_1315 = arith.constant 0 : i32
      %dma_wait3A_1316 = arith.constant 0 : i32
      %dma_wait3A_1317 = tpu.memref_slice %arg28[%run_scoped3A_1301, %dma_wait3A_1315, %dma_wait3A_1316] : memref<2x512x80xf32, #tpu.memory_space<vmem>> -> memref<1x512x80xf32, #tpu.memory_space<vmem>>
      %dma_wait3A_1318 = tpu.memref_squeeze %dma_wait3A_1317 : memref<1x512x80xf32, #tpu.memory_space<vmem>> -> memref<512x80xf32, #tpu.memory_space<vmem>>
      %dma_wait3A_1319 = arith.constant 1200 : i32
      %dma_wait3A_1320 = tpu.memref_slice %arg22[%mul3A_2, %dma_wait3A_1319] : memref<16384x1280xf32, #tpu.memory_space<hbm>> -> memref<512x80xf32, #tpu.memory_space<hbm>>
      %dma_wait3A_1321 = arith.constant 1200 : i32
      %dma_wait3A_1322 = tpu.memref_slice %arg22[%mul3A_2, %dma_wait3A_1321] : memref<16384x1280xf32, #tpu.memory_space<hbm>> -> memref<512x80xf32, #tpu.memory_space<hbm>>
      %dma_wait3A_1323 = arith.constant 0 : i32
      %dma_wait3A_1324 = arith.constant 0 : i32
      %dma_wait3A_1325 = tpu.memref_slice %arg28[%run_scoped3A_1301, %dma_wait3A_1323, %dma_wait3A_1324] : memref<2x512x80xf32, #tpu.memory_space<vmem>> -> memref<1x512x80xf32, #tpu.memory_space<vmem>>
      %dma_wait3A_1326 = tpu.memref_squeeze %dma_wait3A_1325 : memref<1x512x80xf32, #tpu.memory_space<vmem>> -> memref<512x80xf32, #tpu.memory_space<vmem>>
      tpu.wait_dma2 semaphore(%run_scoped3A_1302 : memref<!tpu.dma_semaphore, #tpu.memory_space<semaphore_mem>>) src(%dma_wait3A_1326 : memref<512x80xf32, #tpu.memory_space<vmem>>) dst(%dma_wait3A_1322 : memref<512x80xf32, #tpu.memory_space<hbm>>)
      tpu.yield
    }) : () -> ()
    return
  }
}

</mosaic_0001>

<sc_bundles>
// kernel: kernel.3.cloned.1.call-start
scs
__scs_entry_jumppad:
0x0: {  	(pc) =	sbr.rel $0x88, $3  }
0x1: {  	(tag) =	ssettag $0x0;
	lr =	simm.s32 $0x1  }
0x2: {  	[smem:$0x3F8F] =	sst lr;
	_ =	strace $0xD0000000  }
0x3: {  	_ = 	snop  }
0x4: {  	_ = 	snop  }
0x5: {  	_ = 	snop  }
0x6: {  	_ = 	snop  }
0x7: {  	_ = 	snop  }
__scs_overlays_trampoline_lowered:
0x8: {  	[smem:$0x3F9E] =	sst s0  }
0x9: {  	[smem:$0x3F9F] =	sst s1  }
0xa: {  	[smem:$0x3FA0] =	sst s2  }
0xb: {  	[smem:$0x3FA1] =	sst s3  }
0xc: {  	[smem:$0x3FA2] =	sst s4  }
0xd: {  	[smem:$0x3FA3] =	sst s5  }
0xe: {  	[smem:$0x3FA4] =	sst s6  }
0xf: {  	[smem:$0x3FA5] =	sst s7  }
0x10: {  	[smem:$0x3FA6] =	sst s8  }
0x11: {  	[smem:$0x3FA7] =	sst s9;
	s0 =	simm.s32 @!p0 $0x0  }
0x12: {  	s1 =	sld [smem:$0x3F8D];
	s0 =	simm.s32 @p0 $0x1  }
0x13: {  	[smem:$0x3FA8] =	sst s0;
	s0 =	simm.s32 @!p1 $0x0  }
0x14: {  	s2 =	sld [smem:$0x3F8C];
	s0 =	simm.s32 @p1 $0x1  }
0x15: {  	[smem:$0x3FA9] =	sst s0;
	s0 =	simm.s32 @!p2 $0x0  }
0x16: {  	s3 =	sld [smem:$0x3FDB];
	s0 =	simm.s32 @p2 $0x1  }
0x17: {  	s4 =	simm.s32 $0x1BF5;
	[smem:$0x3FAB] =	sst s0  }
0x18: {  	s0 =	sld [smem:$0x3F8E];
	_ =	swait.ge [sflag:s4], $0x0  }
0x19: {  	s7 =	sld [smem:$0x3F8F]  }
0x1a: {  	s8 =	sadd.s32 $0xFFFFE003, lr  }
0x1b: {  	s9 =	sadd.s32 $0xFFFFFEF7, lr;
	s5 =	simm.s32 $0xFFFFFFFF;
	p2 =	slt.u32 s8, $0xFFFFF086  }
0x1c: {  	p1 =	slt.u32 s9, $0xF7A;
	s5 =	simm.s32 @!p2 $0x0  }
0x1d: {  	s5 =	simm.s32 @p1 $0x1;
	p0 =	seq.s32 s7, s2  }
0x1e: {  	s7 =	smul.u32 @!p0 $0xF7A, s2;
	p2 =	seq.s32 @!p0 s5, $0x0  }
0x1f: {  	s9 =	smul.u32 $0xF7A, s1;
	s8 =	simm.s32 @!p0 $0x1BF5;
	p2 =	por !p2, p0  }
0x20: {  	[sflag:s8] =	ssyncset.s32 @!p0 $0xFFFFF086;
	s6 =	sadd.s32 @!p0 s3, s7;
	s7 =	simm.s32 @!p0 $0x108  }
0x21: {  	s3 =	sadd.s32 s3, s9;
	s6 =	sadd.s32 @!p0 $0x88, s6;
	s7 =	simm.s32 @p2 $0x1082  }
0x22: {  	[simem:s7], [sflag:s8] =	dma.local @!p0 [hbm:s6], $0xF7A  }
0x23: {  	s9 =	sor.u32 $0xD0000000, s2;
	s6 =	simm.s32 $0x108;
	_ =	swait.ge @!p0 [sflag:s8], $0x0  }
0x24: {  	s3 =	sadd.s32 $0x88, s3;
	s6 =	simm.s32 @!p1 $0x1082;
	[sflag:s4] =	ssyncset.s32 $0xFFFFF086  }
0x25: {  	[simem:s6], [sflag:s4] =	dma.local [hbm:s3], $0xF7A  }
0x26: {  	[smem:$0x3F8F] =	sst s1;
	(tag) =	ssettag s2;
	_ =	strace s9  }
0x27: {  	s1 =	sld [smem:$0x3F9F]  }
0x28: {  	s2 =	sld [smem:$0x3FA0]  }
0x29: {  	s4 =	sld [smem:$0x3FA2]  }
0x2a: {  	p0 =	seq.s32 s5, $0x0;
	s5 =	sld [smem:$0x3FA3]  }
0x2b: {  	s6 =	sld [smem:$0x3FA4]  }
0x2c: {  	s7 =	sld [smem:$0x3FA5]  }
0x2d: {  	s3 =	simm.s32 $0x108;
	s8 =	sld [smem:$0x3FA6]  }
0x2e: {  	s3 =	simm.s32 @!p0 $0x1082;
	s9 =	sld [smem:$0x3FA7]  }
0x2f: {  	lr =	sadd.s32 s0, s3;
	s0 =	sld [smem:$0x3F9E]  }
0x30: {  	s3 =	sld [smem:$0x3FA1]  }
0x31: {  	[smem:$0x3FAA] =	sst s10  }
0x32: {  	s10 =	sld [smem:$0x3FA8];
	_ =	sdelay $0x3  }
0x33: {  	p0 =	seq.s32 s10, $0x1;
	s10 =	sld [smem:$0x3FAA];
	_ =	sdelay $0x3  }
0x34: {  	[smem:$0x3FAA] =	sst s10  }
0x35: {  	s10 =	sld [smem:$0x3FA9];
	_ =	sdelay $0x3  }
0x36: {  	p1 =	seq.s32 s10, $0x1;
	s10 =	sld [smem:$0x3FAA];
	_ =	sdelay $0x3  }
0x37: {  	[smem:$0x3FAA] =	sst s10  }
0x38: {  	s10 =	sld [smem:$0x3FAB]  }
0x39: {  	_ = 	snop;
	(pc) =	sbr.ind lr, $3  }
0x3a: {  	_ = 	snop  }
0x3b: {  	_ = 	snop  }
0x3c: {  	p2 =	seq.s32 s10, $0x1;
	s10 =	sld [smem:$0x3FAA]  }
0x3d: {  	_ =	shalt  }
0x3e: {  	_ =	shalt  }
0x3f: {  	_ =	shalt  }
0x40: {  	_ =	shalt  }
0x41: {  	_ =	shalt  }
0x42: {  	_ =	shalt  }
0x43: {  	_ =	shalt  }
0x44: {  	_ =	shalt  }
0x45: {  	_ =	shalt  }
0x46: {  	_ =	shalt  }
0x47: {  	_ =	shalt  }
0x48: {  	_ =	shalt  }
0x49: {  	_ =	shalt  }
0x4a: {  	_ =	shalt  }
0x4b: {  	_ =	shalt  }
0x4c: {  	_ =	shalt  }
0x4d: {  	_ =	shalt  }
0x4e: {  	_ =	shalt  }
0x4f: {  	_ =	shalt  }
0x50: {  	_ =	shalt  }
0x51: {  	_ =	shalt  }
0x52: {  	_ =	shalt  }
0x53: {  	_ =	shalt  }
0x54: {  	_ =	shalt  }
0x55: {  	_ =	shalt  }
0x56: {  	_ =	shalt  }
0x57: {  	_ =	shalt  }
0x58: {  	_ =	shalt  }
0x59: {  	_ =	shalt  }
0x5a: {  	_ =	shalt  }
0x5b: {  	_ =	shalt  }
0x5c: {  	_ =	shalt  }
0x5d: {  	_ =	shalt  }
0x5e: {  	_ =	shalt  }
0x5f: {  	_ =	shalt  }
0x60: {  	_ =	shalt  }
0x61: {  	_ =	shalt  }
0x62: {  	_ =	shalt  }
0x63: {  	_ =	shalt  }
0x64: {  	_ =	shalt  }
0x65: {  	_ =	shalt  }
0x66: {  	_ =	shalt  }
0x67: {  	_ =	shalt  }
0x68: {  	_ =	shalt  }
0x69: {  	_ =	shalt  }
0x6a: {  	_ =	shalt  }
0x6b: {  	_ =	shalt  }
0x6c: {  	_ =	shalt  }
0x6d: {  	_ =	shalt  }
0x6e: {  	_ =	shalt  }
0x6f: {  	_ =	shalt  }
0x70: {  	_ =	shalt  }
0x71: {  	_ =	shalt  }
0x72: {  	_ =	shalt  }
0x73: {  	_ =	shalt  }
0x74: {  	_ =	shalt  }
0x75: {  	_ =	shalt  }
0x76: {  	_ =	shalt  }
0x77: {  	_ =	shalt  }
0x78: {  	_ =	shalt  }
0x79: {  	_ =	shalt  }
0x7a: {  	_ =	shalt  }
0x7b: {  	_ =	shalt  }
0x7c: {  	_ =	shalt  }
0x7d: {  	_ =	shalt  }
0x7e: {  	_ =	shalt  }
0x7f: {  	_ =	shalt  }
0x80: {  	_ =	shalt  }
0x81: {  	_ =	shalt  }
0x82: {  	_ =	shalt  }
0x83: {  	_ =	shalt  }
0x84: {  	_ =	shalt  }
0x85: {  	_ =	shalt  }
0x86: {  	_ =	shalt  }
0x87: {  	_ =	shalt  }
.Lfunc_end0:
.L_simem_size_0:
called_computation_lowered:
.L_overlay_start_0:
0x88: {  	s2 =	sld [smem:$0x3FD9]  }
0x89: {  	s3 =	sld [smem:$0x3FFE];
	_ =	sdelay $0x1  }
0x8a: {  	s1 =	srdreg.scid  }
0x8b: {  	s0 =	sand.u32 $0x1, s1  }
0x8c: {  	s17 =	sshll.u32 s0, $0xA;
	s2 =	sadd.s32 s3, s2  }
0x8d: {  	s2 =	sadd.s32 s2, s17  }
0x8e: {  	[smem:$0x3FB6] =	sst s2  }
0x8f: {  	_ = 	snop  }
0x90: {  	s2 =	sld [smem:$0x3FD0];
	(tm) =	ssettm $0x1  }
0x91: {  	s18 =	sld [smem:$0x3FFB];
	_ =	sdelay $0x3  }
0x92: {  	_ =	strace s18  }
0x93: {  	s3 =	sld [smem:$0x3FFC];
	_ =	sdelay $0x3  }
0x94: {  	_ =	strace s3  }
0x95: {  	s3 =	sld [smem:$0x3FFD];
	_ =	sdelay $0x3  }
0x96: {  	_ =	strace s3  }
0x97: {  	_ =	strace $0x8FFFFFFF  }
0x98: {  	s19 =	sld [smem:$0x3FDB];
	_ =	sdelay $0x1  }
0x99: {  	s4 =	simm.s32 $_scs_section_size  }
0x9a: {  	s5 =	simm.s32 $_size__tile_overlayer_lowered;
	s6 =	simm.s32 $_tile_overlayer_lowered  }
0x9b: {  	s22 =	simm.s32 $0x1BFF;
	s21 =	sshll.u32 s6, $0x1;
	s3 =	sadd.s32 s4, s19  }
0x9c: {  	s7 =	simm.s32 $0x0;
	s20 =	sshll.u32 s5, $0x1;
	s5 =	sadd.s32 s21, s3  }
0x9d: {  	[timem:s7], [sflag:s22] =	dma.local [hbm:s5], s20  }
0x9e: {  	_ =	swait.ge [sflag:s22], s20  }
0x9f: {  	s4 =	ssub.s32 $0x0, s20;
	[sflag:s22] =	ssyncset.done $0x0  }
0xa0: {  	[sflag:s22] =	ssyncadd.s32 s4;
	_ =	sdelay $0x1  }
0xa1: {  	s23 =	simm.s32 $0x1B8B  }
0xa2: {  	_ =	swait.ge [sflag:s23], $0x1  }
0xa3: {  	[sflag:s23] =	ssyncset.done $0x0  }
0xa4: {  	s25 =	simm.s32 $0x1B8E;
	s24 =	sld [smem:$0x3FFE];
	[sflag:s23] =	ssyncadd.s32 $0xFFFFFFFF  }
0xa5: {  	s26 =	simm.s32 $execute0_lowered;
	[smem:$0x3FD2] =	sst s25  }
0xa6: {  	s5 =	sshll.u32 s26, $0x1;
	_ =	strace $0x80000046;
	[dreg:$0x1] =	wrdreg $0xFFFFFFFF  }
0xa7: {  	s28 =	simm.s32 $_size_execute0_lowered;
	s3 =	sadd.s32 s3, s5;
	[dreg:$0x0] =	wrdreg $0x0  }
0xa8: {  	s5 =	sshll.u32 s28, $0x1;
	[dreg:$0x2] =	wrdreg s3  }
0xa9: {  	[dreg:$0x3] =	wrdreg s5  }
0xaa: {  	[dreg:$0x4] =	wrdreg $0xC0  }
0xab: {  	_ =	task [dreg:s7], $0x5FFFF  }
0xac: {  	[dreg:$0x1] =	wrdreg $0xFFFFFFFF  }
0xad: {  	[dreg:$0x0] =	wrdreg $0x60  }
0xae: {  	[dreg:$0x2] =	wrdreg s24  }
0xaf: {  	[dreg:$0x3] =	wrdreg s2  }
0xb0: {  	[dreg:$0x4] =	wrdreg $0x9  }
0xb1: {  	_ =	task.clear_ibuf [dreg:s7], $0x5FFFF;
	_ =	strace $0x90000046  }
0xb2: {  	s29 =	simm.s32 $0x9;
	_ =	strace $0x80000048  }
0xb3: {  	_ =	swait.ge [sflag:s29], $0x1  }
0xb4: {  	[sflag:s29] =	ssyncadd.s32 $0xFFFFFFFF  }
0xb5: {  	_ =	strace $0x90000048  }
0xb6: {  	_ =	sfence  }
0xb7: {  	s30 =	sld [smem:$0x0];
	_ =	sdelay $0x2  }
0xb8: {  	s31 =	sshll.u32 s1, $0xD;
	s1 =	sshrl.u32 s1, $0x2  }
0xb9: {  	s3 =	sand.u32 $0x4000, s31;
	s1 =	sadd.s32 s1, s30  }
0xba: {  	s0 =	sor.u32 s3, s0;
	s1 =	sshll.u32 s1, $0x11  }
0xbb: {  	s0 =	sor.u32 s1, s0  }
0xbc: {  	s0 =	sadd.s32 $0x8F2B, s0  }
0xbd: {  	[sflag:s0] =	ssyncadd.remote.s32 $0x1  }
0xbe: {  	_ =	sfence.sel $0xFFFF  }
0xbf: {  	[dreg:$0x0] =	wrdreg $0xFFFFFFFF;
	(pc) =	sbr.abs _section_cstart, $3  }
0xc0: {  	[dreg:$0x1] =	wrdreg $0xFFFFFFFF  }
0xc1: {  	_ =	task.clear_ibuf [dreg:s7], $0x2FFFF;
	_ =	strace $0x9FFFFFFF  }
0xc2: {  	(tm) =	ssettm $0x7FFFFFFF  }
0xc3: {  	_ =	shalt  }
tec
execute0_lowered:
.L_overlay_start_1:
0x0: {  	(tag) =	ssettag $0x1  }
0x1: {  	s0 =	rddreg [dreg:$0x0];
	s1 =	simm.s32 $0x0  }
0x2: {  	[smem:$0x7FF] =	sst s1;
	s4 =	sadd.s32 $0x8600, s0  }
0x3: {  	s21 =	sadd.s32 $0xA000, s0;
	_ =	strace $0x80000047;
	[dreg:$0x3] =	wrdreg s4  }
0x4: {  	s22 =	sadd.s32 $0x56600, s0;
	[dreg:$0x4] =	wrdreg s21  }
0x5: {  	s23 =	sadd.s32 $0xA2C00, s0;
	[dreg:$0x5] =	wrdreg s22  }
0x6: {  	s24 =	sadd.s32 $0xEF200, s0;
	[dreg:$0x6] =	wrdreg s23  }
0x7: {  	s25 =	sadd.s32 $0x13B800, s0;
	[dreg:$0x7] =	wrdreg s24  }
0x8: {  	s20 =	srdreg.scid;
	s26 =	sadd.s32 $0x187E00, s0;
	[dreg:$0x8] =	wrdreg s25  }
0x9: {  	s2 =	stileid.u32;
	s28 =	sadd.s32 $0x1D4400, s0;
	[dreg:$0x9] =	wrdreg s26  }
0xa: {  	s1 =	sand.u32 $0x1, s20;
	s29 =	sadd.s32 $0x220A00, s0;
	[dreg:$0xa] =	wrdreg s28  }
0xb: {  	s2 =	sshll.u32 s2, $0xA;
	s31 =	sadd.s32 $0x2B9600, s0;
	[dreg:$0xb] =	wrdreg s29  }
0xc: {  	s5 =	sadd.s32 $0x305C00, s0;
	s6 =	sadd.s32 $0x26D000, s0;
	[dreg:$0xc] =	wrdreg s31  }
0xd: {  	s7 =	sadd.s32 $0x352200, s0;
	s8 =	sadd.s32 $0x39E800, s0;
	[dreg:$0xd] =	wrdreg s5  }
0xe: {  	s9 =	sadd.s32 $0x3EAE00, s0;
	s10 =	sadd.s32 $0x437400, s0;
	[dreg:$0xe] =	wrdreg s6  }
0xf: {  	s3 =	sshll.u32 s1, $0x9;
	[dreg:$0xf] =	wrdreg s7;
	s1 =	ssub.s32 $0x2, s1  }
0x10: {  	[dreg:$0x10] =	wrdreg s8;
	s2 =	sor.u32 s3, s2;
	s25 =	sshrl.u32 s1, $0x1  }
0x11: {  	[dreg:$0x11] =	wrdreg s9;
	s30 =	sshrl.u32 s2, $0x3;
	s1 =	ssub.s32 s1, s25  }
0x12: {  	[dreg:$0x12] =	wrdreg s10;
	s3 =	sadd.s32 s30, s0;
	s31 =	smax.u32 s1, $0x1  }
0x13: {  	s2 =	smul.u32 $0xA0, s2;
	s11 =	sadd.s32 $0x9800, s3;
	[smem:$0x7FD] =	sst s31  }
0x14: {  	s12 =	sadd.s32 $0x9000, s3;
	[dreg:$0x13] =	wrdreg s11  }
0x15: {  	s0 =	sadd.s32 s2, s0;
	s13 =	sadd.s32 $0x8800, s3;
	[dreg:$0x14] =	wrdreg s12  }
0x16: {  	[dreg:$0x15] =	wrdreg s13;
	s14 =	sadd.s32 $0x483A00, s0  }
0x17: {  	s15 =	sadd.s32 $0x483A0A, s0;
	[dreg:$0x16] =	wrdreg s14  }
0x18: {  	s16 =	sadd.s32 $0x483A14, s0;
	[dreg:$0x17] =	wrdreg s15  }
0x19: {  	s17 =	sadd.s32 $0x483A1E, s0;
	[dreg:$0x18] =	wrdreg s16  }
0x1a: {  	s18 =	sadd.s32 $0x483A28, s0;
	[dreg:$0x19] =	wrdreg s17  }
0x1b: {  	s19 =	sadd.s32 $0x483A32, s0;
	[dreg:$0x1a] =	wrdreg s18  }
0x1c: {  	s20 =	sadd.s32 $0x483A3C, s0;
	[dreg:$0x1b] =	wrdreg s19  }
0x1d: {  	s21 =	sadd.s32 $0x483A46, s0;
	[dreg:$0x1c] =	wrdreg s20  }
0x1e: {  	s22 =	sadd.s32 $0x483A50, s0;
	[dreg:$0x1d] =	wrdreg s21  }
0x1f: {  	s23 =	sadd.s32 $0x483A5A, s0;
	[dreg:$0x1e] =	wrdreg s22  }
0x20: {  	v0 =	vimm.s32 $0xECA86420;
	vm0 =	vcmask $0xB08;
	vm1 =	vcmask $0x1310;
	s24 =	sadd.s32 $0x483A64, s0;
	[dreg:$0x1f] =	wrdreg s23  }
0x21: {  	vm2 =	vcmask $0x1B18;
	vm3 =	vcmask $0x300;
	vm4 =	vcmask $0x2320;
	s26 =	sadd.s32 $0x483A6E, s0;
	[smem:$0x7F7] =	sst s24  }
0x22: {  	vm5 =	vcmask $0x2B28;
	vm6 =	vcmask $0x3330;
	vm7 =	vcmask $0x3B38;
	s28 =	sadd.s32 $0x483A78, s0;
	[smem:$0x7F8] =	sst s26  }
0x23: {  	v1 =	vlaneseq.u32;
	vm8 =	vmmov $0xff;
	vm9 =	vcmask $0x704;
	s29 =	sadd.s32 $0x483A82, s0;
	[smem:$0x7F9] =	sst s28  }
0x24: {  	vm10 =	vcmask $0xF0C;
	vm11 =	vcmask $0x1714;
	v0 =	vunpack.c.l.s4.s8 v0;
	s30 =	sadd.s32 $0x483A8C, s0;
	[smem:$0x7FA] =	sst s29  }
0x25: {  	vm12 =	vcmask $0x1F1C;
	vm13 =	vcmask $0x2724;
	vm14 =	vcmask $0x2F2C;
	s0 =	sadd.s32 $0x483A96, s0;
	[smem:$0x7FB] =	sst s30  }
0x26: {  	vm15 =	vcmask $0x3734;
	v1 =	vmul.u32 $0x2, v1;
	v0 =	vunpack.c.0.s8.s32 v0;
	s1 =	simm.s32 $0x0;
	s2 =	simm.s32 $0x3;
	[smem:$0x7FC] =	sst s0  }
.LBB2_1:
0x27: {  	[smem:$0x7F6] =	sst s1  }
0x28: {  	s0 =	simm.s32 $0x0;
	s25 =	rddreg [dreg:$0x13]  }
0x29: {  	[tilespmem:s0], [sflag:$0x3] =	stream.linear.gather [hbm4b:s25+s0], $0x200, $0x38;
	[tilespmem:$0x16C00] =	vst v63  }
0x2a: {  	_ =	swait.ge [sflag:s2], $0x200  }
0x2b: {  	[sflag:s2] =	ssyncset.done $0x0  }
0x2c: {  	s3 =	simm.s32 $0x200;
	s26 =	rddreg [dreg:$0x14];
	[sflag:s2] =	ssyncadd.s32 $0xFFFFFE00  }
0x2d: {  	[tilespmem:s3], [sflag:$0x3] =	stream.linear.gather [hbm4b:s26+s0], $0x200, $0x38;
	[tilespmem:$0x16C00] =	vst v63  }
0x2e: {  	_ =	swait.ge [sflag:s2], $0x200  }
0x2f: {  	[sflag:s2] =	ssyncset.done $0x0  }
0x30: {  	s29 =	simm.s32 $0x400;
	s28 =	rddreg [dreg:$0x15];
	[sflag:s2] =	ssyncadd.s32 $0xFFFFFE00  }
0x31: {  	[tilespmem:s29], [sflag:$0x3] =	stream.linear.gather [hbm4b:s28+s0], $0x200, $0x38;
	[tilespmem:$0x16C00] =	vst v63  }
0x32: {  	_ =	swait.ge [sflag:s2], $0x200  }
0x33: {  	[sflag:s2] =	ssyncset.done $0x0  }
0x34: {  	s31 =	simm.s32 $0x600;
	s30 =	rddreg [dreg:$0x3];
	[sflag:s2] =	ssyncadd.s32 $0xFFFFFE00  }
0x35: {  	[tilespmem:s31], [sflag:$0x3] =	stream.linear.gather [hbm4b:s30+s0], $0x600, $0x38;
	[tilespmem:$0x16C00] =	vst v63  }
0x36: {  	_ =	swait.ge [sflag:s2], $0x600  }
0x37: {  	[sflag:s2] =	ssyncset.done $0x0  }
0x38: {  	s5 =	simm.s32 $0x0;
	s3 =	simm.s32 $0xC00;
	[sflag:s2] =	ssyncadd.s32 $0xFFFFFA00  }
.LBB2_2:
0x39: {  	s6 =	smul.u32 $0x180, s5;
	_ =	sdelay $0x1  }
0x3a: {  	s6 =	sshra.s32 s6, $0x2  }
0x3b: {  	v2 =	vld [tilespmem:s6+$0x600]  }
0x3c: {  	v3 =	vld [tilespmem:s6+$0x610]  }
0x3d: {  	v4 =	vld [tilespmem:s6+$0x620]  }
0x3e: {  	v5 =	vld [tilespmem:s6+$0x630]  }
0x3f: {  	v6 =	vld [tilespmem:s6+$0x640]  }
0x40: {  	v8 =	vmov s3;
	v7 =	vld [tilespmem:s6+$0x650];
	s6 =	simm.s32 $0x0  }
.LBB2_3:
0x41: {  	s7 =	sshra.s32 s6, $0x2  }
0x42: {  	v9 =	vld [tilespmem:s7+$0x0]  }
0x43: {  	v11 =	vld [tilespmem:s7+$0x200]  }
0x44: {  	v39 =	vld [tilespmem:s7+$0x400];
	_ =	sdelay $0x3  }
0x45: {  	v10 =	vand.u32 $0xFFFF, v9;
	v12 =	vshrl.u32 v9, $0x10  }
0x46: {  	v17 =	vand.u32 $0xFFFF, v11;
	v18 =	vshrl.u32 v11, $0x10;
	v44 =	vand.u32 $0xFFFF, v39  }
0x47: {  	v9 =	vmul.u32 v2, v10;
	v13 =	vmul.u32 v3, v10;
	v14 =	vmul.u32 v2, v12  }
0x48: {  	v12 =	vmul.u32 v3, v12;
	v11 =	vmul.u32 v4, v17;
	v17 =	vmul.u32 v5, v17  }
0x49: {  	v40 =	vmul.u32 v4, v18;
	v18 =	vmul.u32 v5, v18;
	v45 =	vmul.u32 v6, v44  }
0x4a: {  	v10 =	vshrl.u32 v9, $0x10;
	v15 =	vand.u32 $0xFFFF, v13;
	v38 =	vand.u32 $0xFFFF, v14  }
0x4b: {  	v14 =	vshrl.u32 v14, $0x10;
	v13 =	vshrl.u32 v13, $0x10;
	v41 =	vshrl.u32 v11, $0x10  }
0x4c: {  	v19 =	vand.u32 $0xFFFF, v17;
	v43 =	vand.u32 $0xFFFF, v40;
	v17 =	vshrl.u32 v17, $0x10  }
0x4d: {  	v46 =	vshrl.u32 v45, $0x10;
	v10 =	vadd.s32 v15, v10;
	v12 =	vadd.s32 v12, v14  }
0x4e: {  	v42 =	vadd.s32 v19, v41;
	v15 =	vshrl.u32 v39, $0x10;
	v19 =	vmul.u32 v7, v44  }
0x4f: {  	v14 =	vshrl.u32 v40, $0x10;
	v10 =	vadd.s32 v38, v10;
	v12 =	vadd.s32 v13, v12  }
0x50: {  	v13 =	vadd.s32 v43, v42;
	v20 =	vmul.u32 v6, v15;
	v14 =	vadd.s32 v18, v14  }
0x51: {  	v15 =	vmul.u32 v7, v15;
	v16 =	vshrl.u32 v10, $0x10;
	v21 =	vand.u32 $0xFFFF, v19  }
0x52: {  	v17 =	vadd.s32 v17, v14;
	v50 =	vshrl.u32 v13, $0x10;
	v19 =	vshrl.u32 v19, $0x10  }
0x53: {  	v18 =	vadd.s32 v21, v46;
	v47 =	vand.u32 $0xFFFF, v20;
	v49 =	vshrl.u32 v20, $0x10  }
0x54: {  	v16 =	vadd.s32 v16, v12;
	v48 =	vadd.s32 v47, v18;
	v15 =	vadd.s32 v15, v49  }
0x55: {  	v17 =	vadd.s32 v50, v17;
	v51 =	vshrl.u32 v48, $0x10;
	v15 =	vadd.s32 v19, v15  }
0x56: {  	v16 =	vxor.u32 v16, v17;
	v15 =	vadd.s32 v51, v15  }
0x57: {  	v15 =	vxor.u32 v15, v16  }
0x58: {  	v15 =	vmul.u32 $0x5CDB, v15;
	_ =	sdelay $0x1  }
0x59: {  	(v2sf) =	vpush v15, $0xD;
	_ =	sdelay $0x1  }
0x5a: {  	(v2sf) =	vpush v15, $0xC;
	_ =	sdelay $0x1  }
0x5b: {  	(v2sf) =	vpush v15, $0xE;
	_ =	sdelay $0x1  }
0x5c: {  	(v2sf) =	vpush v15, $0xF;
	_ =	sdelay $0x1  }
0x5d: {  	(v2sf) =	vpush v15, $0x9;
	_ =	sdelay $0x1  }
0x5e: {  	(v2sf) =	vpush v15, $0x8;
	_ =	sdelay $0x1  }
0x5f: {  	(v2sf) =	vpush v15, $0xA;
	_ =	sdelay $0x1  }
0x60: {  	(v2sf) =	vpush v15, $0xB  }
0x61: {  	s8 =	spop (v2sf)  }
0x62: {  	(v2sf) =	vpush v15, $0x0;
	s9 =	smulhi.u32 $0x431A3857, s8;
	s8 =	sshra.s32 s8, $0x1F  }
0x63: {  	s10 =	spop (v2sf);
	s8 =	smul.u32 $0x431A3857, s8  }
0x64: {  	(v2sf) =	vpush v15, $0x1;
	s11 =	smulhi.u32 $0x431A3857, s10;
	s10 =	sshra.s32 s10, $0x1F  }
0x65: {  	s12 =	spop (v2sf);
	(v2sf) =	vpush v15, $0x2;
	s10 =	smul.u32 $0x431A3857, s10  }
0x66: {  	s13 =	smulhi.u32 $0x431A3857, s12;
	s12 =	sshra.s32 s12, $0x1F;
	(v2sf) =	vpush v15, $0x3  }
0x67: {  	s14 =	spop (v2sf);
	s12 =	smul.u32 $0x431A3857, s12;
	(v2sf) =	vpush v15, $0x4  }
0x68: {  	s15 =	smulhi.u32 $0x431A3857, s14;
	s14 =	sshra.s32 s14, $0x1F;
	(v2sf) =	vpush v15, $0x5  }
0x69: {  	s16 =	spop (v2sf);
	s14 =	smul.u32 $0x431A3857, s14;
	(v2sf) =	vpush v15, $0x6  }
0x6a: {  	s18 =	smulhi.u32 $0x431A3857, s16;
	s16 =	sshra.s32 s16, $0x1F;
	(v2sf) =	vpush v15, $0x7  }
0x6b: {  	s1 =	spop (v2sf);
	s16 =	smul.u32 $0x431A3857, s16  }
0x6c: {  	s8 =	sadd.s32 s8, s9;
	s19 =	smulhi.u32 $0x431A3857, s1;
	s9 =	sshra.s32 s1, $0x1F  }
0x6d: {  	s17 =	sshrl.u32 s8, $0x1F;
	s2 =	spop (v2sf);
	s30 =	smul.u32 $0x431A3857, s9  }
0x6e: {  	s11 =	sadd.s32 s10, s11;
	s0 =	smulhi.u32 $0x431A3857, s2;
	s4 =	sshra.s32 s2, $0x1F  }
0x6f: {  	s9 =	sadd.s32 s12, s13;
	s12 =	spop (v2sf);
	s13 =	smul.u32 $0x431A3857, s4  }
0x70: {  	s31 =	sshrl.u32 s11, $0x1F;
	s20 =	smulhi.u32 $0x431A3857, s12;
	s21 =	sshra.s32 s12, $0x1F  }
0x71: {  	s10 =	sadd.s32 s14, s15;
	s22 =	smul.u32 $0x431A3857, s21;
	s24 =	spop (v2sf)  }
0x72: {  	s4 =	sshrl.u32 s9, $0x1F;
	s25 =	smulhi.u32 $0x431A3857, s24;
	s1 =	sshra.s32 s24, $0x1F  }
0x73: {  	s12 =	sadd.s32 s16, s18;
	s26 =	spop (v2sf);
	s1 =	smul.u32 $0x431A3857, s1  }
0x74: {  	s18 =	smulhi.u32 $0x431A3857, s26;
	s29 =	sshra.s32 s26, $0x1F;
	s2 =	spop (v2sf)  }
0x75: {  	s16 =	sadd.s32 s30, s19;
	s19 =	smul.u32 $0x431A3857, s29;
	s28 =	spop (v2sf)  }
0x76: {  	s30 =	smulhi.u32 $0x431A3857, s2;
	s2 =	sshra.s32 s2, $0x1F;
	s23 =	spop (v2sf)  }
0x77: {  	s13 =	sadd.s32 s13, s0;
	s0 =	smul.u32 $0x431A3857, s2;
	s2 =	spop (v2sf)  }
0x78: {  	s24 =	smulhi.u32 $0x431A3857, s28;
	s29 =	sshra.s32 s28, $0x1F;
	s26 =	spop (v2sf)  }
0x79: {  	s14 =	sadd.s32 s22, s20;
	s20 =	smul.u32 $0x431A3857, s29;
	s22 =	spop (v2sf)  }
0x7a: {  	s1 =	sadd.s32 s1, s25;
	s25 =	smulhi.u32 $0x431A3857, s22;
	s29 =	sshra.s32 s22, $0x1F  }
0x7b: {  	s21 =	sshrl.u32 s10, $0x1F;
	s28 =	sshrl.u32 s12, $0x1F;
	s22 =	smul.u32 $0x431A3857, s29  }
0x7c: {  	s18 =	sadd.s32 s19, s18;
	s19 =	smulhi.u32 $0x431A3857, s23;
	s23 =	sshra.s32 s23, $0x1F  }
0x7d: {  	s0 =	sadd.s32 s0, s30;
	s30 =	sshrl.u32 s13, $0x1F;
	s15 =	sadd.s32 s22, s25  }
0x7e: {  	v53 =	vmov s31;
	s20 =	sadd.s32 s20, s24;
	s24 =	sshrl.u32 s14, $0x1F;
	s22 =	sshra.s32 s15, $0x1F  }
0x7f: {  	v17 =	vsel vm0, s17, v53;
	s31 =	sshrl.u32 s0, $0x1F;
	s29 =	sshrl.u32 s16, $0x1F;
	s25 =	sshra.s32 s1, $0xD;
	v52 =	vmov s22  }
0x80: {  	v17 =	vsel vm1, s4, v17;
	s22 =	smul.u32 $0x431A3857, s23;
	s23 =	sshrl.u32 s1, $0x1F;
	s1 =	sshra.s32 s1, $0x1F;
	v16 =	vsel vm3, s25, v52  }
0x81: {  	s4 =	sshrl.u32 s20, $0x1F;
	v55 =	vmov s29;
	s29 =	sshra.s32 s16, $0xD;
	v54 =	vmov s23;
	s23 =	sshra.s32 s18, $0xD;
	v16 =	vsel vm9, s1, v16  }
0x82: {  	s25 =	sshrl.u32 s18, $0x1F;
	s18 =	sshra.s32 s18, $0x1F;
	s1 =	smulhi.u32 $0x431A3857, s2;
	v18 =	vnsel vm3, $0x0, v54;
	v16 =	vsel vm0, s23, v16  }
0x83: {  	v18 =	vsel vm0, s25, v18;
	s23 =	smulhi.u32 $0x431A3857, s26;
	s25 =	sshra.s32 s26, $0x1F;
	s26 =	sshra.s32 s0, $0xD;
	v16 =	vsel vm10, s18, v16  }
0x84: {  	v17 =	vsel vm2, s21, v17;
	v19 =	vsel vm0, s28, v55;
	s2 =	sshra.s32 s2, $0x1F;
	s0 =	sshra.s32 s0, $0x1F;
	s21 =	smul.u32 $0x431A3857, s25;
	v16 =	vsel vm1, s26, v16  }
0x85: {  	s17 =	sshra.s32 s20, $0xD;
	s28 =	sshra.s32 s11, $0xD;
	v57 =	vmov s29;
	v19 =	vsel vm1, s30, v19;
	s2 =	smul.u32 $0x431A3857, s2;
	v16 =	vsel vm11, s0, v16  }
0x86: {  	v56 =	vmov s28;
	s19 =	sadd.s32 s22, s19;
	v18 =	vsel vm1, s31, v18;
	s22 =	sadd.s32 s21, s23;
	s23 =	sshra.s32 s20, $0x1F;
	v16 =	vsel vm2, s17, v16  }
0x87: {  	v19 =	vsel vm2, s24, v19;
	s31 =	sshrl.u32 s19, $0x1F;
	v18 =	vsel vm2, s4, v18;
	s1 =	sadd.s32 s2, s1;
	s26 =	sshra.s32 s19, $0xD;
	v16 =	vsel vm12, s23, v16  }
0x88: {  	s8 =	sshra.s32 s8, $0xD;
	v17 =	vcombine.low v19, v17;
	s30 =	sshra.s32 s19, $0x1F;
	v18 =	vsel vm4, s31, v18;
	s2 =	sshrl.u32 s1, $0x1F;
	v16 =	vsel vm4, s26, v16  }
0x89: {  	v19 =	vsel vm0, s8, v56;
	s31 =	sshra.s32 s12, $0xD;
	s11 =	sshra.s32 s1, $0xD;
	s12 =	sshra.s32 s9, $0xD;
	v18 =	vsel vm5, s2, v18;
	v16 =	vsel vm13, s30, v16  }
0x8a: {  	s13 =	sshra.s32 s13, $0xD;
	s16 =	sshra.s32 s1, $0x1F;
	s25 =	sshrl.u32 s22, $0x1F;
	v20 =	vsel vm0, s31, v57;
	v19 =	vsel vm1, s12, v19;
	v16 =	vsel vm5, s11, v16  }
0x8b: {  	s18 =	sshra.s32 s14, $0xD;
	s17 =	sshra.s32 s10, $0xD;
	s19 =	sshra.s32 s22, $0xD;
	v18 =	vsel vm6, s25, v18;
	v20 =	vsel vm1, s13, v20;
	v16 =	vsel vm14, s16, v16  }
0x8c: {  	s20 =	sshrl.u32 s15, $0x1F;
	s21 =	sshra.s32 s22, $0x1F;
	v19 =	vsel vm2, s17, v19;
	v20 =	vsel vm2, s18, v20;
	v16 =	vsel vm6, s19, v16  }
0x8d: {  	s22 =	sshra.s32 s15, $0xD;
	v18 =	vsel vm7, s20, v18;
	v19 =	vcombine.low v20, v19;
	v16 =	vsel vm15, s21, v16  }
0x8e: {  	v17 =	vperm.xlane v17, v0;
	v18 =	vperm.xlane v18, v1;
	v16 =	vsel vm7, s22, v16  }
0x8f: {  	v19 =	vperm.xlane v19, v0;
	v16 =	vperm.xlane v16, v1  }
0x90: {  	v10 =	vxor.u32 v10, v13  }
0x91: {  	v10 =	vxor.u32 v48, v10;
	v58 =	vsel vm8, v18, v17;
	v59 =	vsel vm8, v16, v19  }
0x92: {  	v9 =	vxor.u32 v9, v11;
	v10 =	vand.u32 $0xFFFF, v10;
	v11 =	vadd.s32 v58, v59  }
0x93: {  	v9 =	vxor.u32 v45, v9;
	v10 =	vmul.u32 $0xBD6, v10;
	v11 =	vmul.u32 $0x7A15, v11  }
0x94: {  	v9 =	vand.u32 $0xFFFF, v9  }
0x95: {  	v9 =	vadd.s32 v9, v10;
	v11 =	vsub.s32 v15, v11  }
0x96: {  	v9 =	vadd.s32 v11, v9  }
0x97: {  	(v2sf) =	vpush v9, $0xD;
	_ =	sdelay $0x1  }
0x98: {  	(v2sf) =	vpush v9, $0xC;
	_ =	sdelay $0x1  }
0x99: {  	(v2sf) =	vpush v9, $0xE;
	_ =	sdelay $0x1  }
0x9a: {  	(v2sf) =	vpush v9, $0xF;
	_ =	sdelay $0x1  }
0x9b: {  	(v2sf) =	vpush v9, $0x9;
	_ =	sdelay $0x1  }
0x9c: {  	(v2sf) =	vpush v9, $0x8;
	_ =	sdelay $0x1  }
0x9d: {  	(v2sf) =	vpush v9, $0xA  }
0x9e: {  	(v2sf) =	vpush v9, $0xB  }
0x9f: {  	(v2sf) =	vpush v9, $0x0  }
0xa0: {  	s23 =	spop (v2sf)  }
0xa1: {  	(v2sf) =	vpush v9, $0x1;
	s1 =	smulhi.u32 $0x431A3857, s23;
	s0 =	sshra.s32 s23, $0x1F  }
0xa2: {  	s24 =	spop (v2sf);
	s0 =	smul.u32 $0x431A3857, s0  }
0xa3: {  	s4 =	smulhi.u32 $0x431A3857, s24;
	s2 =	sshra.s32 s24, $0x1F  }
0xa4: {  	(v2sf) =	vpush v9, $0x2;
	s25 =	spop (v2sf);
	s2 =	smul.u32 $0x431A3857, s2  }
0xa5: {  	s10 =	smulhi.u32 $0x431A3857, s25;
	s8 =	sshra.s32 s25, $0x1F  }
0xa6: {  	(v2sf) =	vpush v9, $0x3;
	s26 =	spop (v2sf);
	s8 =	smul.u32 $0x431A3857, s8  }
0xa7: {  	(v2sf) =	vpush v9, $0x4;
	s13 =	smulhi.u32 $0x431A3857, s26;
	s9 =	sshra.s32 s26, $0x1F  }
0xa8: {  	(v2sf) =	vpush v9, $0x5;
	s28 =	spop (v2sf);
	s15 =	smul.u32 $0x431A3857, s9  }
0xa9: {  	(v2sf) =	vpush v9, $0x6;
	s16 =	smulhi.u32 $0x431A3857, s28;
	s17 =	sshra.s32 s28, $0x1F  }
0xaa: {  	(v2sf) =	vpush v9, $0x7;
	s29 =	spop (v2sf);
	s19 =	smul.u32 $0x431A3857, s17  }
0xab: {  	s9 =	sadd.s32 s0, s1;
	s21 =	smulhi.u32 $0x431A3857, s29;
	s29 =	sshra.s32 s29, $0x1F  }
0xac: {  	s30 =	spop (v2sf);
	s10 =	sadd.s32 s8, s10;
	s22 =	smul.u32 $0x431A3857, s29  }
0xad: {  	s18 =	spop (v2sf);
	s24 =	smulhi.u32 $0x431A3857, s30;
	s30 =	sshra.s32 s30, $0x1F  }
0xae: {  	s8 =	sadd.s32 s15, s13;
	s31 =	spop (v2sf);
	s25 =	smul.u32 $0x431A3857, s30  }
0xaf: {  	s28 =	smulhi.u32 $0x431A3857, s18;
	s11 =	sshra.s32 s18, $0x1F;
	s30 =	sshrl.u32 s10, $0x1F  }
0xb0: {  	s15 =	sadd.s32 s19, s16;
	s20 =	spop (v2sf);
	s0 =	smul.u32 $0x431A3857, s11  }
0xb1: {  	s11 =	sadd.s32 s2, s4;
	s1 =	smulhi.u32 $0x431A3857, s31;
	s31 =	sshra.s32 s31, $0x1F  }
0xb2: {  	s4 =	sshrl.u32 s9, $0x1F;
	s16 =	sadd.s32 s22, s21;
	s2 =	smul.u32 $0x431A3857, s31  }
0xb3: {  	s12 =	spop (v2sf);
	s29 =	smulhi.u32 $0x431A3857, s20;
	s20 =	sshra.s32 s20, $0x1F  }
0xb4: {  	s18 =	sshrl.u32 s11, $0x1F;
	s31 =	sshrl.u32 s8, $0x1F;
	s20 =	smul.u32 $0x431A3857, s20  }
0xb5: {  	s23 =	spop (v2sf);
	s19 =	smulhi.u32 $0x431A3857, s12;
	s12 =	sshra.s32 s12, $0x1F  }
0xb6: {  	s13 =	sadd.s32 s25, s24;
	s14 =	spop (v2sf);
	s21 =	smul.u32 $0x431A3857, s12  }
0xb7: {  	s22 =	smulhi.u32 $0x431A3857, s23;
	s23 =	sshra.s32 s23, $0x1F;
	s26 =	spop (v2sf)  }
0xb8: {  	s12 =	sadd.s32 s0, s28;
	s0 =	smul.u32 $0x431A3857, s23;
	s17 =	spop (v2sf)  }
0xb9: {  	s19 =	sadd.s32 s21, s19;
	s21 =	smulhi.u32 $0x431A3857, s14;
	s28 =	spop (v2sf)  }
0xba: {  	s1 =	sadd.s32 s2, s1;
	s2 =	smulhi.u32 $0x431A3857, s28;
	s23 =	sshra.s32 s28, $0x1F  }
0xbb: {  	s24 =	sshrl.u32 s15, $0x1F;
	s25 =	sshrl.u32 s16, $0x1F;
	v11 =	vmov s18;
	s23 =	smul.u32 $0x431A3857, s23  }
0xbc: {  	v11 =	vsel vm0, s4, v11;
	s20 =	sadd.s32 s20, s29;
	s14 =	sshra.s32 s14, $0x1F;
	s4 =	smulhi.u32 $0x431A3857, s26  }
0xbd: {  	s26 =	sshra.s32 s26, $0x1F;
	s28 =	smul.u32 $0x431A3857, s14;
	s14 =	sadd.s32 s23, s2  }
0xbe: {  	s0 =	sadd.s32 s0, s22;
	s18 =	smul.u32 $0x431A3857, s26;
	s29 =	sshra.s32 s14, $0x1F  }
0xbf: {  	v11 =	vsel vm1, s30, v11;
	s30 =	smulhi.u32 $0x431A3857, s17;
	s21 =	sadd.s32 s28, s21;
	s28 =	sshra.s32 s1, $0xD;
	v10 =	vmov s29  }
0xc0: {  	s17 =	sshra.s32 s17, $0x1F;
	s29 =	sshrl.u32 s1, $0x1F;
	s1 =	sshra.s32 s1, $0x1F;
	v10 =	vsel vm3, s28, v10  }
0xc1: {  	v61 =	vmov s25;
	s22 =	sshrl.u32 s20, $0x1F;
	s17 =	smul.u32 $0x431A3857, s17;
	s28 =	sshra.s32 s20, $0xD;
	v10 =	vsel vm9, s1, v10  }
0xc2: {  	v13 =	vsel vm0, s24, v61;
	s25 =	sadd.s32 s18, s4;
	s18 =	sshra.s32 s16, $0xD;
	s20 =	sshra.s32 s20, $0x1F;
	v10 =	vsel vm0, s28, v10  }
0xc3: {  	v11 =	vsel vm2, s31, v11;
	s31 =	sshra.s32 s19, $0xD;
	v63 =	vmov s18;
	s4 =	sadd.s32 s17, s30;
	s17 =	sshra.s32 s11, $0xD;
	v10 =	vsel vm10, s20, v10  }
0xc4: {  	s2 =	sshrl.u32 s13, $0x1F;
	v62 =	vmov s17;
	v60 =	vmov s29;
	s29 =	sshrl.u32 s19, $0x1F;
	s19 =	sshra.s32 s19, $0x1F;
	v10 =	vsel vm1, s31, v10  }
0xc5: {  	s23 =	sshrl.u32 s12, $0x1F;
	v13 =	vsel vm1, s2, v13;
	v12 =	vnsel vm3, $0x0, v60;
	s28 =	sshra.s32 s0, $0xD;
	v10 =	vsel vm11, s19, v10  }
0xc6: {  	v13 =	vsel vm2, s23, v13;
	v12 =	vsel vm0, s22, v12;
	s20 =	sshrl.u32 s0, $0x1F;
	s0 =	sshra.s32 s0, $0x1F;
	v10 =	vsel vm2, s28, v10  }
0xc7: {  	s9 =	sshra.s32 s9, $0xD;
	v11 =	vcombine.low v13, v11;
	v12 =	vsel vm1, s29, v12;
	s31 =	sshra.s32 s21, $0xD;
	v10 =	vsel vm12, s0, v10  }
0xc8: {  	s26 =	sshrl.u32 s21, $0x1F;
	v13 =	vsel vm0, s9, v62;
	s22 =	sshra.s32 s10, $0xD;
	v12 =	vsel vm2, s20, v12;
	s19 =	sshra.s32 s21, $0x1F;
	v10 =	vsel vm4, s31, v10  }
0xc9: {  	s29 =	sshrl.u32 s25, $0x1F;
	v13 =	vsel vm1, s22, v13;
	s20 =	sshra.s32 s15, $0xD;
	v12 =	vsel vm4, s26, v12;
	s21 =	sshra.s32 s25, $0xD;
	v10 =	vsel vm13, s19, v10  }
0xca: {  	s24 =	sshra.s32 s25, $0x1F;
	s23 =	sshra.s32 s13, $0xD;
	v14 =	vsel vm0, s20, v63;
	s25 =	sshra.s32 s8, $0xD;
	v12 =	vsel vm5, s29, v12;
	v10 =	vsel vm5, s21, v10  }
0xcb: {  	s30 =	sshrl.u32 s4, $0x1F;
	s26 =	sshra.s32 s12, $0xD;
	v14 =	vsel vm1, s23, v14;
	s28 =	sshra.s32 s4, $0xD;
	v13 =	vsel vm2, s25, v13;
	v10 =	vsel vm14, s24, v10  }
0xcc: {  	s29 =	sshrl.u32 s14, $0x1F;
	v12 =	vsel vm6, s30, v12;
	v14 =	vsel vm2, s26, v14;
	s30 =	sshra.s32 s4, $0x1F;
	v10 =	vsel vm6, s28, v10  }
0xcd: {  	v12 =	vsel vm7, s29, v12;
	v13 =	vcombine.low v14, v13;
	s31 =	sshra.s32 s14, $0xD;
	v10 =	vsel vm15, s30, v10  }
0xce: {  	v11 =	vperm.xlane v11, v0;
	v12 =	vperm.xlane v12, v1;
	v10 =	vsel vm7, s31, v10  }
0xcf: {  	v13 =	vperm.xlane v13, v0;
	v10 =	vperm.xlane v10, v1;
	_ =	sdelay $0x1  }
0xd0: {  	p0 =	sne.s32 s6, $0x7C0;
	v11 =	vsel vm8, v12, v11;
	v10 =	vsel vm8, v10, v13  }
.Ltmp0:
0xd1: {  	v10 =	vadd.s32 v11, v10;
	(pc) =	sbr.rel @p0 .LBB2_3-.Ltmp0, $3  }
0xd2: {  	v10 =	vmul.u32 $0x7A15, v10;
	_ =	sdelay $0x1  }
0xd3: {  	v9 =	vsub.s32 v9, v10  }
0xd4: {  	s6 =	sadd.s32 $0x40, s6;
	[tilespmem:v8+s7+$0x0 ss:$0x1] =	vst.idx.msk $0xffff, v9  }
0xd5: {  	s5 =	sadd.s32 $0x1, s5  }
0xd6: {  	p0 =	sne.s32 s5, $0x10  }
.Ltmp1:
0xd7: {  	_ = 	snop;
	(pc) =	sbr.rel @p0 .LBB2_2-.Ltmp1, $2  }
0xd8: {  	_ =	sdelay $0x2  }
0xd9: {  	s3 =	sadd.s32 $0x200, s3  }
0xda: {  	s0 =	rddreg [dreg:$0x1]  }
0xdb: {  	s1 =	simm.s32 $0x80;
	s2 =	simm.s32 $0xC00;
	s3 =	simm.s32 $0x2C00  }
0xdc: {  	[tilespmem:s3], [sflag:$0x1] =	stream.indirect.gather [hbm4b:s0+s1], $0x50, s2, s1, $0xb8;
	[tilespmem:$0x16C00] =	vst v63  }
0xdd: {  	s13 =	simm.s32 $0xC80;
	s4 =	simm.s32 $0x5400  }
0xde: {  	[tilespmem:s4], [sflag:$0x1] =	stream.indirect.gather [hbm4b:s0+s1], $0x50, s13, s1, $0xb8;
	[tilespmem:$0x16C00] =	vst v63  }
0xdf: {  	s14 =	simm.s32 $0xD00;
	s5 =	simm.s32 $0x7C00  }
0xe0: {  	[tilespmem:s5], [sflag:$0x1] =	stream.indirect.gather [hbm4b:s0+s1], $0x50, s14, s1, $0xb8;
	[tilespmem:$0x16C00] =	vst v63  }
0xe1: {  	s15 =	simm.s32 $0xD80;
	s6 =	simm.s32 $0xA400  }
0xe2: {  	[tilespmem:s6], [sflag:$0x1] =	stream.indirect.gather [hbm4b:s0+s1], $0x50, s15, s1, $0xb8;
	[tilespmem:$0x16C00] =	vst v63  }
0xe3: {  	s16 =	rddreg [dreg:$0x4];
	s17 =	simm.s32 $0xE00;
	s7 =	simm.s32 $0xCC00  }
0xe4: {  	[tilespmem:s7], [sflag:$0x2] =	stream.indirect.gather [hbm4b:s16+s1], $0x50, s17, s1, $0xb8;
	[tilespmem:$0x16C00] =	vst v63  }
0xe5: {  	s18 =	simm.s32 $0xE80;
	s8 =	simm.s32 $0xF400  }
0xe6: {  	[tilespmem:s8], [sflag:$0x2] =	stream.indirect.gather [hbm4b:s16+s1], $0x50, s18, s1, $0xb8;
	[tilespmem:$0x16C00] =	vst v63  }
0xe7: {  	s19 =	simm.s32 $0xF00;
	s9 =	simm.s32 $0x11C00  }
0xe8: {  	[tilespmem:s9], [sflag:$0x2] =	stream.indirect.gather [hbm4b:s16+s1], $0x50, s19, s1, $0xb8;
	[tilespmem:$0x16C00] =	vst v63  }
0xe9: {  	s20 =	simm.s32 $0xF80;
	s10 =	simm.s32 $0x14400;
	s11 =	simm.s32 $0x1  }
0xea: {  	[tilespmem:s10], [sflag:$0x2] =	stream.indirect.gather [hbm4b:s16+s1], $0x50, s20, s1, $0xb8;
	[tilespmem:$0x16C00] =	vst v63  }
0xeb: {  	_ =	swait.ge [sflag:s11], $0x2800  }
0xec: {  	[sflag:s11] =	ssyncset.done $0x0  }
0xed: {  	[sflag:s11] =	ssyncadd.s32 $0xFFFFD800  }
0xee: {  	_ =	swait.ge [sflag:s11], $0x2800  }
0xef: {  	[sflag:s11] =	ssyncset.done $0x0  }
0xf0: {  	[sflag:s11] =	ssyncadd.s32 $0xFFFFD800  }
0xf1: {  	_ =	swait.ge [sflag:s11], $0x2800  }
0xf2: {  	[sflag:s11] =	ssyncset.done $0x0  }
0xf3: {  	[sflag:s11] =	ssyncadd.s32 $0xFFFFD800  }
0xf4: {  	_ =	swait.ge [sflag:s11], $0x2800  }
0xf5: {  	s12 =	simm.s32 $0x50;
	s2 =	simm.s32 $0x3;
	[sflag:s11] =	ssyncset.done $0x0  }
0xf6: {  	s13 =	simm.s32 $0x500;
	s21 =	rddreg [dreg:$0x16];
	[sflag:s11] =	ssyncadd.s32 $0xFFFFD800  }
0xf7: {  	[hbm4b:s21+s12] =	stream.strided.scatter [tilespmem:s3], [sflag:$0x3], $0xA000, s13, s12, $0x38;
	[tilespmem:$0x16C00] =	vst v63  }
0xf8: {  	_ =	swait.ge [sflag:s2], $0xA000  }
0xf9: {  	[sflag:s2] =	ssyncset.done $0x0  }
0xfa: {  	s14 =	simm.s32 $0x1000;
	s22 =	rddreg [dreg:$0x5];
	[sflag:s2] =	ssyncadd.s32 $0xFFFF6000  }
0xfb: {  	[tilespmem:s3], [sflag:$0x1] =	stream.indirect.gather [hbm4b:s22+s1], $0x50, s14, s1, $0xb8;
	[tilespmem:$0x16C00] =	vst v63  }
0xfc: {  	s23 =	simm.s32 $0x1080  }
0xfd: {  	[tilespmem:s4], [sflag:$0x1] =	stream.indirect.gather [hbm4b:s22+s1], $0x50, s23, s1, $0xb8;
	[tilespmem:$0x16C00] =	vst v63  }
0xfe: {  	s24 =	simm.s32 $0x1100  }
0xff: {  	[tilespmem:s5], [sflag:$0x1] =	stream.indirect.gather [hbm4b:s22+s1], $0x50, s24, s1, $0xb8;
	[tilespmem:$0x16C00] =	vst v63  }
0x100: {  	s25 =	simm.s32 $0x1180;
	s14 =	simm.s32 $0x2  }
0x101: {  	[tilespmem:s6], [sflag:$0x1] =	stream.indirect.gather [hbm4b:s22+s1], $0x50, s25, s1, $0xb8;
	[tilespmem:$0x16C00] =	vst v63  }
0x102: {  	_ =	swait.ge [sflag:s14], $0x2800  }
0x103: {  	[sflag:s14] =	ssyncset.done $0x0  }
0x104: {  	[sflag:s14] =	ssyncadd.s32 $0xFFFFD800  }
0x105: {  	_ =	swait.ge [sflag:s14], $0x2800  }
0x106: {  	[sflag:s14] =	ssyncset.done $0x0  }
0x107: {  	[sflag:s14] =	ssyncadd.s32 $0xFFFFD800  }
0x108: {  	_ =	swait.ge [sflag:s14], $0x2800  }
0x109: {  	[sflag:s14] =	ssyncset.done $0x0  }
0x10a: {  	[sflag:s14] =	ssyncadd.s32 $0xFFFFD800  }
0x10b: {  	_ =	swait.ge [sflag:s14], $0x2800  }
0x10c: {  	[sflag:s14] =	ssyncset.done $0x0  }
0x10d: {  	s26 =	rddreg [dreg:$0x17];
	[sflag:s14] =	ssyncadd.s32 $0xFFFFD800  }
0x10e: {  	[hbm4b:s26+s12] =	stream.strided.scatter [tilespmem:s7], [sflag:$0x3], $0xA000, s13, s12, $0x38;
	[tilespmem:$0x16C00] =	vst v63  }
0x10f: {  	_ =	swait.ge [sflag:s2], $0xA000  }
0x110: {  	[sflag:s2] =	ssyncset.done $0x0  }
0x111: {  	s15 =	simm.s32 $0x1200;
	s28 =	rddreg [dreg:$0x6];
	[sflag:s2] =	ssyncadd.s32 $0xFFFF6000  }
0x112: {  	[tilespmem:s7], [sflag:$0x2] =	stream.indirect.gather [hbm4b:s28+s1], $0x50, s15, s1, $0xb8;
	[tilespmem:$0x16C00] =	vst v63  }
0x113: {  	s29 =	simm.s32 $0x1280  }
0x114: {  	[tilespmem:s8], [sflag:$0x2] =	stream.indirect.gather [hbm4b:s28+s1], $0x50, s29, s1, $0xb8;
	[tilespmem:$0x16C00] =	vst v63  }
0x115: {  	s30 =	simm.s32 $0x1300  }
0x116: {  	[tilespmem:s9], [sflag:$0x2] =	stream.indirect.gather [hbm4b:s28+s1], $0x50, s30, s1, $0xb8;
	[tilespmem:$0x16C00] =	vst v63  }
0x117: {  	s31 =	simm.s32 $0x1380  }
0x118: {  	[tilespmem:s10], [sflag:$0x2] =	stream.indirect.gather [hbm4b:s28+s1], $0x50, s31, s1, $0xb8;
	[tilespmem:$0x16C00] =	vst v63  }
0x119: {  	_ =	swait.ge [sflag:s11], $0x2800  }
0x11a: {  	[sflag:s11] =	ssyncset.done $0x0  }
0x11b: {  	[sflag:s11] =	ssyncadd.s32 $0xFFFFD800  }
0x11c: {  	_ =	swait.ge [sflag:s11], $0x2800  }
0x11d: {  	[sflag:s11] =	ssyncset.done $0x0  }
0x11e: {  	[sflag:s11] =	ssyncadd.s32 $0xFFFFD800  }
0x11f: {  	_ =	swait.ge [sflag:s11], $0x2800  }
0x120: {  	[sflag:s11] =	ssyncset.done $0x0  }
0x121: {  	[sflag:s11] =	ssyncadd.s32 $0xFFFFD800  }
0x122: {  	_ =	swait.ge [sflag:s11], $0x2800  }
0x123: {  	[sflag:s11] =	ssyncset.done $0x0  }
0x124: {  	s16 =	rddreg [dreg:$0x18];
	[sflag:s11] =	ssyncadd.s32 $0xFFFFD800  }
0x125: {  	[hbm4b:s16+s12] =	stream.strided.scatter [tilespmem:s3], [sflag:$0x3], $0xA000, s13, s12, $0x38;
	[tilespmem:$0x16C00] =	vst v63  }
0x126: {  	_ =	swait.ge [sflag:s2], $0xA000  }
0x127: {  	[sflag:s2] =	ssyncset.done $0x0  }
0x128: {  	s18 =	simm.s32 $0x1400;
	s17 =	rddreg [dreg:$0x7];
	[sflag:s2] =	ssyncadd.s32 $0xFFFF6000  }
0x129: {  	[tilespmem:s3], [sflag:$0x1] =	stream.indirect.gather [hbm4b:s17+s1], $0x50, s18, s1, $0xb8;
	[tilespmem:$0x16C00] =	vst v63  }
0x12a: {  	s19 =	simm.s32 $0x1480  }
0x12b: {  	[tilespmem:s4], [sflag:$0x1] =	stream.indirect.gather [hbm4b:s17+s1], $0x50, s19, s1, $0xb8;
	[tilespmem:$0x16C00] =	vst v63  }
0x12c: {  	s20 =	simm.s32 $0x1500  }
0x12d: {  	[tilespmem:s5], [sflag:$0x1] =	stream.indirect.gather [hbm4b:s17+s1], $0x50, s20, s1, $0xb8;
	[tilespmem:$0x16C00] =	vst v63  }
0x12e: {  	s21 =	simm.s32 $0x1580  }
0x12f: {  	[tilespmem:s6], [sflag:$0x1] =	stream.indirect.gather [hbm4b:s17+s1], $0x50, s21, s1, $0xb8;
	[tilespmem:$0x16C00] =	vst v63  }
0x130: {  	_ =	swait.ge [sflag:s14], $0x2800  }
0x131: {  	[sflag:s14] =	ssyncset.done $0x0  }
0x132: {  	[sflag:s14] =	ssyncadd.s32 $0xFFFFD800  }
0x133: {  	_ =	swait.ge [sflag:s14], $0x2800  }
0x134: {  	[sflag:s14] =	ssyncset.done $0x0  }
0x135: {  	[sflag:s14] =	ssyncadd.s32 $0xFFFFD800  }
0x136: {  	_ =	swait.ge [sflag:s14], $0x2800  }
0x137: {  	[sflag:s14] =	ssyncset.done $0x0  }
0x138: {  	[sflag:s14] =	ssyncadd.s32 $0xFFFFD800  }
0x139: {  	_ =	swait.ge [sflag:s14], $0x2800  }
0x13a: {  	[sflag:s14] =	ssyncset.done $0x0  }
0x13b: {  	s22 =	rddreg [dreg:$0x19];
	[sflag:s14] =	ssyncadd.s32 $0xFFFFD800  }
0x13c: {  	[hbm4b:s22+s12] =	stream.strided.scatter [tilespmem:s7], [sflag:$0x3], $0xA000, s13, s12, $0x38;
	[tilespmem:$0x16C00] =	vst v63  }
0x13d: {  	_ =	swait.ge [sflag:s2], $0xA000  }
0x13e: {  	[sflag:s2] =	ssyncset.done $0x0  }
0x13f: {  	s24 =	simm.s32 $0x1600;
	s23 =	rddreg [dreg:$0x8];
	[sflag:s2] =	ssyncadd.s32 $0xFFFF6000  }
0x140: {  	[tilespmem:s7], [sflag:$0x2] =	stream.indirect.gather [hbm4b:s23+s1], $0x50, s24, s1, $0xb8;
	[tilespmem:$0x16C00] =	vst v63  }
0x141: {  	s25 =	simm.s32 $0x1680  }
0x142: {  	[tilespmem:s8], [sflag:$0x2] =	stream.indirect.gather [hbm4b:s23+s1], $0x50, s25, s1, $0xb8;
	[tilespmem:$0x16C00] =	vst v63  }
0x143: {  	s26 =	simm.s32 $0x1700  }
0x144: {  	[tilespmem:s9], [sflag:$0x2] =	stream.indirect.gather [hbm4b:s23+s1], $0x50, s26, s1, $0xb8;
	[tilespmem:$0x16C00] =	vst v63  }
0x145: {  	s28 =	simm.s32 $0x1780  }
0x146: {  	[tilespmem:s10], [sflag:$0x2] =	stream.indirect.gather [hbm4b:s23+s1], $0x50, s28, s1, $0xb8;
	[tilespmem:$0x16C00] =	vst v63  }
0x147: {  	_ =	swait.ge [sflag:s11], $0x2800  }
0x148: {  	[sflag:s11] =	ssyncset.done $0x0  }
0x149: {  	[sflag:s11] =	ssyncadd.s32 $0xFFFFD800  }
0x14a: {  	_ =	swait.ge [sflag:s11], $0x2800  }
0x14b: {  	[sflag:s11] =	ssyncset.done $0x0  }
0x14c: {  	[sflag:s11] =	ssyncadd.s32 $0xFFFFD800  }
0x14d: {  	_ =	swait.ge [sflag:s11], $0x2800  }
0x14e: {  	[sflag:s11] =	ssyncset.done $0x0  }
0x14f: {  	[sflag:s11] =	ssyncadd.s32 $0xFFFFD800  }
0x150: {  	_ =	swait.ge [sflag:s11], $0x2800  }
0x151: {  	[sflag:s11] =	ssyncset.done $0x0  }
0x152: {  	s29 =	rddreg [dreg:$0x1a];
	[sflag:s11] =	ssyncadd.s32 $0xFFFFD800  }
0x153: {  	[hbm4b:s29+s12] =	stream.strided.scatter [tilespmem:s3], [sflag:$0x3], $0xA000, s13, s12, $0x38;
	[tilespmem:$0x16C00] =	vst v63  }
0x154: {  	_ =	swait.ge [sflag:s2], $0xA000  }
0x155: {  	[sflag:s2] =	ssyncset.done $0x0  }
0x156: {  	s31 =	simm.s32 $0x1800;
	s30 =	rddreg [dreg:$0x9];
	[sflag:s2] =	ssyncadd.s32 $0xFFFF6000  }
0x157: {  	[tilespmem:s3], [sflag:$0x1] =	stream.indirect.gather [hbm4b:s30+s1], $0x50, s31, s1, $0xb8;
	[tilespmem:$0x16C00] =	vst v63  }
0x158: {  	s16 =	simm.s32 $0x1880  }
0x159: {  	[tilespmem:s4], [sflag:$0x1] =	stream.indirect.gather [hbm4b:s30+s1], $0x50, s16, s1, $0xb8;
	[tilespmem:$0x16C00] =	vst v63  }
0x15a: {  	s17 =	simm.s32 $0x1900  }
0x15b: {  	[tilespmem:s5], [sflag:$0x1] =	stream.indirect.gather [hbm4b:s30+s1], $0x50, s17, s1, $0xb8;
	[tilespmem:$0x16C00] =	vst v63  }
0x15c: {  	s18 =	simm.s32 $0x1980  }
0x15d: {  	[tilespmem:s6], [sflag:$0x1] =	stream.indirect.gather [hbm4b:s30+s1], $0x50, s18, s1, $0xb8;
	[tilespmem:$0x16C00] =	vst v63  }
0x15e: {  	_ =	swait.ge [sflag:s14], $0x2800  }
0x15f: {  	[sflag:s14] =	ssyncset.done $0x0  }
0x160: {  	[sflag:s14] =	ssyncadd.s32 $0xFFFFD800  }
0x161: {  	_ =	swait.ge [sflag:s14], $0x2800  }
0x162: {  	[sflag:s14] =	ssyncset.done $0x0  }
0x163: {  	[sflag:s14] =	ssyncadd.s32 $0xFFFFD800  }
0x164: {  	_ =	swait.ge [sflag:s14], $0x2800  }
0x165: {  	[sflag:s14] =	ssyncset.done $0x0  }
0x166: {  	[sflag:s14] =	ssyncadd.s32 $0xFFFFD800  }
0x167: {  	_ =	swait.ge [sflag:s14], $0x2800  }
0x168: {  	[sflag:s14] =	ssyncset.done $0x0  }
0x169: {  	s19 =	rddreg [dreg:$0x1b];
	[sflag:s14] =	ssyncadd.s32 $0xFFFFD800  }
0x16a: {  	[hbm4b:s19+s12] =	stream.strided.scatter [tilespmem:s7], [sflag:$0x3], $0xA000, s13, s12, $0x38;
	[tilespmem:$0x16C00] =	vst v63  }
0x16b: {  	_ =	swait.ge [sflag:s2], $0xA000  }
0x16c: {  	[sflag:s2] =	ssyncset.done $0x0  }
0x16d: {  	s21 =	simm.s32 $0x1A00;
	s20 =	rddreg [dreg:$0xa];
	[sflag:s2] =	ssyncadd.s32 $0xFFFF6000  }
0x16e: {  	[tilespmem:s7], [sflag:$0x2] =	stream.indirect.gather [hbm4b:s20+s1], $0x50, s21, s1, $0xb8;
	[tilespmem:$0x16C00] =	vst v63  }
0x16f: {  	s22 =	simm.s32 $0x1A80  }
0x170: {  	[tilespmem:s8], [sflag:$0x2] =	stream.indirect.gather [hbm4b:s20+s1], $0x50, s22, s1, $0xb8;
	[tilespmem:$0x16C00] =	vst v63  }
0x171: {  	s23 =	simm.s32 $0x1B00  }
0x172: {  	[tilespmem:s9], [sflag:$0x2] =	stream.indirect.gather [hbm4b:s20+s1], $0x50, s23, s1, $0xb8;
	[tilespmem:$0x16C00] =	vst v63  }
0x173: {  	s24 =	simm.s32 $0x1B80  }
0x174: {  	[tilespmem:s10], [sflag:$0x2] =	stream.indirect.gather [hbm4b:s20+s1], $0x50, s24, s1, $0xb8;
	[tilespmem:$0x16C00] =	vst v63  }
0x175: {  	_ =	swait.ge [sflag:s11], $0x2800  }
0x176: {  	[sflag:s11] =	ssyncset.done $0x0  }
0x177: {  	[sflag:s11] =	ssyncadd.s32 $0xFFFFD800  }
0x178: {  	_ =	swait.ge [sflag:s11], $0x2800  }
0x179: {  	[sflag:s11] =	ssyncset.done $0x0  }
0x17a: {  	[sflag:s11] =	ssyncadd.s32 $0xFFFFD800  }
0x17b: {  	_ =	swait.ge [sflag:s11], $0x2800  }
0x17c: {  	[sflag:s11] =	ssyncset.done $0x0  }
0x17d: {  	[sflag:s11] =	ssyncadd.s32 $0xFFFFD800  }
0x17e: {  	_ =	swait.ge [sflag:s11], $0x2800  }
0x17f: {  	[sflag:s11] =	ssyncset.done $0x0  }
0x180: {  	s25 =	rddreg [dreg:$0x1c];
	[sflag:s11] =	ssyncadd.s32 $0xFFFFD800  }
0x181: {  	[hbm4b:s25+s12] =	stream.strided.scatter [tilespmem:s3], [sflag:$0x3], $0xA000, s13, s12, $0x38;
	[tilespmem:$0x16C00] =	vst v63  }
0x182: {  	_ =	swait.ge [sflag:s2], $0xA000  }
0x183: {  	[sflag:s2] =	ssyncset.done $0x0  }
0x184: {  	s28 =	simm.s32 $0x1C00;
	s26 =	rddreg [dreg:$0xb];
	[sflag:s2] =	ssyncadd.s32 $0xFFFF6000  }
0x185: {  	[tilespmem:s3], [sflag:$0x1] =	stream.indirect.gather [hbm4b:s26+s1], $0x50, s28, s1, $0xb8;
	[tilespmem:$0x16C00] =	vst v63  }
0x186: {  	s29 =	simm.s32 $0x1C80  }
0x187: {  	[tilespmem:s4], [sflag:$0x1] =	stream.indirect.gather [hbm4b:s26+s1], $0x50, s29, s1, $0xb8;
	[tilespmem:$0x16C00] =	vst v63  }
0x188: {  	s30 =	simm.s32 $0x1D00  }
0x189: {  	[tilespmem:s5], [sflag:$0x1] =	stream.indirect.gather [hbm4b:s26+s1], $0x50, s30, s1, $0xb8;
	[tilespmem:$0x16C00] =	vst v63  }
0x18a: {  	s31 =	simm.s32 $0x1D80  }
0x18b: {  	[tilespmem:s6], [sflag:$0x1] =	stream.indirect.gather [hbm4b:s26+s1], $0x50, s31, s1, $0xb8;
	[tilespmem:$0x16C00] =	vst v63  }
0x18c: {  	_ =	swait.ge [sflag:s14], $0x2800  }
0x18d: {  	[sflag:s14] =	ssyncset.done $0x0  }
0x18e: {  	[sflag:s14] =	ssyncadd.s32 $0xFFFFD800  }
0x18f: {  	_ =	swait.ge [sflag:s14], $0x2800  }
0x190: {  	[sflag:s14] =	ssyncset.done $0x0  }
0x191: {  	[sflag:s14] =	ssyncadd.s32 $0xFFFFD800  }
0x192: {  	_ =	swait.ge [sflag:s14], $0x2800  }
0x193: {  	[sflag:s14] =	ssyncset.done $0x0  }
0x194: {  	[sflag:s14] =	ssyncadd.s32 $0xFFFFD800  }
0x195: {  	_ =	swait.ge [sflag:s14], $0x2800  }
0x196: {  	[sflag:s14] =	ssyncset.done $0x0  }
0x197: {  	s16 =	rddreg [dreg:$0x1d];
	[sflag:s14] =	ssyncadd.s32 $0xFFFFD800  }
0x198: {  	[hbm4b:s16+s12] =	stream.strided.scatter [tilespmem:s7], [sflag:$0x3], $0xA000, s13, s12, $0x38;
	[tilespmem:$0x16C00] =	vst v63  }
0x199: {  	_ =	swait.ge [sflag:s2], $0xA000  }
0x19a: {  	[sflag:s2] =	ssyncset.done $0x0  }
0x19b: {  	s18 =	simm.s32 $0x1E00;
	s17 =	rddreg [dreg:$0xe];
	[sflag:s2] =	ssyncadd.s32 $0xFFFF6000  }
0x19c: {  	[tilespmem:s7], [sflag:$0x2] =	stream.indirect.gather [hbm4b:s17+s1], $0x50, s18, s1, $0xb8;
	[tilespmem:$0x16C00] =	vst v63  }
0x19d: {  	s19 =	simm.s32 $0x1E80  }
0x19e: {  	[tilespmem:s8], [sflag:$0x2] =	stream.indirect.gather [hbm4b:s17+s1], $0x50, s19, s1, $0xb8;
	[tilespmem:$0x16C00] =	vst v63  }
0x19f: {  	s20 =	simm.s32 $0x1F00  }
0x1a0: {  	[tilespmem:s9], [sflag:$0x2] =	stream.indirect.gather [hbm4b:s17+s1], $0x50, s20, s1, $0xb8;
	[tilespmem:$0x16C00] =	vst v63  }
0x1a1: {  	s21 =	simm.s32 $0x1F80  }
0x1a2: {  	[tilespmem:s10], [sflag:$0x2] =	stream.indirect.gather [hbm4b:s17+s1], $0x50, s21, s1, $0xb8;
	[tilespmem:$0x16C00] =	vst v63  }
0x1a3: {  	_ =	swait.ge [sflag:s11], $0x2800  }
0x1a4: {  	[sflag:s11] =	ssyncset.done $0x0  }
0x1a5: {  	[sflag:s11] =	ssyncadd.s32 $0xFFFFD800  }
0x1a6: {  	_ =	swait.ge [sflag:s11], $0x2800  }
0x1a7: {  	[sflag:s11] =	ssyncset.done $0x0  }
0x1a8: {  	[sflag:s11] =	ssyncadd.s32 $0xFFFFD800  }
0x1a9: {  	_ =	swait.ge [sflag:s11], $0x2800  }
0x1aa: {  	[sflag:s11] =	ssyncset.done $0x0  }
0x1ab: {  	[sflag:s11] =	ssyncadd.s32 $0xFFFFD800  }
0x1ac: {  	_ =	swait.ge [sflag:s11], $0x2800  }
0x1ad: {  	[sflag:s11] =	ssyncset.done $0x0  }
0x1ae: {  	s22 =	rddreg [dreg:$0x1e];
	[sflag:s11] =	ssyncadd.s32 $0xFFFFD800  }
0x1af: {  	[hbm4b:s22+s12] =	stream.strided.scatter [tilespmem:s3], [sflag:$0x3], $0xA000, s13, s12, $0x38;
	[tilespmem:$0x16C00] =	vst v63  }
0x1b0: {  	_ =	swait.ge [sflag:s2], $0xA000  }
0x1b1: {  	[sflag:s2] =	ssyncset.done $0x0  }
0x1b2: {  	s24 =	simm.s32 $0x2000;
	s23 =	rddreg [dreg:$0xc];
	[sflag:s2] =	ssyncadd.s32 $0xFFFF6000  }
0x1b3: {  	[tilespmem:s3], [sflag:$0x1] =	stream.indirect.gather [hbm4b:s23+s1], $0x50, s24, s1, $0xb8;
	[tilespmem:$0x16C00] =	vst v63  }
0x1b4: {  	s25 =	simm.s32 $0x2080  }
0x1b5: {  	[tilespmem:s4], [sflag:$0x1] =	stream.indirect.gather [hbm4b:s23+s1], $0x50, s25, s1, $0xb8;
	[tilespmem:$0x16C00] =	vst v63  }
0x1b6: {  	s26 =	simm.s32 $0x2100  }
0x1b7: {  	[tilespmem:s5], [sflag:$0x1] =	stream.indirect.gather [hbm4b:s23+s1], $0x50, s26, s1, $0xb8;
	[tilespmem:$0x16C00] =	vst v63  }
0x1b8: {  	s28 =	simm.s32 $0x2180  }
0x1b9: {  	[tilespmem:s6], [sflag:$0x1] =	stream.indirect.gather [hbm4b:s23+s1], $0x50, s28, s1, $0xb8;
	[tilespmem:$0x16C00] =	vst v63  }
0x1ba: {  	_ =	swait.ge [sflag:s14], $0x2800  }
0x1bb: {  	[sflag:s14] =	ssyncset.done $0x0  }
0x1bc: {  	[sflag:s14] =	ssyncadd.s32 $0xFFFFD800  }
0x1bd: {  	_ =	swait.ge [sflag:s14], $0x2800  }
0x1be: {  	[sflag:s14] =	ssyncset.done $0x0  }
0x1bf: {  	[sflag:s14] =	ssyncadd.s32 $0xFFFFD800  }
0x1c0: {  	_ =	swait.ge [sflag:s14], $0x2800  }
0x1c1: {  	[sflag:s14] =	ssyncset.done $0x0  }
0x1c2: {  	[sflag:s14] =	ssyncadd.s32 $0xFFFFD800  }
0x1c3: {  	_ =	swait.ge [sflag:s14], $0x2800  }
0x1c4: {  	[sflag:s14] =	ssyncset.done $0x0  }
0x1c5: {  	s29 =	rddreg [dreg:$0x1f];
	[sflag:s14] =	ssyncadd.s32 $0xFFFFD800  }
0x1c6: {  	[hbm4b:s29+s12] =	stream.strided.scatter [tilespmem:s7], [sflag:$0x3], $0xA000, s13, s12, $0x38;
	[tilespmem:$0x16C00] =	vst v63  }
0x1c7: {  	_ =	swait.ge [sflag:s2], $0xA000  }
0x1c8: {  	[sflag:s2] =	ssyncset.done $0x0  }
0x1c9: {  	s31 =	simm.s32 $0x2200;
	s30 =	rddreg [dreg:$0xd];
	[sflag:s2] =	ssyncadd.s32 $0xFFFF6000  }
0x1ca: {  	[tilespmem:s7], [sflag:$0x2] =	stream.indirect.gather [hbm4b:s30+s1], $0x50, s31, s1, $0xb8;
	[tilespmem:$0x16C00] =	vst v63  }
0x1cb: {  	s16 =	simm.s32 $0x2280  }
0x1cc: {  	[tilespmem:s8], [sflag:$0x2] =	stream.indirect.gather [hbm4b:s30+s1], $0x50, s16, s1, $0xb8;
	[tilespmem:$0x16C00] =	vst v63  }
0x1cd: {  	s17 =	simm.s32 $0x2300  }
0x1ce: {  	[tilespmem:s9], [sflag:$0x2] =	stream.indirect.gather [hbm4b:s30+s1], $0x50, s17, s1, $0xb8;
	[tilespmem:$0x16C00] =	vst v63  }
0x1cf: {  	s18 =	simm.s32 $0x2380  }
0x1d0: {  	[tilespmem:s10], [sflag:$0x2] =	stream.indirect.gather [hbm4b:s30+s1], $0x50, s18, s1, $0xb8;
	[tilespmem:$0x16C00] =	vst v63  }
0x1d1: {  	_ =	swait.ge [sflag:s11], $0x2800  }
0x1d2: {  	[sflag:s11] =	ssyncset.done $0x0  }
0x1d3: {  	[sflag:s11] =	ssyncadd.s32 $0xFFFFD800  }
0x1d4: {  	_ =	swait.ge [sflag:s11], $0x2800  }
0x1d5: {  	[sflag:s11] =	ssyncset.done $0x0  }
0x1d6: {  	[sflag:s11] =	ssyncadd.s32 $0xFFFFD800  }
0x1d7: {  	_ =	swait.ge [sflag:s11], $0x2800  }
0x1d8: {  	[sflag:s11] =	ssyncset.done $0x0  }
0x1d9: {  	[sflag:s11] =	ssyncadd.s32 $0xFFFFD800  }
0x1da: {  	_ =	swait.ge [sflag:s11], $0x2800  }
0x1db: {  	s19 =	sld [smem:$0x7F7]  }
0x1dc: {  	[sflag:s11] =	ssyncset.done $0x0  }
0x1dd: {  	[sflag:s11] =	ssyncadd.s32 $0xFFFFD800  }
0x1de: {  	[hbm4b:s19+s12] =	stream.strided.scatter [tilespmem:s3], [sflag:$0x3], $0xA000, s13, s12, $0x38;
	[tilespmem:$0x16C00] =	vst v63  }
0x1df: {  	_ =	swait.ge [sflag:s2], $0xA000  }
0x1e0: {  	[sflag:s2] =	ssyncset.done $0x0  }
0x1e1: {  	s21 =	simm.s32 $0x2400;
	s20 =	rddreg [dreg:$0xf];
	[sflag:s2] =	ssyncadd.s32 $0xFFFF6000  }
0x1e2: {  	[tilespmem:s3], [sflag:$0x1] =	stream.indirect.gather [hbm4b:s20+s1], $0x50, s21, s1, $0xb8;
	[tilespmem:$0x16C00] =	vst v63  }
0x1e3: {  	s22 =	simm.s32 $0x2480  }
0x1e4: {  	[tilespmem:s4], [sflag:$0x1] =	stream.indirect.gather [hbm4b:s20+s1], $0x50, s22, s1, $0xb8;
	[tilespmem:$0x16C00] =	vst v63  }
0x1e5: {  	s23 =	simm.s32 $0x2500  }
0x1e6: {  	[tilespmem:s5], [sflag:$0x1] =	stream.indirect.gather [hbm4b:s20+s1], $0x50, s23, s1, $0xb8;
	[tilespmem:$0x16C00] =	vst v63  }
0x1e7: {  	s24 =	simm.s32 $0x2580  }
0x1e8: {  	[tilespmem:s6], [sflag:$0x1] =	stream.indirect.gather [hbm4b:s20+s1], $0x50, s24, s1, $0xb8;
	[tilespmem:$0x16C00] =	vst v63  }
0x1e9: {  	_ =	swait.ge [sflag:s14], $0x2800  }
0x1ea: {  	[sflag:s14] =	ssyncset.done $0x0  }
0x1eb: {  	[sflag:s14] =	ssyncadd.s32 $0xFFFFD800  }
0x1ec: {  	_ =	swait.ge [sflag:s14], $0x2800  }
0x1ed: {  	[sflag:s14] =	ssyncset.done $0x0  }
0x1ee: {  	[sflag:s14] =	ssyncadd.s32 $0xFFFFD800  }
0x1ef: {  	_ =	swait.ge [sflag:s14], $0x2800  }
0x1f0: {  	[sflag:s14] =	ssyncset.done $0x0  }
0x1f1: {  	[sflag:s14] =	ssyncadd.s32 $0xFFFFD800  }
0x1f2: {  	_ =	swait.ge [sflag:s14], $0x2800  }
0x1f3: {  	s25 =	sld [smem:$0x7F8]  }
0x1f4: {  	[sflag:s14] =	ssyncset.done $0x0  }
0x1f5: {  	[sflag:s14] =	ssyncadd.s32 $0xFFFFD800  }
0x1f6: {  	[hbm4b:s25+s12] =	stream.strided.scatter [tilespmem:s7], [sflag:$0x3], $0xA000, s13, s12, $0x38;
	[tilespmem:$0x16C00] =	vst v63  }
0x1f7: {  	_ =	swait.ge [sflag:s2], $0xA000  }
0x1f8: {  	[sflag:s2] =	ssyncset.done $0x0  }
0x1f9: {  	s28 =	simm.s32 $0x2600;
	s26 =	rddreg [dreg:$0x10];
	[sflag:s2] =	ssyncadd.s32 $0xFFFF6000  }
0x1fa: {  	[tilespmem:s7], [sflag:$0x2] =	stream.indirect.gather [hbm4b:s26+s1], $0x50, s28, s1, $0xb8;
	[tilespmem:$0x16C00] =	vst v63  }
0x1fb: {  	s29 =	simm.s32 $0x2680  }
0x1fc: {  	[tilespmem:s8], [sflag:$0x2] =	stream.indirect.gather [hbm4b:s26+s1], $0x50, s29, s1, $0xb8;
	[tilespmem:$0x16C00] =	vst v63  }
0x1fd: {  	s30 =	simm.s32 $0x2700  }
0x1fe: {  	[tilespmem:s9], [sflag:$0x2] =	stream.indirect.gather [hbm4b:s26+s1], $0x50, s30, s1, $0xb8;
	[tilespmem:$0x16C00] =	vst v63  }
0x1ff: {  	s31 =	simm.s32 $0x2780  }
0x200: {  	[tilespmem:s10], [sflag:$0x2] =	stream.indirect.gather [hbm4b:s26+s1], $0x50, s31, s1, $0xb8;
	[tilespmem:$0x16C00] =	vst v63  }
0x201: {  	_ =	swait.ge [sflag:s11], $0x2800  }
0x202: {  	[sflag:s11] =	ssyncset.done $0x0  }
0x203: {  	[sflag:s11] =	ssyncadd.s32 $0xFFFFD800  }
0x204: {  	_ =	swait.ge [sflag:s11], $0x2800  }
0x205: {  	[sflag:s11] =	ssyncset.done $0x0  }
0x206: {  	[sflag:s11] =	ssyncadd.s32 $0xFFFFD800  }
0x207: {  	_ =	swait.ge [sflag:s11], $0x2800  }
0x208: {  	[sflag:s11] =	ssyncset.done $0x0  }
0x209: {  	[sflag:s11] =	ssyncadd.s32 $0xFFFFD800  }
0x20a: {  	_ =	swait.ge [sflag:s11], $0x2800  }
0x20b: {  	s15 =	sld [smem:$0x7F9]  }
0x20c: {  	[sflag:s11] =	ssyncset.done $0x0  }
0x20d: {  	[sflag:s11] =	ssyncadd.s32 $0xFFFFD800  }
0x20e: {  	[hbm4b:s15+s12] =	stream.strided.scatter [tilespmem:s3], [sflag:$0x3], $0xA000, s13, s12, $0x38;
	[tilespmem:$0x16C00] =	vst v63  }
0x20f: {  	_ =	swait.ge [sflag:s2], $0xA000  }
0x210: {  	[sflag:s2] =	ssyncset.done $0x0  }
0x211: {  	s17 =	simm.s32 $0x2800;
	s16 =	rddreg [dreg:$0x11];
	[sflag:s2] =	ssyncadd.s32 $0xFFFF6000  }
0x212: {  	[tilespmem:s3], [sflag:$0x1] =	stream.indirect.gather [hbm4b:s16+s1], $0x50, s17, s1, $0xb8;
	[tilespmem:$0x16C00] =	vst v63  }
0x213: {  	s18 =	simm.s32 $0x2880  }
0x214: {  	[tilespmem:s4], [sflag:$0x1] =	stream.indirect.gather [hbm4b:s16+s1], $0x50, s18, s1, $0xb8;
	[tilespmem:$0x16C00] =	vst v63  }
0x215: {  	s19 =	simm.s32 $0x2900  }
0x216: {  	[tilespmem:s5], [sflag:$0x1] =	stream.indirect.gather [hbm4b:s16+s1], $0x50, s19, s1, $0xb8;
	[tilespmem:$0x16C00] =	vst v63  }
0x217: {  	s20 =	simm.s32 $0x2980  }
0x218: {  	[tilespmem:s6], [sflag:$0x1] =	stream.indirect.gather [hbm4b:s16+s1], $0x50, s20, s1, $0xb8;
	[tilespmem:$0x16C00] =	vst v63  }
0x219: {  	_ =	swait.ge [sflag:s14], $0x2800  }
0x21a: {  	[sflag:s14] =	ssyncset.done $0x0  }
0x21b: {  	[sflag:s14] =	ssyncadd.s32 $0xFFFFD800  }
0x21c: {  	_ =	swait.ge [sflag:s14], $0x2800  }
0x21d: {  	[sflag:s14] =	ssyncset.done $0x0  }
0x21e: {  	[sflag:s14] =	ssyncadd.s32 $0xFFFFD800  }
0x21f: {  	_ =	swait.ge [sflag:s14], $0x2800  }
0x220: {  	[sflag:s14] =	ssyncset.done $0x0  }
0x221: {  	[sflag:s14] =	ssyncadd.s32 $0xFFFFD800  }
0x222: {  	_ =	swait.ge [sflag:s14], $0x2800  }
0x223: {  	s21 =	sld [smem:$0x7FA]  }
0x224: {  	[sflag:s14] =	ssyncset.done $0x0  }
0x225: {  	[sflag:s14] =	ssyncadd.s32 $0xFFFFD800  }
0x226: {  	[hbm4b:s21+s12] =	stream.strided.scatter [tilespmem:s7], [sflag:$0x3], $0xA000, s13, s12, $0x38;
	[tilespmem:$0x16C00] =	vst v63  }
0x227: {  	_ =	swait.ge [sflag:s2], $0xA000  }
0x228: {  	[sflag:s2] =	ssyncset.done $0x0  }
0x229: {  	s23 =	simm.s32 $0x2A00;
	s22 =	rddreg [dreg:$0x12];
	[sflag:s2] =	ssyncadd.s32 $0xFFFF6000  }
0x22a: {  	[tilespmem:s7], [sflag:$0x2] =	stream.indirect.gather [hbm4b:s22+s1], $0x50, s23, s1, $0xb8;
	[tilespmem:$0x16C00] =	vst v63  }
0x22b: {  	s24 =	simm.s32 $0x2A80  }
0x22c: {  	[tilespmem:s8], [sflag:$0x2] =	stream.indirect.gather [hbm4b:s22+s1], $0x50, s24, s1, $0xb8;
	[tilespmem:$0x16C00] =	vst v63  }
0x22d: {  	s25 =	simm.s32 $0x2B00  }
0x22e: {  	[tilespmem:s9], [sflag:$0x2] =	stream.indirect.gather [hbm4b:s22+s1], $0x50, s25, s1, $0xb8;
	[tilespmem:$0x16C00] =	vst v63  }
0x22f: {  	s26 =	simm.s32 $0x2B80  }
0x230: {  	[tilespmem:s10], [sflag:$0x2] =	stream.indirect.gather [hbm4b:s22+s1], $0x50, s26, s1, $0xb8;
	[tilespmem:$0x16C00] =	vst v63  }
0x231: {  	_ =	swait.ge [sflag:s11], $0x2800  }
0x232: {  	[sflag:s11] =	ssyncset.done $0x0  }
0x233: {  	[sflag:s11] =	ssyncadd.s32 $0xFFFFD800  }
0x234: {  	_ =	swait.ge [sflag:s11], $0x2800  }
0x235: {  	[sflag:s11] =	ssyncset.done $0x0  }
0x236: {  	[sflag:s11] =	ssyncadd.s32 $0xFFFFD800  }
0x237: {  	_ =	swait.ge [sflag:s11], $0x2800  }
0x238: {  	[sflag:s11] =	ssyncset.done $0x0  }
0x239: {  	[sflag:s11] =	ssyncadd.s32 $0xFFFFD800  }
0x23a: {  	_ =	swait.ge [sflag:s11], $0x2800  }
0x23b: {  	s28 =	sld [smem:$0x7FB]  }
0x23c: {  	[sflag:s11] =	ssyncset.done $0x0  }
0x23d: {  	[sflag:s11] =	ssyncadd.s32 $0xFFFFD800  }
0x23e: {  	[hbm4b:s28+s12] =	stream.strided.scatter [tilespmem:s3], [sflag:$0x3], $0xA000, s13, s12, $0x38;
	[tilespmem:$0x16C00] =	vst v63  }
0x23f: {  	_ =	swait.ge [sflag:s2], $0xA000  }
0x240: {  	[sflag:s2] =	ssyncset.done $0x0  }
0x241: {  	[sflag:s2] =	ssyncadd.s32 $0xFFFF6000  }
0x242: {  	_ =	swait.ge [sflag:s14], $0x2800  }
0x243: {  	[sflag:s14] =	ssyncset.done $0x0  }
0x244: {  	[sflag:s14] =	ssyncadd.s32 $0xFFFFD800  }
0x245: {  	_ =	swait.ge [sflag:s14], $0x2800  }
0x246: {  	[sflag:s14] =	ssyncset.done $0x0  }
0x247: {  	[sflag:s14] =	ssyncadd.s32 $0xFFFFD800  }
0x248: {  	_ =	swait.ge [sflag:s14], $0x2800  }
0x249: {  	[sflag:s14] =	ssyncset.done $0x0  }
0x24a: {  	[sflag:s14] =	ssyncadd.s32 $0xFFFFD800  }
0x24b: {  	_ =	swait.ge [sflag:s14], $0x2800  }
0x24c: {  	s29 =	sld [smem:$0x7FC]  }
0x24d: {  	[sflag:s14] =	ssyncset.done $0x0  }
0x24e: {  	[sflag:s14] =	ssyncadd.s32 $0xFFFFD800  }
0x24f: {  	[hbm4b:s29+s12] =	stream.strided.scatter [tilespmem:s7], [sflag:$0x3], $0xA000, s13, s12, $0x38;
	[tilespmem:$0x16C00] =	vst v63  }
0x250: {  	_ =	swait.ge [sflag:s2], $0xA000  }
0x251: {  	s30 =	sld [smem:$0x7F6]  }
0x252: {  	s31 =	sld [smem:$0x7FD];
	_ =	sdelay $0x1  }
0x253: {  	s1 =	sadd.s32 $0x1, s30  }
0x254: {  	p0 =	sne.s32 s1, s31  }
.Ltmp2:
0x255: {  	_ = 	snop;
	(pc) =	sbr.rel @p0 .LBB2_1-.Ltmp2, $3  }
0x256: {  	_ =	sdelay $0x1  }
0x257: {  	[sflag:s2] =	ssyncset.done $0x0  }
0x258: {  	[sflag:s2] =	ssyncadd.s32 $0xFFFF6000  }
0x259: {  	_ =	sfence.sel $0x180000  }
0x25a: {  	[bflag:$0x0] =	sbarrier.arrive $0xFFFF  }
0x25b: {  	_ =	strace $0x90000047  }
0x25c: {  	s0 =	stileid.u32;
	[bflag:$0x2] =	sbarrier.arrive $0xFFFF  }
0x25d: {  	p0 =	sne.s32 s0, $0x0;
	s0 =	rddreg [dreg:$0x2]  }
0x25e: {  	s0 =	sadd.s32 @!p0 $0x100000, s0  }
0x25f: {  	[sflag:s0] =	ssyncadd.tile.s32 @!p0 $0x1;
	_ =	shalt  }
.Lfunc_end2:
_tile_overlayer_lowered:
.L_overlay_start_2:
0x260: {  	(tag) =	ssettag $0x2  }
0x261: {  	s0 =	rddreg [dreg:$0x0];
	s2 =	stileid.u32  }
0x262: {  	s1 =	rddreg [dreg:$0x1];
	p0 =	sne.s32 s2, $0x0  }
0x263: {  	s3 =	rddreg [dreg:$0x2];
	[bflag:$0x3] =	sbarrier.arrive $0xFFFF;
	s2 =	simm.s32 @!p0 $0x1C03  }
0x264: {  	[timem:s3], [sflag:s2] =	dma.local @!p0 [hbm:s0], s1  }
0x265: {  	s0 =	simm.s32 @!p0 $0x3  }
0x266: {  	_ =	swait.ge @!p0 [sflag:s0], s1  }
0x267: {  	s1 =	ssub.s32 @!p0 $0x0, s1;
	[sflag:s0] =	ssyncset.done @!p0 $0x0  }
0x268: {  	[sflag:s0] =	ssyncadd.s32 @!p0 s1  }
0x269: {  	[bflag:$0x3] =	sbarrier.arrive $0xFFFF  }
0x26a: {  	_ =	shalt  }

</sc_bundles>
